<compile_context>
chip_gen: v7x
topology: tpu7x:2x2x1
jax: 0.10.2.dev20260603
libtpu: 0.0.44.dev20260713+nightly
codegen_flags: <defaults>
</compile_context>

<pallas_src>
import functools
import math

import jax
import jax.numpy as jnp
from jax import lax
from jax.experimental import pallas as pl
from jax.experimental.pallas import tpu as pltpu
from jax.experimental.pallas import tpu_sc as plsc

L = 16
NC = 2
NS = 16
NW = NC * NS
C = 48
NB = 3
ZR = 80


def _proj_body(x_ref, w_ref, asrc_ref, adst_ref, h_ref, as_ref, ad_ref):
    x = x_ref[...]
    h = jnp.dot(x, w_ref[...], preferred_element_type=jnp.float32)
    h_ref[...] = h
    as_ref[...] = jnp.sum(h * asrc_ref[...], axis=1)
    ad_ref[...] = jnp.sum(h * adst_ref[...], axis=1)


def _gat_body(n_nodes, n_edges, cpt,
              h_hbm, src_hbm, dst_hbm, asrc_hbm, adst_hbm,
              out_hbm, den_hbm,
              acc, asrc_t, adst_t, den_t,
              src_v0, src_v1, src_v2, dst_v0, dst_v1, dst_v2,
              dsc_v0, dsc_v1, dsc_v2, w_v0, w_v1, w_v2,
              rows_v0, rows_v1, rows_v2,
              sem_i0, sem_i1, sem_i2, sem_r0, sem_r1, sem_r2,
              sem_s0, sem_s1, sem_s2):
    d = h_hbm.shape[1]
    cid = lax.axis_index("c")
    sid = lax.axis_index("s")
    wid = sid * NC + cid
    nblk = n_nodes // ZR

    def dzero(i, _):
        den_t[0, pl.ds(i * L, L)] = jnp.zeros((L,), jnp.float32)
        return 0
    lax.fori_loop(0, n_nodes // L, dzero, 0)

    def zrow(r, _):
        for j in range(d // L):
            rows_v0[r, pl.ds(j * L, L)] = jnp.zeros((L,), jnp.float32)
        return 0
    lax.fori_loop(0, C, zrow, 0)
    izblk = n_nodes // C
    izrem = n_nodes - izblk * C
    for k in range((izblk + NS - 1) // NS):
        cb = k * NS + sid

        @pl.when(cb < izblk)
        def _():
            pltpu.sync_copy(rows_v0, acc.at[pl.ds(cb * C, C)])
    if izrem:
        @pl.when(sid == 0)
        def _():
            pltpu.sync_copy(rows_v0.at[pl.ds(0, izrem)],
                            acc.at[pl.ds(izblk * C, izrem)])

    pltpu.sync_copy(asrc_hbm, asrc_t)
    pltpu.sync_copy(adst_hbm, adst_t)
    plsc.subcore_barrier()

    srcs = (src_v0, src_v1, src_v2)
    dsts = (dst_v0, dst_v1, dst_v2)
    dstscs = (dsc_v0, dsc_v1, dsc_v2)
    ws = (w_v0, w_v1, w_v2)
    rows = (rows_v0, rows_v1, rows_v2)
    sem_idx = (sem_i0, sem_i1, sem_i2)
    sem_row = (sem_r0, sem_r1, sem_r2)
    sem_sc = (sem_s0, sem_s1, sem_s2)
    zero16 = jnp.zeros((L,), jnp.int32)

    def idx_start(t, b):
        base = (wid * cpt + t) * C
        pltpu.async_copy(src_hbm.at[pl.ds(base, C)], srcs[b], sem_idx[b])
        pltpu.async_copy(dst_hbm.at[pl.ds(base, C)], dsts[b], sem_idx[b])

    def idx_wait(t, b):
        base = (wid * cpt + t) * C
        pltpu.make_async_copy(src_hbm.at[pl.ds(base, C)], srcs[b],
                              sem_idx[b]).wait()
        pltpu.make_async_copy(dst_hbm.at[pl.ds(base, C)], dsts[b],
                              sem_idx[b]).wait()

    def compw(t, b):
        base = (wid * cpt + t) * C

        def grp(g, _):
            sidx = srcs[b][pl.ds(g * L, L)]
            didx = dsts[b][pl.ds(g * L, L)]
            al = (plsc.load_gather(asrc_t, [sidx])
                  + plsc.load_gather(adst_t, [didx]))
            al = jnp.where(al > 0, al, 0.2 * al)
            eid = base + g * L + lax.iota(jnp.int32, L)
            w = jnp.where(eid < n_edges, jnp.exp(al), 0.0)
            ws[b][pl.ds(g * L, L)] = w
            plsc.addupdate_scatter(den_t, [zero16, didx], w)
            return 0
        lax.fori_loop(0, C // L, grp, 0)

    def stage(t, b, n2):
        @pl.when(t + 2 < cpt)
        def _():
            idx_wait(t + 2, n2)
            compw(t + 2, n2)

        pltpu.make_async_copy(h_hbm.at[srcs[b]], rows[b],
                              sem_row[b]).wait()

        for g in range(C // L):
            dstscs[b][pl.ds(g * L, L)] = dsts[b][pl.ds(g * L, L)]

        @pl.when(t + 3 < cpt)
        def _():
            idx_start(t + 3, b)

        @pl.when((t >= 1) & (t + 2 < cpt))
        def _():
            pltpu.make_async_copy(rows[n2], acc.at[dstscs[n2]],
                                  sem_sc[n2]).wait()

        @pl.when(t + 2 < cpt)
        def _():
            pltpu.async_copy(h_hbm.at[srcs[n2]], rows[n2], sem_row[n2])

        @plsc.parallel_loop(0, C, 1, unroll=8)
        def _(e):
            wv = plsc.load_gather(ws[b], [jnp.full((L,), e, jnp.int32)])
            for j in range(d // L):
                rows[b][e, pl.ds(j * L, L)] = (
                    rows[b][e, pl.ds(j * L, L)] * wv)

        pltpu.async_copy(rows[b], acc.at[dstscs[b]], sem_sc[b], add=True)

    idx_start(0, 0)
    idx_wait(0, 0)
    compw(0, 0)
    pltpu.async_copy(h_hbm.at[srcs[0]], rows[0], sem_row[0])
    idx_start(1, 1)
    idx_wait(1, 1)
    compw(1, 1)
    pltpu.async_copy(h_hbm.at[srcs[1]], rows[1], sem_row[1])
    idx_start(2, 2)

    def trio(i, _):
        stage(i * 3, 0, 2)
        stage(i * 3 + 1, 1, 0)
        stage(i * 3 + 2, 2, 1)
        return 0
    lax.fori_loop(0, cpt // NB, trio, 0)

    pltpu.make_async_copy(rows[0], acc.at[dstscs[0]], sem_sc[0]).wait()
    pltpu.make_async_copy(rows[1], acc.at[dstscs[1]], sem_sc[1]).wait()
    pltpu.make_async_copy(rows[2], acc.at[dstscs[2]], sem_sc[2]).wait()
    plsc.subcore_barrier()

    pltpu.sync_copy(den_t, den_hbm.at[wid])
    for k in range((nblk + NS - 1) // NS):
        cb = k * NS + sid

        @pl.when(cb < nblk)
        def _():
            r0 = cb * ZR
            pltpu.sync_copy(acc.at[pl.ds(r0, ZR)],
                            out_hbm.at[cid, pl.ds(r0, ZR)])


def _fin_body(acc_ref, den_ref, x_ref, b_ref, p_ref, o_ref):
    s = acc_ref[0] + acc_ref[1]
    den = jnp.sum(den_ref[...], axis=0)
    o = s / den[:, None] + b_ref[...]
    p = p_ref[0, 0]
    o = jnp.where(o > 0, o, p * o)
    o_ref[...] = o + x_ref[...]


def kernel(x, edge_index, W, att_src, att_dst, bias, prelu_w):
    n, d = x.shape
    e_in = edge_index.shape[1]
    e2 = e_in + n
    cpt = math.ceil(e2 / (NW * C))
    cpt = NB * math.ceil(cpt / NB)
    ep = NW * cpt * C

    loop = jnp.arange(n, dtype=edge_index.dtype)
    zpad = jnp.zeros((ep - e2,), edge_index.dtype)
    src = jnp.concatenate([edge_index[0], loop, zpad])
    dst = jnp.concatenate([edge_index[1], loop, zpad])

    h, a_src_n, a_dst_n = pl.pallas_call(
        _proj_body,
        out_shape=(jax.ShapeDtypeStruct((n, d), jnp.float32),
                   jax.ShapeDtypeStruct((n,), jnp.float32),
                   jax.ShapeDtypeStruct((n,), jnp.float32)),
    )(x, W, att_src, att_dst)

    mesh = plsc.VectorSubcoreMesh(core_axis_name="c", subcore_axis_name="s")
    acc2, den2 = pl.kernel(
        functools.partial(_gat_body, n, e2, cpt),
        out_type=(jax.ShapeDtypeStruct((NC, n, d), jnp.float32),
                  jax.ShapeDtypeStruct((NW, 1, n), jnp.float32)),
        mesh=mesh,
        compiler_params=pltpu.CompilerParams(needs_layout_passes=False),
        scratch_types=[
            pltpu.VMEM_SHARED((n, d), jnp.float32),
            pltpu.VMEM((n,), jnp.float32),
            pltpu.VMEM((n,), jnp.float32),
            pltpu.VMEM((1, n), jnp.float32),
            pltpu.VMEM((C,), jnp.int32),
            pltpu.VMEM((C,), jnp.int32),
            pltpu.VMEM((C,), jnp.int32),
            pltpu.VMEM((C,), jnp.int32),
            pltpu.VMEM((C,), jnp.int32),
            pltpu.VMEM((C,), jnp.int32),
            pltpu.VMEM((C,), jnp.int32),
            pltpu.VMEM((C,), jnp.int32),
            pltpu.VMEM((C,), jnp.int32),
            pltpu.VMEM((C,), jnp.float32),
            pltpu.VMEM((C,), jnp.float32),
            pltpu.VMEM((C,), jnp.float32),
            pltpu.VMEM((C, d), jnp.float32),
            pltpu.VMEM((C, d), jnp.float32),
            pltpu.VMEM((C, d), jnp.float32),
            pltpu.SemaphoreType.DMA,
            pltpu.SemaphoreType.DMA,
            pltpu.SemaphoreType.DMA,
            pltpu.SemaphoreType.DMA,
            pltpu.SemaphoreType.DMA,
            pltpu.SemaphoreType.DMA,
            pltpu.SemaphoreType.DMA,
            pltpu.SemaphoreType.DMA,
            pltpu.SemaphoreType.DMA,
        ],
    )(h, src, dst, a_src_n, a_dst_n)

    blk = 512
    grid = math.ceil(n / blk)
    out = pl.pallas_call(
        _fin_body,
        grid=(grid,),
        in_specs=[
            pl.BlockSpec((2, blk, d), lambda i: (0, i, 0)),
            pl.BlockSpec((NW, blk), lambda i: (0, i)),
            pl.BlockSpec((blk, d), lambda i: (i, 0)),
            pl.BlockSpec((1, d), lambda i: (0, 0)),
            pl.BlockSpec((1, 1), lambda i: (0, 0)),
        ],
        out_specs=pl.BlockSpec((blk, d), lambda i: (i, 0)),
        out_shape=jax.ShapeDtypeStruct((n, d), jnp.float32),
    )(acc2, den2.reshape(NW, n), x, bias.reshape(1, d),
      prelu_w.reshape(1, 1))
    return out

# --- scband reference (transcript-rebuilt; emitter-appended) ---
"""Pipeline reference for scband-gatresidual-block-24369644437898 (READ-ONLY COPY).

The authoritative reference and input builder live on the scoring server;
editing this copy changes nothing except your own understanding.
"""

import jax, jax.numpy as jnp
import numpy as np

N = 10000
E = 320000
D = 128


def setup_inputs(seed: int = 0) -> dict:
    key = jax.random.key(seed)
    ks = jax.random.split(key, 6)
    x = jax.random.normal(ks[0], (N, D), dtype=jnp.float32)
    edge_index = jax.random.randint(ks[1], (2, E), 0, N, dtype=jnp.int32)
    # GATConv params: heads=1, concat=False -> out_dim = 128
    W = jax.random.normal(ks[2], (D, D), dtype=jnp.float32) * (1.0 / np.sqrt(D))
    att_src = jax.random.normal(ks[3], (D,), dtype=jnp.float32) * (1.0 / np.sqrt(D))
    att_dst = jax.random.normal(ks[4], (D,), dtype=jnp.float32) * (1.0 / np.sqrt(D))
    bias = jnp.zeros((D,), dtype=jnp.float32)
    prelu_w = jnp.array([0.25], dtype=jnp.float32)  # nn.PReLU default single weight
    return {"x": x, "edge_index": edge_index, "W": W, "att_src": att_src,
            "att_dst": att_dst, "bias": bias, "prelu_w": prelu_w}


def reference(x, edge_index, W, att_src, att_dst, bias, prelu_w):
    # GATResidualBlock.forward in eval mode (dropouts are no-ops), norm='none',
    # heads=1 (concat=False), use_residual=True with in_channels == out_dim
    Nn = x.shape[0]
    src = edge_index[0]
    dst = edge_index[1]
    # PyG GATConv adds self-loops by default
    loop = jnp.arange(Nn, dtype=src.dtype)
    src = jnp.concatenate([src, loop])
    dst = jnp.concatenate([dst, loop])
    # linear projection
    h = x @ W  # [N, D]
    # attention logits per node (single head)
    a_src = h @ att_src  # [N]
    a_dst = h @ att_dst  # [N]
    alpha = a_src[src] + a_dst[dst]  # gather per edge
    alpha = jnp.where(alpha > 0, alpha, 0.2 * alpha)  # leaky_relu(0.2)
    # softmax over incoming edges of each dst node (segment softmax)
    amax = jax.ops.segment_max(alpha, dst, num_segments=Nn)
    alpha = jnp.exp(alpha - amax[dst])
    denom = jax.ops.segment_sum(alpha, dst, num_segments=Nn)
    alpha = alpha / (denom[dst] + 1e-16)
    # weighted message aggregation (scatter-add over dst)
    out = jax.ops.segment_sum(h[src] * alpha[:, None], dst, num_segments=Nn)
    out = out + bias
    # PReLU activation
    out = jnp.where(out > 0, out, prelu_w * out)
    # residual connection (identity, no transform since dims match)
    out = out + x
    return out

if __name__ == "__main__":
    import jax
    _d = setup_inputs()
    print(jax.jit(kernel)(*tuple(_d.values())))

</pallas_src>

<mosaic_0001>
#map = affine_map<(d0, d1) -> (0, 0)>
#map1 = affine_map<(d0, d1) -> (0)>
#map2 = affine_map<(d0, d1) -> (0, 0, 0)>
module attributes {stable_mosaic.version = 14 : i64} {
  func.func @_gat_body(%arg0: i32, %arg1: i32, %arg2: memref<10000x128xf32, #tpu.memory_space<hbm>>, %arg3: memref<331776xi32, #tpu.memory_space<hbm>>, %arg4: memref<331776xi32, #tpu.memory_space<hbm>>, %arg5: memref<10000xf32, #tpu.memory_space<hbm>>, %arg6: memref<10000xf32, #tpu.memory_space<hbm>>, %arg7: memref<2x10000x128xf32, #tpu.memory_space<hbm>>, %arg8: memref<32x1x10000xf32, #tpu.memory_space<hbm>>, %arg9: memref<10000x128xf32, #tpu.memory_space<vmem_shared>>, %arg10: memref<10000xf32, #tpu.memory_space<vmem>>, %arg11: memref<10000xf32, #tpu.memory_space<vmem>>, %arg12: memref<1x10000xf32, #tpu.memory_space<vmem>>, %arg13: memref<48xi32, #tpu.memory_space<vmem>>, %arg14: memref<48xi32, #tpu.memory_space<vmem>>, %arg15: memref<48xi32, #tpu.memory_space<vmem>>, %arg16: memref<48xi32, #tpu.memory_space<vmem>>, %arg17: memref<48xi32, #tpu.memory_space<vmem>>, %arg18: memref<48xi32, #tpu.memory_space<vmem>>, %arg19: memref<48xi32, #tpu.memory_space<vmem>>, %arg20: memref<48xi32, #tpu.memory_space<vmem>>, %arg21: memref<48xi32, #tpu.memory_space<vmem>>, %arg22: memref<48xf32, #tpu.memory_space<vmem>>, %arg23: memref<48xf32, #tpu.memory_space<vmem>>, %arg24: memref<48xf32, #tpu.memory_space<vmem>>, %arg25: memref<48x128xf32, #tpu.memory_space<vmem>>, %arg26: memref<48x128xf32, #tpu.memory_space<vmem>>, %arg27: memref<48x128xf32, #tpu.memory_space<vmem>>, %arg28: memref<!tpu.dma_semaphore, #tpu.memory_space<semaphore_mem>>, %arg29: memref<!tpu.dma_semaphore, #tpu.memory_space<semaphore_mem>>, %arg30: memref<!tpu.dma_semaphore, #tpu.memory_space<semaphore_mem>>, %arg31: memref<!tpu.dma_semaphore, #tpu.memory_space<semaphore_mem>>, %arg32: memref<!tpu.dma_semaphore, #tpu.memory_space<semaphore_mem>>, %arg33: memref<!tpu.dma_semaphore, #tpu.memory_space<semaphore_mem>>, %arg34: memref<!tpu.dma_semaphore, #tpu.memory_space<semaphore_mem>>, %arg35: memref<!tpu.dma_semaphore, #tpu.memory_space<semaphore_mem>>, %arg36: memref<!tpu.dma_semaphore, #tpu.memory_space<semaphore_mem>>) attributes {dimension_semantics = [#tpu.dimension_semantics<core_parallel>, #tpu.dimension_semantics<subcore_parallel>], iteration_bounds = array<i64: 2, 16>, scalar_prefetch = 0 : i64, scratch_operands = 28 : i64, tpu.core_type = #tpu.core_type<sc_vector_subcore>, window_params = [{transform_indices = #map}, {transform_indices = #map1}, {transform_indices = #map1}, {transform_indices = #map1}, {transform_indices = #map1}, {transform_indices = #map2}, {transform_indices = #map2}]} {
    %mul3A = arith.constant 2 : i32
    %mul3A_0 = arith.muli %arg1, %mul3A : i32
    %add3A = arith.addi %mul3A_0, %arg0 : i32
    %scan3A = arith.constant 0 : i32
    %scan3A_1 = arith.constant 0 : i32
    %scan3A_2 = arith.constant 625 : i32
    %scan3A_3 = arith.addi %scan3A_1, %scan3A_2 : i32
    %scan3A_4 = arith.constant 1 : i32
    %scan3A_5 = scf.for %scan3A_260 = %scan3A_1 to %scan3A_3 step %scan3A_4 iter_args(%scan3A_261 = %scan3A) -> (i32)  : i32 {
      %broadcast_in_dim3A_262 = arith.constant 0.000000e+00 : f32
      %broadcast_in_dim3A_263 = vector.broadcast %broadcast_in_dim3A_262 : f32 to vector<16xf32>
      %mul3A_264 = arith.constant 16 : i32
      %mul3A_265 = arith.muli %scan3A_260, %mul3A_264 : i32
      %swap3A = arith.constant 0 : i32
      %swap3A_266 = arith.index_cast %swap3A : i32 to index
      %swap3A_267 = arith.index_cast %mul3A_265 : i32 to index
      %swap3A_268 = tpu.vector_load %arg12[%swap3A_266, %swap3A_267] {strides = array<i32>} : memref<1x10000xf32, #tpu.memory_space<vmem>>, vector<16xf32>,
      tpu.vector_store %arg12[%swap3A_266, %swap3A_267], %broadcast_in_dim3A_263 {strides = array<i32>} : memref<1x10000xf32, #tpu.memory_space<vmem>>, vector<16xf32>,
      %scan3A_269 = arith.constant 0 : i32
      scf.yield %scan3A_269 : i32
    }
    %scan3A_6 = arith.constant 625 : i32
    %scan3A_7 = arith.constant 0 : i32
    %scan3A_8 = arith.constant 0 : i32
    %scan3A_9 = arith.constant 48 : i32
    %scan3A_10 = arith.addi %scan3A_8, %scan3A_9 : i32
    %scan3A_11 = arith.constant 1 : i32
    %scan3A_12 = scf.for %scan3A_260 = %scan3A_8 to %scan3A_10 step %scan3A_11 iter_args(%scan3A_261 = %scan3A_7) -> (i32)  : i32 {
      %broadcast_in_dim3A_262 = arith.constant 0.000000e+00 : f32
      %broadcast_in_dim3A_263 = vector.broadcast %broadcast_in_dim3A_262 : f32 to vector<16xf32>
      %swap3A = arith.index_cast %scan3A_260 : i32 to index
      %swap3A_264 = arith.constant 0 : index
      %swap3A_265 = tpu.vector_load %arg25[%swap3A, %swap3A_264] {strides = array<i32>} : memref<48x128xf32, #tpu.memory_space<vmem>>, vector<16xf32>,
      tpu.vector_store %arg25[%swap3A, %swap3A_264], %broadcast_in_dim3A_263 {strides = array<i32>} : memref<48x128xf32, #tpu.memory_space<vmem>>, vector<16xf32>,
      %broadcast_in_dim3A_266 = arith.constant 0.000000e+00 : f32
      %broadcast_in_dim3A_267 = vector.broadcast %broadcast_in_dim3A_266 : f32 to vector<16xf32>
      %swap3A_268 = arith.index_cast %scan3A_260 : i32 to index
      %swap3A_269 = arith.constant 16 : index
      %swap3A_270 = tpu.vector_load %arg25[%swap3A_268, %swap3A_269] {strides = array<i32>} : memref<48x128xf32, #tpu.memory_space<vmem>>, vector<16xf32>,
      tpu.vector_store %arg25[%swap3A_268, %swap3A_269], %broadcast_in_dim3A_267 {strides = array<i32>} : memref<48x128xf32, #tpu.memory_space<vmem>>, vector<16xf32>,
      %broadcast_in_dim3A_271 = arith.constant 0.000000e+00 : f32
      %broadcast_in_dim3A_272 = vector.broadcast %broadcast_in_dim3A_271 : f32 to vector<16xf32>
      %swap3A_273 = arith.index_cast %scan3A_260 : i32 to index
      %swap3A_274 = arith.constant 32 : index
      %swap3A_275 = tpu.vector_load %arg25[%swap3A_273, %swap3A_274] {strides = array<i32>} : memref<48x128xf32, #tpu.memory_space<vmem>>, vector<16xf32>,
      tpu.vector_store %arg25[%swap3A_273, %swap3A_274], %broadcast_in_dim3A_272 {strides = array<i32>} : memref<48x128xf32, #tpu.memory_space<vmem>>, vector<16xf32>,
      %broadcast_in_dim3A_276 = arith.constant 0.000000e+00 : f32
      %broadcast_in_dim3A_277 = vector.broadcast %broadcast_in_dim3A_276 : f32 to vector<16xf32>
      %swap3A_278 = arith.index_cast %scan3A_260 : i32 to index
      %swap3A_279 = arith.constant 48 : index
      %swap3A_280 = tpu.vector_load %arg25[%swap3A_278, %swap3A_279] {strides = array<i32>} : memref<48x128xf32, #tpu.memory_space<vmem>>, vector<16xf32>,
      tpu.vector_store %arg25[%swap3A_278, %swap3A_279], %broadcast_in_dim3A_277 {strides = array<i32>} : memref<48x128xf32, #tpu.memory_space<vmem>>, vector<16xf32>,
      %broadcast_in_dim3A_281 = arith.constant 0.000000e+00 : f32
      %broadcast_in_dim3A_282 = vector.broadcast %broadcast_in_dim3A_281 : f32 to vector<16xf32>
      %swap3A_283 = arith.index_cast %scan3A_260 : i32 to index
      %swap3A_284 = arith.constant 64 : index
      %swap3A_285 = tpu.vector_load %arg25[%swap3A_283, %swap3A_284] {strides = array<i32>} : memref<48x128xf32, #tpu.memory_space<vmem>>, vector<16xf32>,
      tpu.vector_store %arg25[%swap3A_283, %swap3A_284], %broadcast_in_dim3A_282 {strides = array<i32>} : memref<48x128xf32, #tpu.memory_space<vmem>>, vector<16xf32>,
      %broadcast_in_dim3A_286 = arith.constant 0.000000e+00 : f32
      %broadcast_in_dim3A_287 = vector.broadcast %broadcast_in_dim3A_286 : f32 to vector<16xf32>
      %swap3A_288 = arith.index_cast %scan3A_260 : i32 to index
      %swap3A_289 = arith.constant 80 : index
      %swap3A_290 = tpu.vector_load %arg25[%swap3A_288, %swap3A_289] {strides = array<i32>} : memref<48x128xf32, #tpu.memory_space<vmem>>, vector<16xf32>,
      tpu.vector_store %arg25[%swap3A_288, %swap3A_289], %broadcast_in_dim3A_287 {strides = array<i32>} : memref<48x128xf32, #tpu.memory_space<vmem>>, vector<16xf32>,
      %broadcast_in_dim3A_291 = arith.constant 0.000000e+00 : f32
      %broadcast_in_dim3A_292 = vector.broadcast %broadcast_in_dim3A_291 : f32 to vector<16xf32>
      %swap3A_293 = arith.index_cast %scan3A_260 : i32 to index
      %swap3A_294 = arith.constant 96 : index
      %swap3A_295 = tpu.vector_load %arg25[%swap3A_293, %swap3A_294] {strides = array<i32>} : memref<48x128xf32, #tpu.memory_space<vmem>>, vector<16xf32>,
      tpu.vector_store %arg25[%swap3A_293, %swap3A_294], %broadcast_in_dim3A_292 {strides = array<i32>} : memref<48x128xf32, #tpu.memory_space<vmem>>, vector<16xf32>,
      %broadcast_in_dim3A_296 = arith.constant 0.000000e+00 : f32
      %broadcast_in_dim3A_297 = vector.broadcast %broadcast_in_dim3A_296 : f32 to vector<16xf32>
      %swap3A_298 = arith.index_cast %scan3A_260 : i32 to index
      %swap3A_299 = arith.constant 112 : index
      %swap3A_300 = tpu.vector_load %arg25[%swap3A_298, %swap3A_299] {strides = array<i32>} : memref<48x128xf32, #tpu.memory_space<vmem>>, vector<16xf32>,
      tpu.vector_store %arg25[%swap3A_298, %swap3A_299], %broadcast_in_dim3A_297 {strides = array<i32>} : memref<48x128xf32, #tpu.memory_space<vmem>>, vector<16xf32>,
      %scan3A_301 = arith.constant 0 : i32
      scf.yield %scan3A_301 : i32
    }
    %scan3A_13 = arith.constant 48 : i32
    %add3A_14 = arith.constant 0 : i32
    %add3A_15 = arith.addi %add3A_14, %arg1 : i32
    %lt3A = arith.constant 208 : i32
    %lt3A_16 = arith.cmpi slt, %add3A_15, %lt3A : i32
    %convert_element_type3A = arith.extui %lt3A_16 : i1 to i32
    %cond3A = arith.constant 0 : i32
    %cond3A_17 = arith.cmpi ne, %convert_element_type3A, %cond3A : i32
    scf.if %cond3A_17 {
      %mul3A_260 = arith.constant 48 : i32
      %mul3A_261 = arith.muli %add3A_15, %mul3A_260 : i32
      "tpu.region"() ({
        %run_scoped3A = tpu.sem_alloc : memref<!tpu.dma_semaphore, #tpu.memory_space<semaphore_mem>>
        %dma_start3A_262 = arith.constant 0 : i32
        %dma_start3A_263 = tpu.memref_slice %arg9[%mul3A_261, %dma_start3A_262] : memref<10000x128xf32, #tpu.memory_space<vmem_shared>> -> memref<48x128xf32, #tpu.memory_space<vmem_shared>>
        %dma_start3A_264 = arith.constant 0 : i32
        %dma_start3A_265 = tpu.memref_slice %arg9[%mul3A_261, %dma_start3A_264] : memref<10000x128xf32, #tpu.memory_space<vmem_shared>> -> memref<48x128xf32, #tpu.memory_space<vmem_shared>>
        tpu.enqueue_dma source(%arg25 : memref<48x128xf32, #tpu.memory_space<vmem>>) target(%dma_start3A_265 : memref<48x128xf32, #tpu.memory_space<vmem_shared>>) target_semaphore(%run_scoped3A : memref<!tpu.dma_semaphore, #tpu.memory_space<semaphore_mem>>)
        %dma_wait3A_266 = arith.constant 0 : i32
        %dma_wait3A_267 = tpu.memref_slice %arg9[%mul3A_261, %dma_wait3A_266] : memref<10000x128xf32, #tpu.memory_space<vmem_shared>> -> memref<48x128xf32, #tpu.memory_space<vmem_shared>>
        %dma_wait3A_268 = arith.constant 0 : i32
        %dma_wait3A_269 = tpu.memref_slice %arg9[%mul3A_261, %dma_wait3A_268] : memref<10000x128xf32, #tpu.memory_space<vmem_shared>> -> memref<48x128xf32, #tpu.memory_space<vmem_shared>>
        tpu.wait_dma2 semaphore(%run_scoped3A : memref<!tpu.dma_semaphore, #tpu.memory_space<semaphore_mem>>) src(%arg25 : memref<48x128xf32, #tpu.memory_space<vmem>>) dst(%dma_wait3A_269 : memref<48x128xf32, #tpu.memory_space<vmem_shared>>)
        tpu.yield
      }) : () -> ()
    } else {
    }
    %add3A_18 = arith.constant 16 : i32
    %add3A_19 = arith.addi %add3A_18, %arg1 : i32
    %lt3A_20 = arith.constant 208 : i32
    %lt3A_21 = arith.cmpi slt, %add3A_19, %lt3A_20 : i32
    %convert_element_type3A_22 = arith.extui %lt3A_21 : i1 to i32
    %cond3A_23 = arith.constant 0 : i32
    %cond3A_24 = arith.cmpi ne, %convert_element_type3A_22, %cond3A_23 : i32
    scf.if %cond3A_24 {
      %mul3A_260 = arith.constant 48 : i32
      %mul3A_261 = arith.muli %add3A_19, %mul3A_260 : i32
      "tpu.region"() ({
        %run_scoped3A = tpu.sem_alloc : memref<!tpu.dma_semaphore, #tpu.memory_space<semaphore_mem>>
        %dma_start3A_262 = arith.constant 0 : i32
        %dma_start3A_263 = tpu.memref_slice %arg9[%mul3A_261, %dma_start3A_262] : memref<10000x128xf32, #tpu.memory_space<vmem_shared>> -> memref<48x128xf32, #tpu.memory_space<vmem_shared>>
        %dma_start3A_264 = arith.constant 0 : i32
        %dma_start3A_265 = tpu.memref_slice %arg9[%mul3A_261, %dma_start3A_264] : memref<10000x128xf32, #tpu.memory_space<vmem_shared>> -> memref<48x128xf32, #tpu.memory_space<vmem_shared>>
        tpu.enqueue_dma source(%arg25 : memref<48x128xf32, #tpu.memory_space<vmem>>) target(%dma_start3A_265 : memref<48x128xf32, #tpu.memory_space<vmem_shared>>) target_semaphore(%run_scoped3A : memref<!tpu.dma_semaphore, #tpu.memory_space<semaphore_mem>>)
        %dma_wait3A_266 = arith.constant 0 : i32
        %dma_wait3A_267 = tpu.memref_slice %arg9[%mul3A_261, %dma_wait3A_266] : memref<10000x128xf32, #tpu.memory_space<vmem_shared>> -> memref<48x128xf32, #tpu.memory_space<vmem_shared>>
        %dma_wait3A_268 = arith.constant 0 : i32
        %dma_wait3A_269 = tpu.memref_slice %arg9[%mul3A_261, %dma_wait3A_268] : memref<10000x128xf32, #tpu.memory_space<vmem_shared>> -> memref<48x128xf32, #tpu.memory_space<vmem_shared>>
        tpu.wait_dma2 semaphore(%run_scoped3A : memref<!tpu.dma_semaphore, #tpu.memory_space<semaphore_mem>>) src(%arg25 : memref<48x128xf32, #tpu.memory_space<vmem>>) dst(%dma_wait3A_269 : memref<48x128xf32, #tpu.memory_space<vmem_shared>>)
        tpu.yield
      }) : () -> ()
    } else {
    }
    %add3A_25 = arith.constant 32 : i32
    %add3A_26 = arith.addi %add3A_25, %arg1 : i32
    %lt3A_27 = arith.constant 208 : i32
    %lt3A_28 = arith.cmpi slt, %add3A_26, %lt3A_27 : i32
    %convert_element_type3A_29 = arith.extui %lt3A_28 : i1 to i32
    %cond3A_30 = arith.constant 0 : i32
    %cond3A_31 = arith.cmpi ne, %convert_element_type3A_29, %cond3A_30 : i32
    scf.if %cond3A_31 {
      %mul3A_260 = arith.constant 48 : i32
      %mul3A_261 = arith.muli %add3A_26, %mul3A_260 : i32
      "tpu.region"() ({
        %run_scoped3A = tpu.sem_alloc : memref<!tpu.dma_semaphore, #tpu.memory_space<semaphore_mem>>
        %dma_start3A_262 = arith.constant 0 : i32
        %dma_start3A_263 = tpu.memref_slice %arg9[%mul3A_261, %dma_start3A_262] : memref<10000x128xf32, #tpu.memory_space<vmem_shared>> -> memref<48x128xf32, #tpu.memory_space<vmem_shared>>
        %dma_start3A_264 = arith.constant 0 : i32
        %dma_start3A_265 = tpu.memref_slice %arg9[%mul3A_261, %dma_start3A_264] : memref<10000x128xf32, #tpu.memory_space<vmem_shared>> -> memref<48x128xf32, #tpu.memory_space<vmem_shared>>
        tpu.enqueue_dma source(%arg25 : memref<48x128xf32, #tpu.memory_space<vmem>>) target(%dma_start3A_265 : memref<48x128xf32, #tpu.memory_space<vmem_shared>>) target_semaphore(%run_scoped3A : memref<!tpu.dma_semaphore, #tpu.memory_space<semaphore_mem>>)
        %dma_wait3A_266 = arith.constant 0 : i32
        %dma_wait3A_267 = tpu.memref_slice %arg9[%mul3A_261, %dma_wait3A_266] : memref<10000x128xf32, #tpu.memory_space<vmem_shared>> -> memref<48x128xf32, #tpu.memory_space<vmem_shared>>
        %dma_wait3A_268 = arith.constant 0 : i32
        %dma_wait3A_269 = tpu.memref_slice %arg9[%mul3A_261, %dma_wait3A_268] : memref<10000x128xf32, #tpu.memory_space<vmem_shared>> -> memref<48x128xf32, #tpu.memory_space<vmem_shared>>
        tpu.wait_dma2 semaphore(%run_scoped3A : memref<!tpu.dma_semaphore, #tpu.memory_space<semaphore_mem>>) src(%arg25 : memref<48x128xf32, #tpu.memory_space<vmem>>) dst(%dma_wait3A_269 : memref<48x128xf32, #tpu.memory_space<vmem_shared>>)
        tpu.yield
      }) : () -> ()
    } else {
    }
    %add3A_32 = arith.constant 48 : i32
    %add3A_33 = arith.addi %add3A_32, %arg1 : i32
    %lt3A_34 = arith.constant 208 : i32
    %lt3A_35 = arith.cmpi slt, %add3A_33, %lt3A_34 : i32
    %convert_element_type3A_36 = arith.extui %lt3A_35 : i1 to i32
    %cond3A_37 = arith.constant 0 : i32
    %cond3A_38 = arith.cmpi ne, %convert_element_type3A_36, %cond3A_37 : i32
    scf.if %cond3A_38 {
      %mul3A_260 = arith.constant 48 : i32
      %mul3A_261 = arith.muli %add3A_33, %mul3A_260 : i32
      "tpu.region"() ({
        %run_scoped3A = tpu.sem_alloc : memref<!tpu.dma_semaphore, #tpu.memory_space<semaphore_mem>>
        %dma_start3A_262 = arith.constant 0 : i32
        %dma_start3A_263 = tpu.memref_slice %arg9[%mul3A_261, %dma_start3A_262] : memref<10000x128xf32, #tpu.memory_space<vmem_shared>> -> memref<48x128xf32, #tpu.memory_space<vmem_shared>>
        %dma_start3A_264 = arith.constant 0 : i32
        %dma_start3A_265 = tpu.memref_slice %arg9[%mul3A_261, %dma_start3A_264] : memref<10000x128xf32, #tpu.memory_space<vmem_shared>> -> memref<48x128xf32, #tpu.memory_space<vmem_shared>>
        tpu.enqueue_dma source(%arg25 : memref<48x128xf32, #tpu.memory_space<vmem>>) target(%dma_start3A_265 : memref<48x128xf32, #tpu.memory_space<vmem_shared>>) target_semaphore(%run_scoped3A : memref<!tpu.dma_semaphore, #tpu.memory_space<semaphore_mem>>)
        %dma_wait3A_266 = arith.constant 0 : i32
        %dma_wait3A_267 = tpu.memref_slice %arg9[%mul3A_261, %dma_wait3A_266] : memref<10000x128xf32, #tpu.memory_space<vmem_shared>> -> memref<48x128xf32, #tpu.memory_space<vmem_shared>>
        %dma_wait3A_268 = arith.constant 0 : i32
        %dma_wait3A_269 = tpu.memref_slice %arg9[%mul3A_261, %dma_wait3A_268] : memref<10000x128xf32, #tpu.memory_space<vmem_shared>> -> memref<48x128xf32, #tpu.memory_space<vmem_shared>>
        tpu.wait_dma2 semaphore(%run_scoped3A : memref<!tpu.dma_semaphore, #tpu.memory_space<semaphore_mem>>) src(%arg25 : memref<48x128xf32, #tpu.memory_space<vmem>>) dst(%dma_wait3A_269 : memref<48x128xf32, #tpu.memory_space<vmem_shared>>)
        tpu.yield
      }) : () -> ()
    } else {
    }
    %add3A_39 = arith.constant 64 : i32
    %add3A_40 = arith.addi %add3A_39, %arg1 : i32
    %lt3A_41 = arith.constant 208 : i32
    %lt3A_42 = arith.cmpi slt, %add3A_40, %lt3A_41 : i32
    %convert_element_type3A_43 = arith.extui %lt3A_42 : i1 to i32
    %cond3A_44 = arith.constant 0 : i32
    %cond3A_45 = arith.cmpi ne, %convert_element_type3A_43, %cond3A_44 : i32
    scf.if %cond3A_45 {
      %mul3A_260 = arith.constant 48 : i32
      %mul3A_261 = arith.muli %add3A_40, %mul3A_260 : i32
      "tpu.region"() ({
        %run_scoped3A = tpu.sem_alloc : memref<!tpu.dma_semaphore, #tpu.memory_space<semaphore_mem>>
        %dma_start3A_262 = arith.constant 0 : i32
        %dma_start3A_263 = tpu.memref_slice %arg9[%mul3A_261, %dma_start3A_262] : memref<10000x128xf32, #tpu.memory_space<vmem_shared>> -> memref<48x128xf32, #tpu.memory_space<vmem_shared>>
        %dma_start3A_264 = arith.constant 0 : i32
        %dma_start3A_265 = tpu.memref_slice %arg9[%mul3A_261, %dma_start3A_264] : memref<10000x128xf32, #tpu.memory_space<vmem_shared>> -> memref<48x128xf32, #tpu.memory_space<vmem_shared>>
        tpu.enqueue_dma source(%arg25 : memref<48x128xf32, #tpu.memory_space<vmem>>) target(%dma_start3A_265 : memref<48x128xf32, #tpu.memory_space<vmem_shared>>) target_semaphore(%run_scoped3A : memref<!tpu.dma_semaphore, #tpu.memory_space<semaphore_mem>>)
        %dma_wait3A_266 = arith.constant 0 : i32
        %dma_wait3A_267 = tpu.memref_slice %arg9[%mul3A_261, %dma_wait3A_266] : memref<10000x128xf32, #tpu.memory_space<vmem_shared>> -> memref<48x128xf32, #tpu.memory_space<vmem_shared>>
        %dma_wait3A_268 = arith.constant 0 : i32
        %dma_wait3A_269 = tpu.memref_slice %arg9[%mul3A_261, %dma_wait3A_268] : memref<10000x128xf32, #tpu.memory_space<vmem_shared>> -> memref<48x128xf32, #tpu.memory_space<vmem_shared>>
        tpu.wait_dma2 semaphore(%run_scoped3A : memref<!tpu.dma_semaphore, #tpu.memory_space<semaphore_mem>>) src(%arg25 : memref<48x128xf32, #tpu.memory_space<vmem>>) dst(%dma_wait3A_269 : memref<48x128xf32, #tpu.memory_space<vmem_shared>>)
        tpu.yield
      }) : () -> ()
    } else {
    }
    %add3A_46 = arith.constant 80 : i32
    %add3A_47 = arith.addi %add3A_46, %arg1 : i32
    %lt3A_48 = arith.constant 208 : i32
    %lt3A_49 = arith.cmpi slt, %add3A_47, %lt3A_48 : i32
    %convert_element_type3A_50 = arith.extui %lt3A_49 : i1 to i32
    %cond3A_51 = arith.constant 0 : i32
    %cond3A_52 = arith.cmpi ne, %convert_element_type3A_50, %cond3A_51 : i32
    scf.if %cond3A_52 {
      %mul3A_260 = arith.constant 48 : i32
      %mul3A_261 = arith.muli %add3A_47, %mul3A_260 : i32
      "tpu.region"() ({
        %run_scoped3A = tpu.sem_alloc : memref<!tpu.dma_semaphore, #tpu.memory_space<semaphore_mem>>
        %dma_start3A_262 = arith.constant 0 : i32
        %dma_start3A_263 = tpu.memref_slice %arg9[%mul3A_261, %dma_start3A_262] : memref<10000x128xf32, #tpu.memory_space<vmem_shared>> -> memref<48x128xf32, #tpu.memory_space<vmem_shared>>
        %dma_start3A_264 = arith.constant 0 : i32
        %dma_start3A_265 = tpu.memref_slice %arg9[%mul3A_261, %dma_start3A_264] : memref<10000x128xf32, #tpu.memory_space<vmem_shared>> -> memref<48x128xf32, #tpu.memory_space<vmem_shared>>
        tpu.enqueue_dma source(%arg25 : memref<48x128xf32, #tpu.memory_space<vmem>>) target(%dma_start3A_265 : memref<48x128xf32, #tpu.memory_space<vmem_shared>>) target_semaphore(%run_scoped3A : memref<!tpu.dma_semaphore, #tpu.memory_space<semaphore_mem>>)
        %dma_wait3A_266 = arith.constant 0 : i32
        %dma_wait3A_267 = tpu.memref_slice %arg9[%mul3A_261, %dma_wait3A_266] : memref<10000x128xf32, #tpu.memory_space<vmem_shared>> -> memref<48x128xf32, #tpu.memory_space<vmem_shared>>
        %dma_wait3A_268 = arith.constant 0 : i32
        %dma_wait3A_269 = tpu.memref_slice %arg9[%mul3A_261, %dma_wait3A_268] : memref<10000x128xf32, #tpu.memory_space<vmem_shared>> -> memref<48x128xf32, #tpu.memory_space<vmem_shared>>
        tpu.wait_dma2 semaphore(%run_scoped3A : memref<!tpu.dma_semaphore, #tpu.memory_space<semaphore_mem>>) src(%arg25 : memref<48x128xf32, #tpu.memory_space<vmem>>) dst(%dma_wait3A_269 : memref<48x128xf32, #tpu.memory_space<vmem_shared>>)
        tpu.yield
      }) : () -> ()
    } else {
    }
    %add3A_53 = arith.constant 96 : i32
    %add3A_54 = arith.addi %add3A_53, %arg1 : i32
    %lt3A_55 = arith.constant 208 : i32
    %lt3A_56 = arith.cmpi slt, %add3A_54, %lt3A_55 : i32
    %convert_element_type3A_57 = arith.extui %lt3A_56 : i1 to i32
    %cond3A_58 = arith.constant 0 : i32
    %cond3A_59 = arith.cmpi ne, %convert_element_type3A_57, %cond3A_58 : i32
    scf.if %cond3A_59 {
      %mul3A_260 = arith.constant 48 : i32
      %mul3A_261 = arith.muli %add3A_54, %mul3A_260 : i32
      "tpu.region"() ({
        %run_scoped3A = tpu.sem_alloc : memref<!tpu.dma_semaphore, #tpu.memory_space<semaphore_mem>>
        %dma_start3A_262 = arith.constant 0 : i32
        %dma_start3A_263 = tpu.memref_slice %arg9[%mul3A_261, %dma_start3A_262] : memref<10000x128xf32, #tpu.memory_space<vmem_shared>> -> memref<48x128xf32, #tpu.memory_space<vmem_shared>>
        %dma_start3A_264 = arith.constant 0 : i32
        %dma_start3A_265 = tpu.memref_slice %arg9[%mul3A_261, %dma_start3A_264] : memref<10000x128xf32, #tpu.memory_space<vmem_shared>> -> memref<48x128xf32, #tpu.memory_space<vmem_shared>>
        tpu.enqueue_dma source(%arg25 : memref<48x128xf32, #tpu.memory_space<vmem>>) target(%dma_start3A_265 : memref<48x128xf32, #tpu.memory_space<vmem_shared>>) target_semaphore(%run_scoped3A : memref<!tpu.dma_semaphore, #tpu.memory_space<semaphore_mem>>)
        %dma_wait3A_266 = arith.constant 0 : i32
        %dma_wait3A_267 = tpu.memref_slice %arg9[%mul3A_261, %dma_wait3A_266] : memref<10000x128xf32, #tpu.memory_space<vmem_shared>> -> memref<48x128xf32, #tpu.memory_space<vmem_shared>>
        %dma_wait3A_268 = arith.constant 0 : i32
        %dma_wait3A_269 = tpu.memref_slice %arg9[%mul3A_261, %dma_wait3A_268] : memref<10000x128xf32, #tpu.memory_space<vmem_shared>> -> memref<48x128xf32, #tpu.memory_space<vmem_shared>>
        tpu.wait_dma2 semaphore(%run_scoped3A : memref<!tpu.dma_semaphore, #tpu.memory_space<semaphore_mem>>) src(%arg25 : memref<48x128xf32, #tpu.memory_space<vmem>>) dst(%dma_wait3A_269 : memref<48x128xf32, #tpu.memory_space<vmem_shared>>)
        tpu.yield
      }) : () -> ()
    } else {
    }
    %add3A_60 = arith.constant 112 : i32
    %add3A_61 = arith.addi %add3A_60, %arg1 : i32
    %lt3A_62 = arith.constant 208 : i32
    %lt3A_63 = arith.cmpi slt, %add3A_61, %lt3A_62 : i32
    %convert_element_type3A_64 = arith.extui %lt3A_63 : i1 to i32
    %cond3A_65 = arith.constant 0 : i32
    %cond3A_66 = arith.cmpi ne, %convert_element_type3A_64, %cond3A_65 : i32
    scf.if %cond3A_66 {
      %mul3A_260 = arith.constant 48 : i32
      %mul3A_261 = arith.muli %add3A_61, %mul3A_260 : i32
      "tpu.region"() ({
        %run_scoped3A = tpu.sem_alloc : memref<!tpu.dma_semaphore, #tpu.memory_space<semaphore_mem>>
        %dma_start3A_262 = arith.constant 0 : i32
        %dma_start3A_263 = tpu.memref_slice %arg9[%mul3A_261, %dma_start3A_262] : memref<10000x128xf32, #tpu.memory_space<vmem_shared>> -> memref<48x128xf32, #tpu.memory_space<vmem_shared>>
        %dma_start3A_264 = arith.constant 0 : i32
        %dma_start3A_265 = tpu.memref_slice %arg9[%mul3A_261, %dma_start3A_264] : memref<10000x128xf32, #tpu.memory_space<vmem_shared>> -> memref<48x128xf32, #tpu.memory_space<vmem_shared>>
        tpu.enqueue_dma source(%arg25 : memref<48x128xf32, #tpu.memory_space<vmem>>) target(%dma_start3A_265 : memref<48x128xf32, #tpu.memory_space<vmem_shared>>) target_semaphore(%run_scoped3A : memref<!tpu.dma_semaphore, #tpu.memory_space<semaphore_mem>>)
        %dma_wait3A_266 = arith.constant 0 : i32
        %dma_wait3A_267 = tpu.memref_slice %arg9[%mul3A_261, %dma_wait3A_266] : memref<10000x128xf32, #tpu.memory_space<vmem_shared>> -> memref<48x128xf32, #tpu.memory_space<vmem_shared>>
        %dma_wait3A_268 = arith.constant 0 : i32
        %dma_wait3A_269 = tpu.memref_slice %arg9[%mul3A_261, %dma_wait3A_268] : memref<10000x128xf32, #tpu.memory_space<vmem_shared>> -> memref<48x128xf32, #tpu.memory_space<vmem_shared>>
        tpu.wait_dma2 semaphore(%run_scoped3A : memref<!tpu.dma_semaphore, #tpu.memory_space<semaphore_mem>>) src(%arg25 : memref<48x128xf32, #tpu.memory_space<vmem>>) dst(%dma_wait3A_269 : memref<48x128xf32, #tpu.memory_space<vmem_shared>>)
        tpu.yield
      }) : () -> ()
    } else {
    }
    %add3A_67 = arith.constant 128 : i32
    %add3A_68 = arith.addi %add3A_67, %arg1 : i32
    %lt3A_69 = arith.constant 208 : i32
    %lt3A_70 = arith.cmpi slt, %add3A_68, %lt3A_69 : i32
    %convert_element_type3A_71 = arith.extui %lt3A_70 : i1 to i32
    %cond3A_72 = arith.constant 0 : i32
    %cond3A_73 = arith.cmpi ne, %convert_element_type3A_71, %cond3A_72 : i32
    scf.if %cond3A_73 {
      %mul3A_260 = arith.constant 48 : i32
      %mul3A_261 = arith.muli %add3A_68, %mul3A_260 : i32
      "tpu.region"() ({
        %run_scoped3A = tpu.sem_alloc : memref<!tpu.dma_semaphore, #tpu.memory_space<semaphore_mem>>
        %dma_start3A_262 = arith.constant 0 : i32
        %dma_start3A_263 = tpu.memref_slice %arg9[%mul3A_261, %dma_start3A_262] : memref<10000x128xf32, #tpu.memory_space<vmem_shared>> -> memref<48x128xf32, #tpu.memory_space<vmem_shared>>
        %dma_start3A_264 = arith.constant 0 : i32
        %dma_start3A_265 = tpu.memref_slice %arg9[%mul3A_261, %dma_start3A_264] : memref<10000x128xf32, #tpu.memory_space<vmem_shared>> -> memref<48x128xf32, #tpu.memory_space<vmem_shared>>
        tpu.enqueue_dma source(%arg25 : memref<48x128xf32, #tpu.memory_space<vmem>>) target(%dma_start3A_265 : memref<48x128xf32, #tpu.memory_space<vmem_shared>>) target_semaphore(%run_scoped3A : memref<!tpu.dma_semaphore, #tpu.memory_space<semaphore_mem>>)
        %dma_wait3A_266 = arith.constant 0 : i32
        %dma_wait3A_267 = tpu.memref_slice %arg9[%mul3A_261, %dma_wait3A_266] : memref<10000x128xf32, #tpu.memory_space<vmem_shared>> -> memref<48x128xf32, #tpu.memory_space<vmem_shared>>
        %dma_wait3A_268 = arith.constant 0 : i32
        %dma_wait3A_269 = tpu.memref_slice %arg9[%mul3A_261, %dma_wait3A_268] : memref<10000x128xf32, #tpu.memory_space<vmem_shared>> -> memref<48x128xf32, #tpu.memory_space<vmem_shared>>
        tpu.wait_dma2 semaphore(%run_scoped3A : memref<!tpu.dma_semaphore, #tpu.memory_space<semaphore_mem>>) src(%arg25 : memref<48x128xf32, #tpu.memory_space<vmem>>) dst(%dma_wait3A_269 : memref<48x128xf32, #tpu.memory_space<vmem_shared>>)
        tpu.yield
      }) : () -> ()
    } else {
    }
    %add3A_74 = arith.constant 144 : i32
    %add3A_75 = arith.addi %add3A_74, %arg1 : i32
    %lt3A_76 = arith.constant 208 : i32
    %lt3A_77 = arith.cmpi slt, %add3A_75, %lt3A_76 : i32
    %convert_element_type3A_78 = arith.extui %lt3A_77 : i1 to i32
    %cond3A_79 = arith.constant 0 : i32
    %cond3A_80 = arith.cmpi ne, %convert_element_type3A_78, %cond3A_79 : i32
    scf.if %cond3A_80 {
      %mul3A_260 = arith.constant 48 : i32
      %mul3A_261 = arith.muli %add3A_75, %mul3A_260 : i32
      "tpu.region"() ({
        %run_scoped3A = tpu.sem_alloc : memref<!tpu.dma_semaphore, #tpu.memory_space<semaphore_mem>>
        %dma_start3A_262 = arith.constant 0 : i32
        %dma_start3A_263 = tpu.memref_slice %arg9[%mul3A_261, %dma_start3A_262] : memref<10000x128xf32, #tpu.memory_space<vmem_shared>> -> memref<48x128xf32, #tpu.memory_space<vmem_shared>>
        %dma_start3A_264 = arith.constant 0 : i32
        %dma_start3A_265 = tpu.memref_slice %arg9[%mul3A_261, %dma_start3A_264] : memref<10000x128xf32, #tpu.memory_space<vmem_shared>> -> memref<48x128xf32, #tpu.memory_space<vmem_shared>>
        tpu.enqueue_dma source(%arg25 : memref<48x128xf32, #tpu.memory_space<vmem>>) target(%dma_start3A_265 : memref<48x128xf32, #tpu.memory_space<vmem_shared>>) target_semaphore(%run_scoped3A : memref<!tpu.dma_semaphore, #tpu.memory_space<semaphore_mem>>)
        %dma_wait3A_266 = arith.constant 0 : i32
        %dma_wait3A_267 = tpu.memref_slice %arg9[%mul3A_261, %dma_wait3A_266] : memref<10000x128xf32, #tpu.memory_space<vmem_shared>> -> memref<48x128xf32, #tpu.memory_space<vmem_shared>>
        %dma_wait3A_268 = arith.constant 0 : i32
        %dma_wait3A_269 = tpu.memref_slice %arg9[%mul3A_261, %dma_wait3A_268] : memref<10000x128xf32, #tpu.memory_space<vmem_shared>> -> memref<48x128xf32, #tpu.memory_space<vmem_shared>>
        tpu.wait_dma2 semaphore(%run_scoped3A : memref<!tpu.dma_semaphore, #tpu.memory_space<semaphore_mem>>) src(%arg25 : memref<48x128xf32, #tpu.memory_space<vmem>>) dst(%dma_wait3A_269 : memref<48x128xf32, #tpu.memory_space<vmem_shared>>)
        tpu.yield
      }) : () -> ()
    } else {
    }
    %add3A_81 = arith.constant 160 : i32
    %add3A_82 = arith.addi %add3A_81, %arg1 : i32
    %lt3A_83 = arith.constant 208 : i32
    %lt3A_84 = arith.cmpi slt, %add3A_82, %lt3A_83 : i32
    %convert_element_type3A_85 = arith.extui %lt3A_84 : i1 to i32
    %cond3A_86 = arith.constant 0 : i32
    %cond3A_87 = arith.cmpi ne, %convert_element_type3A_85, %cond3A_86 : i32
    scf.if %cond3A_87 {
      %mul3A_260 = arith.constant 48 : i32
      %mul3A_261 = arith.muli %add3A_82, %mul3A_260 : i32
      "tpu.region"() ({
        %run_scoped3A = tpu.sem_alloc : memref<!tpu.dma_semaphore, #tpu.memory_space<semaphore_mem>>
        %dma_start3A_262 = arith.constant 0 : i32
        %dma_start3A_263 = tpu.memref_slice %arg9[%mul3A_261, %dma_start3A_262] : memref<10000x128xf32, #tpu.memory_space<vmem_shared>> -> memref<48x128xf32, #tpu.memory_space<vmem_shared>>
        %dma_start3A_264 = arith.constant 0 : i32
        %dma_start3A_265 = tpu.memref_slice %arg9[%mul3A_261, %dma_start3A_264] : memref<10000x128xf32, #tpu.memory_space<vmem_shared>> -> memref<48x128xf32, #tpu.memory_space<vmem_shared>>
        tpu.enqueue_dma source(%arg25 : memref<48x128xf32, #tpu.memory_space<vmem>>) target(%dma_start3A_265 : memref<48x128xf32, #tpu.memory_space<vmem_shared>>) target_semaphore(%run_scoped3A : memref<!tpu.dma_semaphore, #tpu.memory_space<semaphore_mem>>)
        %dma_wait3A_266 = arith.constant 0 : i32
        %dma_wait3A_267 = tpu.memref_slice %arg9[%mul3A_261, %dma_wait3A_266] : memref<10000x128xf32, #tpu.memory_space<vmem_shared>> -> memref<48x128xf32, #tpu.memory_space<vmem_shared>>
        %dma_wait3A_268 = arith.constant 0 : i32
        %dma_wait3A_269 = tpu.memref_slice %arg9[%mul3A_261, %dma_wait3A_268] : memref<10000x128xf32, #tpu.memory_space<vmem_shared>> -> memref<48x128xf32, #tpu.memory_space<vmem_shared>>
        tpu.wait_dma2 semaphore(%run_scoped3A : memref<!tpu.dma_semaphore, #tpu.memory_space<semaphore_mem>>) src(%arg25 : memref<48x128xf32, #tpu.memory_space<vmem>>) dst(%dma_wait3A_269 : memref<48x128xf32, #tpu.memory_space<vmem_shared>>)
        tpu.yield
      }) : () -> ()
    } else {
    }
    %add3A_88 = arith.constant 176 : i32
    %add3A_89 = arith.addi %add3A_88, %arg1 : i32
    %lt3A_90 = arith.constant 208 : i32
    %lt3A_91 = arith.cmpi slt, %add3A_89, %lt3A_90 : i32
    %convert_element_type3A_92 = arith.extui %lt3A_91 : i1 to i32
    %cond3A_93 = arith.constant 0 : i32
    %cond3A_94 = arith.cmpi ne, %convert_element_type3A_92, %cond3A_93 : i32
    scf.if %cond3A_94 {
      %mul3A_260 = arith.constant 48 : i32
      %mul3A_261 = arith.muli %add3A_89, %mul3A_260 : i32
      "tpu.region"() ({
        %run_scoped3A = tpu.sem_alloc : memref<!tpu.dma_semaphore, #tpu.memory_space<semaphore_mem>>
        %dma_start3A_262 = arith.constant 0 : i32
        %dma_start3A_263 = tpu.memref_slice %arg9[%mul3A_261, %dma_start3A_262] : memref<10000x128xf32, #tpu.memory_space<vmem_shared>> -> memref<48x128xf32, #tpu.memory_space<vmem_shared>>
        %dma_start3A_264 = arith.constant 0 : i32
        %dma_start3A_265 = tpu.memref_slice %arg9[%mul3A_261, %dma_start3A_264] : memref<10000x128xf32, #tpu.memory_space<vmem_shared>> -> memref<48x128xf32, #tpu.memory_space<vmem_shared>>
        tpu.enqueue_dma source(%arg25 : memref<48x128xf32, #tpu.memory_space<vmem>>) target(%dma_start3A_265 : memref<48x128xf32, #tpu.memory_space<vmem_shared>>) target_semaphore(%run_scoped3A : memref<!tpu.dma_semaphore, #tpu.memory_space<semaphore_mem>>)
        %dma_wait3A_266 = arith.constant 0 : i32
        %dma_wait3A_267 = tpu.memref_slice %arg9[%mul3A_261, %dma_wait3A_266] : memref<10000x128xf32, #tpu.memory_space<vmem_shared>> -> memref<48x128xf32, #tpu.memory_space<vmem_shared>>
        %dma_wait3A_268 = arith.constant 0 : i32
        %dma_wait3A_269 = tpu.memref_slice %arg9[%mul3A_261, %dma_wait3A_268] : memref<10000x128xf32, #tpu.memory_space<vmem_shared>> -> memref<48x128xf32, #tpu.memory_space<vmem_shared>>
        tpu.wait_dma2 semaphore(%run_scoped3A : memref<!tpu.dma_semaphore, #tpu.memory_space<semaphore_mem>>) src(%arg25 : memref<48x128xf32, #tpu.memory_space<vmem>>) dst(%dma_wait3A_269 : memref<48x128xf32, #tpu.memory_space<vmem_shared>>)
        tpu.yield
      }) : () -> ()
    } else {
    }
    %add3A_95 = arith.constant 192 : i32
    %add3A_96 = arith.addi %add3A_95, %arg1 : i32
    %lt3A_97 = arith.constant 208 : i32
    %lt3A_98 = arith.cmpi slt, %add3A_96, %lt3A_97 : i32
    %convert_element_type3A_99 = arith.extui %lt3A_98 : i1 to i32
    %cond3A_100 = arith.constant 0 : i32
    %cond3A_101 = arith.cmpi ne, %convert_element_type3A_99, %cond3A_100 : i32
    scf.if %cond3A_101 {
      %mul3A_260 = arith.constant 48 : i32
      %mul3A_261 = arith.muli %add3A_96, %mul3A_260 : i32
      "tpu.region"() ({
        %run_scoped3A = tpu.sem_alloc : memref<!tpu.dma_semaphore, #tpu.memory_space<semaphore_mem>>
        %dma_start3A_262 = arith.constant 0 : i32
        %dma_start3A_263 = tpu.memref_slice %arg9[%mul3A_261, %dma_start3A_262] : memref<10000x128xf32, #tpu.memory_space<vmem_shared>> -> memref<48x128xf32, #tpu.memory_space<vmem_shared>>
        %dma_start3A_264 = arith.constant 0 : i32
        %dma_start3A_265 = tpu.memref_slice %arg9[%mul3A_261, %dma_start3A_264] : memref<10000x128xf32, #tpu.memory_space<vmem_shared>> -> memref<48x128xf32, #tpu.memory_space<vmem_shared>>
        tpu.enqueue_dma source(%arg25 : memref<48x128xf32, #tpu.memory_space<vmem>>) target(%dma_start3A_265 : memref<48x128xf32, #tpu.memory_space<vmem_shared>>) target_semaphore(%run_scoped3A : memref<!tpu.dma_semaphore, #tpu.memory_space<semaphore_mem>>)
        %dma_wait3A_266 = arith.constant 0 : i32
        %dma_wait3A_267 = tpu.memref_slice %arg9[%mul3A_261, %dma_wait3A_266] : memref<10000x128xf32, #tpu.memory_space<vmem_shared>> -> memref<48x128xf32, #tpu.memory_space<vmem_shared>>
        %dma_wait3A_268 = arith.constant 0 : i32
        %dma_wait3A_269 = tpu.memref_slice %arg9[%mul3A_261, %dma_wait3A_268] : memref<10000x128xf32, #tpu.memory_space<vmem_shared>> -> memref<48x128xf32, #tpu.memory_space<vmem_shared>>
        tpu.wait_dma2 semaphore(%run_scoped3A : memref<!tpu.dma_semaphore, #tpu.memory_space<semaphore_mem>>) src(%arg25 : memref<48x128xf32, #tpu.memory_space<vmem>>) dst(%dma_wait3A_269 : memref<48x128xf32, #tpu.memory_space<vmem_shared>>)
        tpu.yield
      }) : () -> ()
    } else {
    }
    %eq3A = arith.constant 0 : i32
    %eq3A_102 = arith.cmpi eq, %arg1, %eq3A : i32
    %convert_element_type3A_103 = arith.extui %eq3A_102 : i1 to i32
    %cond3A_104 = arith.constant 0 : i32
    %cond3A_105 = arith.cmpi ne, %convert_element_type3A_103, %cond3A_104 : i32
    scf.if %cond3A_105 {
      "tpu.region"() ({
        %run_scoped3A = tpu.sem_alloc : memref<!tpu.dma_semaphore, #tpu.memory_space<semaphore_mem>>
        %dma_start3A_260 = arith.constant 0 : i32
        %dma_start3A_261 = arith.constant 0 : i32
        %dma_start3A_262 = tpu.memref_slice %arg25[%dma_start3A_260, %dma_start3A_261] : memref<48x128xf32, #tpu.memory_space<vmem>> -> memref<16x128xf32, #tpu.memory_space<vmem>>
        %dma_start3A_263 = arith.constant 9984 : i32
        %dma_start3A_264 = arith.constant 0 : i32
        %dma_start3A_265 = tpu.memref_slice %arg9[%dma_start3A_263, %dma_start3A_264] : memref<10000x128xf32, #tpu.memory_space<vmem_shared>> -> memref<16x128xf32, #tpu.memory_space<vmem_shared>>
        %dma_start3A_266 = arith.constant 9984 : i32
        %dma_start3A_267 = arith.constant 0 : i32
        %dma_start3A_268 = tpu.memref_slice %arg9[%dma_start3A_266, %dma_start3A_267] : memref<10000x128xf32, #tpu.memory_space<vmem_shared>> -> memref<16x128xf32, #tpu.memory_space<vmem_shared>>
        %dma_start3A_269 = arith.constant 0 : i32
        %dma_start3A_270 = arith.constant 0 : i32
        %dma_start3A_271 = tpu.memref_slice %arg25[%dma_start3A_269, %dma_start3A_270] : memref<48x128xf32, #tpu.memory_space<vmem>> -> memref<16x128xf32, #tpu.memory_space<vmem>>
        tpu.enqueue_dma source(%dma_start3A_271 : memref<16x128xf32, #tpu.memory_space<vmem>>) target(%dma_start3A_268 : memref<16x128xf32, #tpu.memory_space<vmem_shared>>) target_semaphore(%run_scoped3A : memref<!tpu.dma_semaphore, #tpu.memory_space<semaphore_mem>>)
        %dma_wait3A_272 = arith.constant 0 : i32
        %dma_wait3A_273 = arith.constant 0 : i32
        %dma_wait3A_274 = tpu.memref_slice %arg25[%dma_wait3A_272, %dma_wait3A_273] : memref<48x128xf32, #tpu.memory_space<vmem>> -> memref<16x128xf32, #tpu.memory_space<vmem>>
        %dma_wait3A_275 = arith.constant 9984 : i32
        %dma_wait3A_276 = arith.constant 0 : i32
        %dma_wait3A_277 = tpu.memref_slice %arg9[%dma_wait3A_275, %dma_wait3A_276] : memref<10000x128xf32, #tpu.memory_space<vmem_shared>> -> memref<16x128xf32, #tpu.memory_space<vmem_shared>>
        %dma_wait3A_278 = arith.constant 9984 : i32
        %dma_wait3A_279 = arith.constant 0 : i32
        %dma_wait3A_280 = tpu.memref_slice %arg9[%dma_wait3A_278, %dma_wait3A_279] : memref<10000x128xf32, #tpu.memory_space<vmem_shared>> -> memref<16x128xf32, #tpu.memory_space<vmem_shared>>
        %dma_wait3A_281 = arith.constant 0 : i32
        %dma_wait3A_282 = arith.constant 0 : i32
        %dma_wait3A_283 = tpu.memref_slice %arg25[%dma_wait3A_281, %dma_wait3A_282] : memref<48x128xf32, #tpu.memory_space<vmem>> -> memref<16x128xf32, #tpu.memory_space<vmem>>
        tpu.wait_dma2 semaphore(%run_scoped3A : memref<!tpu.dma_semaphore, #tpu.memory_space<semaphore_mem>>) src(%dma_wait3A_283 : memref<16x128xf32, #tpu.memory_space<vmem>>) dst(%dma_wait3A_280 : memref<16x128xf32, #tpu.memory_space<vmem_shared>>)
        tpu.yield
      }) : () -> ()
    } else {
    }
    "tpu.region"() ({
      %run_scoped3A = tpu.sem_alloc : memref<!tpu.dma_semaphore, #tpu.memory_space<semaphore_mem>>
      tpu.enqueue_dma source(%arg5 : memref<10000xf32, #tpu.memory_space<hbm>>) target(%arg10 : memref<10000xf32, #tpu.memory_space<vmem>>) target_semaphore(%run_scoped3A : memref<!tpu.dma_semaphore, #tpu.memory_space<semaphore_mem>>)
      tpu.wait_dma2 semaphore(%run_scoped3A : memref<!tpu.dma_semaphore, #tpu.memory_space<semaphore_mem>>) src(%arg5 : memref<10000xf32, #tpu.memory_space<hbm>>) dst(%arg10 : memref<10000xf32, #tpu.memory_space<vmem>>)
      tpu.yield
    }) : () -> ()
    "tpu.region"() ({
      %run_scoped3A = tpu.sem_alloc : memref<!tpu.dma_semaphore, #tpu.memory_space<semaphore_mem>>
      tpu.enqueue_dma source(%arg6 : memref<10000xf32, #tpu.memory_space<hbm>>) target(%arg11 : memref<10000xf32, #tpu.memory_space<vmem>>) target_semaphore(%run_scoped3A : memref<!tpu.dma_semaphore, #tpu.memory_space<semaphore_mem>>)
      tpu.wait_dma2 semaphore(%run_scoped3A : memref<!tpu.dma_semaphore, #tpu.memory_space<semaphore_mem>>) src(%arg6 : memref<10000xf32, #tpu.memory_space<hbm>>) dst(%arg11 : memref<10000xf32, #tpu.memory_space<vmem>>)
      tpu.yield
    }) : () -> ()
    %barrier3A = arith.constant 0 : index
    tpu.barrier barrier_id(%barrier3A)
    %broadcast_in_dim3A = arith.constant 0 : i32
    %broadcast_in_dim3A_106 = vector.broadcast %broadcast_in_dim3A : i32 to vector<16xi32>
    %mul3A_107 = arith.constant 216 : i32
    %mul3A_108 = arith.muli %add3A, %mul3A_107 : i32
    %add3A_109 = arith.constant 0 : i32
    %add3A_110 = arith.addi %mul3A_108, %add3A_109 : i32
    %mul3A_111 = arith.constant 48 : i32
    %mul3A_112 = arith.muli %add3A_110, %mul3A_111 : i32
    %dma_start3A = tpu.memref_slice %arg3[%mul3A_112] : memref<331776xi32, #tpu.memory_space<hbm>> -> memref<48xi32, #tpu.memory_space<hbm>>
    %dma_start3A_113 = tpu.memref_slice %arg3[%mul3A_112] : memref<331776xi32, #tpu.memory_space<hbm>> -> memref<48xi32, #tpu.memory_space<hbm>>
    tpu.enqueue_dma source(%dma_start3A_113 : memref<48xi32, #tpu.memory_space<hbm>>) target(%arg13 : memref<48xi32, #tpu.memory_space<vmem>>) target_semaphore(%arg28 : memref<!tpu.dma_semaphore, #tpu.memory_space<semaphore_mem>>)
    %dma_start3A_114 = tpu.memref_slice %arg4[%mul3A_112] : memref<331776xi32, #tpu.memory_space<hbm>> -> memref<48xi32, #tpu.memory_space<hbm>>
    %dma_start3A_115 = tpu.memref_slice %arg4[%mul3A_112] : memref<331776xi32, #tpu.memory_space<hbm>> -> memref<48xi32, #tpu.memory_space<hbm>>
    tpu.enqueue_dma source(%dma_start3A_115 : memref<48xi32, #tpu.memory_space<hbm>>) target(%arg16 : memref<48xi32, #tpu.memory_space<vmem>>) target_semaphore(%arg28 : memref<!tpu.dma_semaphore, #tpu.memory_space<semaphore_mem>>)
    %mul3A_116 = arith.constant 216 : i32
    %mul3A_117 = arith.muli %add3A, %mul3A_116 : i32
    %add3A_118 = arith.constant 0 : i32
    %add3A_119 = arith.addi %mul3A_117, %add3A_118 : i32
    %mul3A_120 = arith.constant 48 : i32
    %mul3A_121 = arith.muli %add3A_119, %mul3A_120 : i32
    %dma_wait3A = tpu.memref_slice %arg3[%mul3A_121] : memref<331776xi32, #tpu.memory_space<hbm>> -> memref<48xi32, #tpu.memory_space<hbm>>
    %dma_wait3A_122 = tpu.memref_slice %arg3[%mul3A_121] : memref<331776xi32, #tpu.memory_space<hbm>> -> memref<48xi32, #tpu.memory_space<hbm>>
    tpu.wait_dma2 semaphore(%arg28 : memref<!tpu.dma_semaphore, #tpu.memory_space<semaphore_mem>>) src(%dma_wait3A_122 : memref<48xi32, #tpu.memory_space<hbm>>) dst(%arg13 : memref<48xi32, #tpu.memory_space<vmem>>)
    %dma_wait3A_123 = tpu.memref_slice %arg4[%mul3A_121] : memref<331776xi32, #tpu.memory_space<hbm>> -> memref<48xi32, #tpu.memory_space<hbm>>
    %dma_wait3A_124 = tpu.memref_slice %arg4[%mul3A_121] : memref<331776xi32, #tpu.memory_space<hbm>> -> memref<48xi32, #tpu.memory_space<hbm>>
    tpu.wait_dma2 semaphore(%arg28 : memref<!tpu.dma_semaphore, #tpu.memory_space<semaphore_mem>>) src(%dma_wait3A_124 : memref<48xi32, #tpu.memory_space<hbm>>) dst(%arg16 : memref<48xi32, #tpu.memory_space<vmem>>)
    %mul3A_125 = arith.constant 216 : i32
    %mul3A_126 = arith.muli %add3A, %mul3A_125 : i32
    %add3A_127 = arith.constant 0 : i32
    %add3A_128 = arith.addi %mul3A_126, %add3A_127 : i32
    %mul3A_129 = arith.constant 48 : i32
    %mul3A_130 = arith.muli %add3A_128, %mul3A_129 : i32
    %scan3A_131 = arith.constant 0 : i32
    %scan3A_132 = arith.constant 0 : i32
    %scan3A_133 = arith.constant 3 : i32
    %scan3A_134 = arith.addi %scan3A_132, %scan3A_133 : i32
    %scan3A_135 = arith.constant 1 : i32
    %scan3A_136 = scf.for %scan3A_260 = %scan3A_132 to %scan3A_134 step %scan3A_135 iter_args(%scan3A_261 = %scan3A_131) -> (i32)  : i32 {
      %mul3A_262 = arith.constant 16 : i32
      %mul3A_263 = arith.muli %scan3A_260, %mul3A_262 : i32
      %get3A = arith.index_cast %mul3A_263 : i32 to index
      %get3A_264 = tpu.vector_load %arg13[%get3A] {strides = array<i32>} : memref<48xi32, #tpu.memory_space<vmem>>, vector<16xi32>,
      %mul3A_265 = arith.constant 16 : i32
      %mul3A_266 = arith.muli %scan3A_260, %mul3A_265 : i32
      %get3A_267 = arith.index_cast %mul3A_266 : i32 to index
      %get3A_268 = tpu.vector_load %arg16[%get3A_267] {strides = array<i32>} : memref<48xi32, #tpu.memory_space<vmem>>, vector<16xi32>,
      %gather3A = tpu.vector_load_idx %arg10[%get3A_264] : memref<10000xf32, #tpu.memory_space<vmem>>[vector<16xi32>], vector<16xf32>,
      %gather3A_269 = tpu.vector_load_idx %arg11[%get3A_268] : memref<10000xf32, #tpu.memory_space<vmem>>[vector<16xi32>], vector<16xf32>,
      %add3A_270 = arith.addf %gather3A, %gather3A_269 : vector<16xf32>
      %gt3A = arith.constant 0.000000e+00 : f32
      %gt3A_271 = vector.broadcast %gt3A : f32 to vector<16xf32>
      %gt3A_272 = arith.cmpf ogt, %add3A_270, %gt3A_271 : vector<16xf32>
      %mul3A_273 = arith.constant 2.000000e-01 : f32
      %mul3A_274 = vector.broadcast %mul3A_273 : f32 to vector<16xf32>
      %mul3A_275 = arith.mulf %mul3A_274, %add3A_270 : vector<16xf32>
      %select_n3A = arith.select %gt3A_272, %add3A_270, %mul3A_275 : vector<16xi1>, vector<16xf32>
      %mul3A_276 = arith.constant 16 : i32
      %mul3A_277 = arith.muli %scan3A_260, %mul3A_276 : i32
      %add3A_278 = arith.addi %mul3A_130, %mul3A_277 : i32
      %iota3A = tpu.iota {dimensions = array<i32: 0>} : vector<16xi32>
      %add3A_279 = vector.broadcast %add3A_278 : i32 to vector<16xi32>
      %add3A_280 = arith.addi %add3A_279, %iota3A : vector<16xi32>
      %lt3A_281 = arith.constant 330000 : i32
      %lt3A_282 = vector.broadcast %lt3A_281 : i32 to vector<16xi32>
      %lt3A_283 = arith.cmpi slt, %add3A_280, %lt3A_282 : vector<16xi32>
      %exp3A = math.exp %select_n3A : vector<16xf32>
      %jit3A = arith.constant 0.000000e+00 : f32
      %broadcast_in_dim3A_284 = vector.broadcast %jit3A : f32 to vector<16xf32>
      %select_n3A_285 = arith.select %lt3A_283, %exp3A, %broadcast_in_dim3A_284 : vector<16xi1>, vector<16xf32>
      %mul3A_286 = arith.constant 16 : i32
      %mul3A_287 = arith.muli %scan3A_260, %mul3A_286 : i32
      %swap3A = arith.index_cast %mul3A_287 : i32 to index
      %swap3A_288 = tpu.vector_load %arg22[%swap3A] {strides = array<i32>} : memref<48xf32, #tpu.memory_space<vmem>>, vector<16xf32>,
      tpu.vector_store %arg22[%swap3A], %select_n3A_285 {strides = array<i32>} : memref<48xf32, #tpu.memory_space<vmem>>, vector<16xf32>,
      tpu.vector_store_idx %arg12[%broadcast_in_dim3A_106, %get3A_268], %select_n3A_285 {add = true} : memref<1x10000xf32, #tpu.memory_space<vmem>>[vector<16xi32>, vector<16xi32>], vector<16xf32>,
      %scan3A_289 = arith.constant 0 : i32
      scf.yield %scan3A_289 : i32
    }
    %scan3A_137 = arith.constant 3 : i32
    %dma_start3A_138 = arith.constant 0 : i32
    %dma_start3A_139 = arith.constant 0 : i32
    %dma_start3A_140 = tpu.memref_slice %arg2[%dma_start3A_138, %dma_start3A_139] : memref<10000x128xf32, #tpu.memory_space<hbm>> -> memref<10000x128xf32, #tpu.memory_space<hbm>>
    tpu.enqueue_indirect_dma source(%dma_start3A_140 : memref<10000x128xf32, #tpu.memory_space<hbm>>) target(%arg25 : memref<48x128xf32, #tpu.memory_space<vmem>>) offsets(%arg13 : memref<48xi32, #tpu.memory_space<vmem>>) semaphore(%arg31 : memref<!tpu.dma_semaphore, #tpu.memory_space<semaphore_mem>>)
    %mul3A_141 = arith.constant 216 : i32
    %mul3A_142 = arith.muli %add3A, %mul3A_141 : i32
    %add3A_143 = arith.constant 1 : i32
    %add3A_144 = arith.addi %mul3A_142, %add3A_143 : i32
    %mul3A_145 = arith.constant 48 : i32
    %mul3A_146 = arith.muli %add3A_144, %mul3A_145 : i32
    %dma_start3A_147 = tpu.memref_slice %arg3[%mul3A_146] : memref<331776xi32, #tpu.memory_space<hbm>> -> memref<48xi32, #tpu.memory_space<hbm>>
    %dma_start3A_148 = tpu.memref_slice %arg3[%mul3A_146] : memref<331776xi32, #tpu.memory_space<hbm>> -> memref<48xi32, #tpu.memory_space<hbm>>
    tpu.enqueue_dma source(%dma_start3A_148 : memref<48xi32, #tpu.memory_space<hbm>>) target(%arg14 : memref<48xi32, #tpu.memory_space<vmem>>) target_semaphore(%arg29 : memref<!tpu.dma_semaphore, #tpu.memory_space<semaphore_mem>>)
    %dma_start3A_149 = tpu.memref_slice %arg4[%mul3A_146] : memref<331776xi32, #tpu.memory_space<hbm>> -> memref<48xi32, #tpu.memory_space<hbm>>
    %dma_start3A_150 = tpu.memref_slice %arg4[%mul3A_146] : memref<331776xi32, #tpu.memory_space<hbm>> -> memref<48xi32, #tpu.memory_space<hbm>>
    tpu.enqueue_dma source(%dma_start3A_150 : memref<48xi32, #tpu.memory_space<hbm>>) target(%arg17 : memref<48xi32, #tpu.memory_space<vmem>>) target_semaphore(%arg29 : memref<!tpu.dma_semaphore, #tpu.memory_space<semaphore_mem>>)
    %mul3A_151 = arith.constant 216 : i32
    %mul3A_152 = arith.muli %add3A, %mul3A_151 : i32
    %add3A_153 = arith.constant 1 : i32
    %add3A_154 = arith.addi %mul3A_152, %add3A_153 : i32
    %mul3A_155 = arith.constant 48 : i32
    %mul3A_156 = arith.muli %add3A_154, %mul3A_155 : i32
    %dma_wait3A_157 = tpu.memref_slice %arg3[%mul3A_156] : memref<331776xi32, #tpu.memory_space<hbm>> -> memref<48xi32, #tpu.memory_space<hbm>>
    %dma_wait3A_158 = tpu.memref_slice %arg3[%mul3A_156] : memref<331776xi32, #tpu.memory_space<hbm>> -> memref<48xi32, #tpu.memory_space<hbm>>
    tpu.wait_dma2 semaphore(%arg29 : memref<!tpu.dma_semaphore, #tpu.memory_space<semaphore_mem>>) src(%dma_wait3A_158 : memref<48xi32, #tpu.memory_space<hbm>>) dst(%arg14 : memref<48xi32, #tpu.memory_space<vmem>>)
    %dma_wait3A_159 = tpu.memref_slice %arg4[%mul3A_156] : memref<331776xi32, #tpu.memory_space<hbm>> -> memref<48xi32, #tpu.memory_space<hbm>>
    %dma_wait3A_160 = tpu.memref_slice %arg4[%mul3A_156] : memref<331776xi32, #tpu.memory_space<hbm>> -> memref<48xi32, #tpu.memory_space<hbm>>
    tpu.wait_dma2 semaphore(%arg29 : memref<!tpu.dma_semaphore, #tpu.memory_space<semaphore_mem>>) src(%dma_wait3A_160 : memref<48xi32, #tpu.memory_space<hbm>>) dst(%arg17 : memref<48xi32, #tpu.memory_space<vmem>>)
    %mul3A_161 = arith.constant 216 : i32
    %mul3A_162 = arith.muli %add3A, %mul3A_161 : i32
    %add3A_163 = arith.constant 1 : i32
    %add3A_164 = arith.addi %mul3A_162, %add3A_163 : i32
    %mul3A_165 = arith.constant 48 : i32
    %mul3A_166 = arith.muli %add3A_164, %mul3A_165 : i32
    %scan3A_167 = arith.constant 0 : i32
    %scan3A_168 = arith.constant 0 : i32
    %scan3A_169 = arith.constant 3 : i32
    %scan3A_170 = arith.addi %scan3A_168, %scan3A_169 : i32
    %scan3A_171 = arith.constant 1 : i32
    %scan3A_172 = scf.for %scan3A_260 = %scan3A_168 to %scan3A_170 step %scan3A_171 iter_args(%scan3A_261 = %scan3A_167) -> (i32)  : i32 {
      %mul3A_262 = arith.constant 16 : i32
      %mul3A_263 = arith.muli %scan3A_260, %mul3A_262 : i32
      %get3A = arith.index_cast %mul3A_263 : i32 to index
      %get3A_264 = tpu.vector_load %arg14[%get3A] {strides = array<i32>} : memref<48xi32, #tpu.memory_space<vmem>>, vector<16xi32>,
      %mul3A_265 = arith.constant 16 : i32
      %mul3A_266 = arith.muli %scan3A_260, %mul3A_265 : i32
      %get3A_267 = arith.index_cast %mul3A_266 : i32 to index
      %get3A_268 = tpu.vector_load %arg17[%get3A_267] {strides = array<i32>} : memref<48xi32, #tpu.memory_space<vmem>>, vector<16xi32>,
      %gather3A = tpu.vector_load_idx %arg10[%get3A_264] : memref<10000xf32, #tpu.memory_space<vmem>>[vector<16xi32>], vector<16xf32>,
      %gather3A_269 = tpu.vector_load_idx %arg11[%get3A_268] : memref<10000xf32, #tpu.memory_space<vmem>>[vector<16xi32>], vector<16xf32>,
      %add3A_270 = arith.addf %gather3A, %gather3A_269 : vector<16xf32>
      %gt3A = arith.constant 0.000000e+00 : f32
      %gt3A_271 = vector.broadcast %gt3A : f32 to vector<16xf32>
      %gt3A_272 = arith.cmpf ogt, %add3A_270, %gt3A_271 : vector<16xf32>
      %mul3A_273 = arith.constant 2.000000e-01 : f32
      %mul3A_274 = vector.broadcast %mul3A_273 : f32 to vector<16xf32>
      %mul3A_275 = arith.mulf %mul3A_274, %add3A_270 : vector<16xf32>
      %select_n3A = arith.select %gt3A_272, %add3A_270, %mul3A_275 : vector<16xi1>, vector<16xf32>
      %mul3A_276 = arith.constant 16 : i32
      %mul3A_277 = arith.muli %scan3A_260, %mul3A_276 : i32
      %add3A_278 = arith.addi %mul3A_166, %mul3A_277 : i32
      %iota3A = tpu.iota {dimensions = array<i32: 0>} : vector<16xi32>
      %add3A_279 = vector.broadcast %add3A_278 : i32 to vector<16xi32>
      %add3A_280 = arith.addi %add3A_279, %iota3A : vector<16xi32>
      %lt3A_281 = arith.constant 330000 : i32
      %lt3A_282 = vector.broadcast %lt3A_281 : i32 to vector<16xi32>
      %lt3A_283 = arith.cmpi slt, %add3A_280, %lt3A_282 : vector<16xi32>
      %exp3A = math.exp %select_n3A : vector<16xf32>
      %jit3A = arith.constant 0.000000e+00 : f32
      %broadcast_in_dim3A_284 = vector.broadcast %jit3A : f32 to vector<16xf32>
      %select_n3A_285 = arith.select %lt3A_283, %exp3A, %broadcast_in_dim3A_284 : vector<16xi1>, vector<16xf32>
      %mul3A_286 = arith.constant 16 : i32
      %mul3A_287 = arith.muli %scan3A_260, %mul3A_286 : i32
      %swap3A = arith.index_cast %mul3A_287 : i32 to index
      %swap3A_288 = tpu.vector_load %arg23[%swap3A] {strides = array<i32>} : memref<48xf32, #tpu.memory_space<vmem>>, vector<16xf32>,
      tpu.vector_store %arg23[%swap3A], %select_n3A_285 {strides = array<i32>} : memref<48xf32, #tpu.memory_space<vmem>>, vector<16xf32>,
      tpu.vector_store_idx %arg12[%broadcast_in_dim3A_106, %get3A_268], %select_n3A_285 {add = true} : memref<1x10000xf32, #tpu.memory_space<vmem>>[vector<16xi32>, vector<16xi32>], vector<16xf32>,
      %scan3A_289 = arith.constant 0 : i32
      scf.yield %scan3A_289 : i32
    }
    %scan3A_173 = arith.constant 3 : i32
    %dma_start3A_174 = arith.constant 0 : i32
    %dma_start3A_175 = arith.constant 0 : i32
    %dma_start3A_176 = tpu.memref_slice %arg2[%dma_start3A_174, %dma_start3A_175] : memref<10000x128xf32, #tpu.memory_space<hbm>> -> memref<10000x128xf32, #tpu.memory_space<hbm>>
    tpu.enqueue_indirect_dma source(%dma_start3A_176 : memref<10000x128xf32, #tpu.memory_space<hbm>>) target(%arg26 : memref<48x128xf32, #tpu.memory_space<vmem>>) offsets(%arg14 : memref<48xi32, #tpu.memory_space<vmem>>) semaphore(%arg32 : memref<!tpu.dma_semaphore, #tpu.memory_space<semaphore_mem>>)
    %mul3A_177 = arith.constant 216 : i32
    %mul3A_178 = arith.muli %add3A, %mul3A_177 : i32
    %add3A_179 = arith.constant 2 : i32
    %add3A_180 = arith.addi %mul3A_178, %add3A_179 : i32
    %mul3A_181 = arith.constant 48 : i32
    %mul3A_182 = arith.muli %add3A_180, %mul3A_181 : i32
    %dma_start3A_183 = tpu.memref_slice %arg3[%mul3A_182] : memref<331776xi32, #tpu.memory_space<hbm>> -> memref<48xi32, #tpu.memory_space<hbm>>
    %dma_start3A_184 = tpu.memref_slice %arg3[%mul3A_182] : memref<331776xi32, #tpu.memory_space<hbm>> -> memref<48xi32, #tpu.memory_space<hbm>>
    tpu.enqueue_dma source(%dma_start3A_184 : memref<48xi32, #tpu.memory_space<hbm>>) target(%arg15 : memref<48xi32, #tpu.memory_space<vmem>>) target_semaphore(%arg30 : memref<!tpu.dma_semaphore, #tpu.memory_space<semaphore_mem>>)
    %dma_start3A_185 = tpu.memref_slice %arg4[%mul3A_182] : memref<331776xi32, #tpu.memory_space<hbm>> -> memref<48xi32, #tpu.memory_space<hbm>>
    %dma_start3A_186 = tpu.memref_slice %arg4[%mul3A_182] : memref<331776xi32, #tpu.memory_space<hbm>> -> memref<48xi32, #tpu.memory_space<hbm>>
    tpu.enqueue_dma source(%dma_start3A_186 : memref<48xi32, #tpu.memory_space<hbm>>) target(%arg18 : memref<48xi32, #tpu.memory_space<vmem>>) target_semaphore(%arg30 : memref<!tpu.dma_semaphore, #tpu.memory_space<semaphore_mem>>)
    %scan3A_187 = arith.constant 0 : i32
    %scan3A_188 = arith.constant 0 : i32
    %scan3A_189 = arith.constant 72 : i32
    %scan3A_190 = arith.addi %scan3A_188, %scan3A_189 : i32
    %scan3A_191 = arith.constant 1 : i32
    %scan3A_192 = scf.for %scan3A_260 = %scan3A_188 to %scan3A_190 step %scan3A_191 iter_args(%scan3A_261 = %scan3A_187) -> (i32)  : i32 {
      %mul3A_262 = arith.constant 3 : i32
      %mul3A_263 = arith.muli %scan3A_260, %mul3A_262 : i32
      %add3A_264 = arith.constant 2 : i32
      %add3A_265 = arith.addi %mul3A_263, %add3A_264 : i32
      %lt3A_266 = arith.constant 216 : i32
      %lt3A_267 = arith.cmpi slt, %add3A_265, %lt3A_266 : i32
      %convert_element_type3A_268 = arith.extui %lt3A_267 : i1 to i32
      %cond3A_269 = arith.constant 0 : i32
      %cond3A_270 = arith.cmpi ne, %convert_element_type3A_268, %cond3A_269 : i32
      scf.if %cond3A_270 {
        %add3A_424 = arith.constant 2 : i32
        %add3A_425 = arith.addi %mul3A_263, %add3A_424 : i32
        %mul3A_426 = arith.constant 216 : i32
        %mul3A_427 = arith.muli %add3A, %mul3A_426 : i32
        %add3A_428 = arith.addi %mul3A_427, %add3A_425 : i32
        %mul3A_429 = arith.constant 48 : i32
        %mul3A_430 = arith.muli %add3A_428, %mul3A_429 : i32
        %dma_wait3A_431 = tpu.memref_slice %arg3[%mul3A_430] : memref<331776xi32, #tpu.memory_space<hbm>> -> memref<48xi32, #tpu.memory_space<hbm>>
        %dma_wait3A_432 = tpu.memref_slice %arg3[%mul3A_430] : memref<331776xi32, #tpu.memory_space<hbm>> -> memref<48xi32, #tpu.memory_space<hbm>>
        tpu.wait_dma2 semaphore(%arg30 : memref<!tpu.dma_semaphore, #tpu.memory_space<semaphore_mem>>) src(%dma_wait3A_432 : memref<48xi32, #tpu.memory_space<hbm>>) dst(%arg15 : memref<48xi32, #tpu.memory_space<vmem>>)
        %dma_wait3A_433 = tpu.memref_slice %arg4[%mul3A_430] : memref<331776xi32, #tpu.memory_space<hbm>> -> memref<48xi32, #tpu.memory_space<hbm>>
        %dma_wait3A_434 = tpu.memref_slice %arg4[%mul3A_430] : memref<331776xi32, #tpu.memory_space<hbm>> -> memref<48xi32, #tpu.memory_space<hbm>>
        tpu.wait_dma2 semaphore(%arg30 : memref<!tpu.dma_semaphore, #tpu.memory_space<semaphore_mem>>) src(%dma_wait3A_434 : memref<48xi32, #tpu.memory_space<hbm>>) dst(%arg18 : memref<48xi32, #tpu.memory_space<vmem>>)
        %add3A_435 = arith.constant 2 : i32
        %add3A_436 = arith.addi %mul3A_263, %add3A_435 : i32
        %mul3A_437 = arith.constant 216 : i32
        %mul3A_438 = arith.muli %add3A, %mul3A_437 : i32
        %add3A_439 = arith.addi %mul3A_438, %add3A_436 : i32
        %mul3A_440 = arith.constant 48 : i32
        %mul3A_441 = arith.muli %add3A_439, %mul3A_440 : i32
        %scan3A_442 = arith.constant 0 : i32
        %scan3A_443 = arith.constant 0 : i32
        %scan3A_444 = arith.constant 3 : i32
        %scan3A_445 = arith.addi %scan3A_443, %scan3A_444 : i32
        %scan3A_446 = arith.constant 1 : i32
        %scan3A_447 = scf.for %scan3A_449 = %scan3A_443 to %scan3A_445 step %scan3A_446 iter_args(%scan3A_450 = %scan3A_442) -> (i32)  : i32 {
          %mul3A_451 = arith.constant 16 : i32
          %mul3A_452 = arith.muli %scan3A_449, %mul3A_451 : i32
          %get3A_453 = arith.index_cast %mul3A_452 : i32 to index
          %get3A_454 = tpu.vector_load %arg15[%get3A_453] {strides = array<i32>} : memref<48xi32, #tpu.memory_space<vmem>>, vector<16xi32>,
          %mul3A_455 = arith.constant 16 : i32
          %mul3A_456 = arith.muli %scan3A_449, %mul3A_455 : i32
          %get3A_457 = arith.index_cast %mul3A_456 : i32 to index
          %get3A_458 = tpu.vector_load %arg18[%get3A_457] {strides = array<i32>} : memref<48xi32, #tpu.memory_space<vmem>>, vector<16xi32>,
          %gather3A = tpu.vector_load_idx %arg10[%get3A_454] : memref<10000xf32, #tpu.memory_space<vmem>>[vector<16xi32>], vector<16xf32>,
          %gather3A_459 = tpu.vector_load_idx %arg11[%get3A_458] : memref<10000xf32, #tpu.memory_space<vmem>>[vector<16xi32>], vector<16xf32>,
          %add3A_460 = arith.addf %gather3A, %gather3A_459 : vector<16xf32>
          %gt3A = arith.constant 0.000000e+00 : f32
          %gt3A_461 = vector.broadcast %gt3A : f32 to vector<16xf32>
          %gt3A_462 = arith.cmpf ogt, %add3A_460, %gt3A_461 : vector<16xf32>
          %mul3A_463 = arith.constant 2.000000e-01 : f32
          %mul3A_464 = vector.broadcast %mul3A_463 : f32 to vector<16xf32>
          %mul3A_465 = arith.mulf %mul3A_464, %add3A_460 : vector<16xf32>
          %select_n3A = arith.select %gt3A_462, %add3A_460, %mul3A_465 : vector<16xi1>, vector<16xf32>
          %mul3A_466 = arith.constant 16 : i32
          %mul3A_467 = arith.muli %scan3A_449, %mul3A_466 : i32
          %add3A_468 = arith.addi %mul3A_441, %mul3A_467 : i32
          %iota3A = tpu.iota {dimensions = array<i32: 0>} : vector<16xi32>
          %add3A_469 = vector.broadcast %add3A_468 : i32 to vector<16xi32>
          %add3A_470 = arith.addi %add3A_469, %iota3A : vector<16xi32>
          %lt3A_471 = arith.constant 330000 : i32
          %lt3A_472 = vector.broadcast %lt3A_471 : i32 to vector<16xi32>
          %lt3A_473 = arith.cmpi slt, %add3A_470, %lt3A_472 : vector<16xi32>
          %exp3A = math.exp %select_n3A : vector<16xf32>
          %jit3A = arith.constant 0.000000e+00 : f32
          %broadcast_in_dim3A_474 = vector.broadcast %jit3A : f32 to vector<16xf32>
          %select_n3A_475 = arith.select %lt3A_473, %exp3A, %broadcast_in_dim3A_474 : vector<16xi1>, vector<16xf32>
          %mul3A_476 = arith.constant 16 : i32
          %mul3A_477 = arith.muli %scan3A_449, %mul3A_476 : i32
          %swap3A_478 = arith.index_cast %mul3A_477 : i32 to index
          %swap3A_479 = tpu.vector_load %arg24[%swap3A_478] {strides = array<i32>} : memref<48xf32, #tpu.memory_space<vmem>>, vector<16xf32>,
          tpu.vector_store %arg24[%swap3A_478], %select_n3A_475 {strides = array<i32>} : memref<48xf32, #tpu.memory_space<vmem>>, vector<16xf32>,
          tpu.vector_store_idx %arg12[%broadcast_in_dim3A_106, %get3A_458], %select_n3A_475 {add = true} : memref<1x10000xf32, #tpu.memory_space<vmem>>[vector<16xi32>, vector<16xi32>], vector<16xf32>,
          %scan3A_480 = arith.constant 0 : i32
          scf.yield %scan3A_480 : i32
        }
        %scan3A_448 = arith.constant 3 : i32
      } else {
      }
      %dma_wait3A_271 = arith.constant 0 : i32
      %dma_wait3A_272 = arith.constant 0 : i32
      %dma_wait3A_273 = tpu.memref_slice %arg2[%dma_wait3A_271, %dma_wait3A_272] : memref<10000x128xf32, #tpu.memory_space<hbm>> -> memref<10000x128xf32, #tpu.memory_space<hbm>>
      tpu.wait_indirect_dma semaphore(%arg31 : memref<!tpu.dma_semaphore, #tpu.memory_space<semaphore_mem>>) src(%dma_wait3A_273 : memref<10000x128xf32, #tpu.memory_space<hbm>>) dst(%arg25 : memref<48x128xf32, #tpu.memory_space<vmem>>)
      %get3A = arith.constant 0 : index
      %get3A_274 = tpu.vector_load %arg16[%get3A] {strides = array<i32>} : memref<48xi32, #tpu.memory_space<vmem>>, vector<16xi32>,
      %swap3A = arith.constant 0 : index
      %swap3A_275 = tpu.vector_load %arg19[%swap3A] {strides = array<i32>} : memref<48xi32, #tpu.memory_space<vmem>>, vector<16xi32>,
      tpu.vector_store %arg19[%swap3A], %get3A_274 {strides = array<i32>} : memref<48xi32, #tpu.memory_space<vmem>>, vector<16xi32>,
      %get3A_276 = arith.constant 16 : index
      %get3A_277 = tpu.vector_load %arg16[%get3A_276] {strides = array<i32>} : memref<48xi32, #tpu.memory_space<vmem>>, vector<16xi32>,
      %swap3A_278 = arith.constant 16 : index
      %swap3A_279 = tpu.vector_load %arg19[%swap3A_278] {strides = array<i32>} : memref<48xi32, #tpu.memory_space<vmem>>, vector<16xi32>,
      tpu.vector_store %arg19[%swap3A_278], %get3A_277 {strides = array<i32>} : memref<48xi32, #tpu.memory_space<vmem>>, vector<16xi32>,
      %get3A_280 = arith.constant 32 : index
      %get3A_281 = tpu.vector_load %arg16[%get3A_280] {strides = array<i32>} : memref<48xi32, #tpu.memory_space<vmem>>, vector<16xi32>,
      %swap3A_282 = arith.constant 32 : index
      %swap3A_283 = tpu.vector_load %arg19[%swap3A_282] {strides = array<i32>} : memref<48xi32, #tpu.memory_space<vmem>>, vector<16xi32>,
      tpu.vector_store %arg19[%swap3A_282], %get3A_281 {strides = array<i32>} : memref<48xi32, #tpu.memory_space<vmem>>, vector<16xi32>,
      %add3A_284 = arith.constant 3 : i32
      %add3A_285 = arith.addi %mul3A_263, %add3A_284 : i32
      %lt3A_286 = arith.constant 216 : i32
      %lt3A_287 = arith.cmpi slt, %add3A_285, %lt3A_286 : i32
      %convert_element_type3A_288 = arith.extui %lt3A_287 : i1 to i32
      %cond3A_289 = arith.constant 0 : i32
      %cond3A_290 = arith.cmpi ne, %convert_element_type3A_288, %cond3A_289 : i32
      scf.if %cond3A_290 {
        %add3A_424 = arith.constant 3 : i32
        %add3A_425 = arith.addi %mul3A_263, %add3A_424 : i32
        %mul3A_426 = arith.constant 216 : i32
        %mul3A_427 = arith.muli %add3A, %mul3A_426 : i32
        %add3A_428 = arith.addi %mul3A_427, %add3A_425 : i32
        %mul3A_429 = arith.constant 48 : i32
        %mul3A_430 = arith.muli %add3A_428, %mul3A_429 : i32
        %dma_start3A_431 = tpu.memref_slice %arg3[%mul3A_430] : memref<331776xi32, #tpu.memory_space<hbm>> -> memref<48xi32, #tpu.memory_space<hbm>>
        %dma_start3A_432 = tpu.memref_slice %arg3[%mul3A_430] : memref<331776xi32, #tpu.memory_space<hbm>> -> memref<48xi32, #tpu.memory_space<hbm>>
        tpu.enqueue_dma source(%dma_start3A_432 : memref<48xi32, #tpu.memory_space<hbm>>) target(%arg13 : memref<48xi32, #tpu.memory_space<vmem>>) target_semaphore(%arg28 : memref<!tpu.dma_semaphore, #tpu.memory_space<semaphore_mem>>)
        %dma_start3A_433 = tpu.memref_slice %arg4[%mul3A_430] : memref<331776xi32, #tpu.memory_space<hbm>> -> memref<48xi32, #tpu.memory_space<hbm>>
        %dma_start3A_434 = tpu.memref_slice %arg4[%mul3A_430] : memref<331776xi32, #tpu.memory_space<hbm>> -> memref<48xi32, #tpu.memory_space<hbm>>
        tpu.enqueue_dma source(%dma_start3A_434 : memref<48xi32, #tpu.memory_space<hbm>>) target(%arg16 : memref<48xi32, #tpu.memory_space<vmem>>) target_semaphore(%arg28 : memref<!tpu.dma_semaphore, #tpu.memory_space<semaphore_mem>>)
      } else {
      }
      %ge3A = arith.constant 1 : i32
      %ge3A_291 = arith.cmpi sge, %mul3A_263, %ge3A : i32
      %add3A_292 = arith.constant 2 : i32
      %add3A_293 = arith.addi %mul3A_263, %add3A_292 : i32
      %lt3A_294 = arith.constant 216 : i32
      %lt3A_295 = arith.cmpi slt, %add3A_293, %lt3A_294 : i32
      %and3A = arith.andi %ge3A_291, %lt3A_295 : i1
      %convert_element_type3A_296 = arith.extui %and3A : i1 to i32
      %cond3A_297 = arith.constant 0 : i32
      %cond3A_298 = arith.cmpi ne, %convert_element_type3A_296, %cond3A_297 : i32
      scf.if %cond3A_298 {
        %dma_wait3A_424 = arith.constant 0 : i32
        %dma_wait3A_425 = arith.constant 0 : i32
        %dma_wait3A_426 = tpu.memref_slice %arg9[%dma_wait3A_424, %dma_wait3A_425] : memref<10000x128xf32, #tpu.memory_space<vmem_shared>> -> memref<10000x128xf32, #tpu.memory_space<vmem_shared>>
        tpu.wait_indirect_dma semaphore(%arg36 : memref<!tpu.dma_semaphore, #tpu.memory_space<semaphore_mem>>) src(%arg27 : memref<48x128xf32, #tpu.memory_space<vmem>>) dst(%dma_wait3A_426 : memref<10000x128xf32, #tpu.memory_space<vmem_shared>>)
      } else {
      }
      %add3A_299 = arith.constant 2 : i32
      %add3A_300 = arith.addi %mul3A_263, %add3A_299 : i32
      %lt3A_301 = arith.constant 216 : i32
      %lt3A_302 = arith.cmpi slt, %add3A_300, %lt3A_301 : i32
      %convert_element_type3A_303 = arith.extui %lt3A_302 : i1 to i32
      %cond3A_304 = arith.constant 0 : i32
      %cond3A_305 = arith.cmpi ne, %convert_element_type3A_303, %cond3A_304 : i32
      scf.if %cond3A_305 {
        %dma_start3A_424 = arith.constant 0 : i32
        %dma_start3A_425 = arith.constant 0 : i32
        %dma_start3A_426 = tpu.memref_slice %arg2[%dma_start3A_424, %dma_start3A_425] : memref<10000x128xf32, #tpu.memory_space<hbm>> -> memref<10000x128xf32, #tpu.memory_space<hbm>>
        tpu.enqueue_indirect_dma source(%dma_start3A_426 : memref<10000x128xf32, #tpu.memory_space<hbm>>) target(%arg27 : memref<48x128xf32, #tpu.memory_space<vmem>>) offsets(%arg15 : memref<48xi32, #tpu.memory_space<vmem>>) semaphore(%arg33 : memref<!tpu.dma_semaphore, #tpu.memory_space<semaphore_mem>>)
      } else {
      }
      %parallel_loop3A = arith.constant 0 : i32
      %parallel_loop3A_306 = arith.constant 48 : i32
      %parallel_loop3A_307 = arith.constant 1 : i32
      scf.for %parallel_loop3A_424 = %parallel_loop3A to %parallel_loop3A_306 step %parallel_loop3A_307  : i32 {
        %parallel_loop3A_425 = vector.broadcast %parallel_loop3A_424 : i32 to vector<16xi32>
        %parallel_loop3A_426 = tpu.vector_load_idx %arg22[%parallel_loop3A_425] : memref<48xf32, #tpu.memory_space<vmem>>[vector<16xi32>], vector<16xf32>,
        %parallel_loop3A_427 = arith.index_cast %parallel_loop3A_424 : i32 to index
        %parallel_loop3A_428 = arith.constant 0 : index
        %parallel_loop3A_429 = tpu.vector_load %arg25[%parallel_loop3A_427, %parallel_loop3A_428] {strides = array<i32>} : memref<48x128xf32, #tpu.memory_space<vmem>>, vector<16xf32>,
        %parallel_loop3A_430 = arith.mulf %parallel_loop3A_429, %parallel_loop3A_426 : vector<16xf32>
        %parallel_loop3A_431 = arith.index_cast %parallel_loop3A_424 : i32 to index
        %parallel_loop3A_432 = arith.constant 0 : index
        %parallel_loop3A_433 = tpu.vector_load %arg25[%parallel_loop3A_431, %parallel_loop3A_432] {strides = array<i32>} : memref<48x128xf32, #tpu.memory_space<vmem>>, vector<16xf32>,
        tpu.vector_store %arg25[%parallel_loop3A_431, %parallel_loop3A_432], %parallel_loop3A_430 {strides = array<i32>} : memref<48x128xf32, #tpu.memory_space<vmem>>, vector<16xf32>,
        %parallel_loop3A_434 = arith.index_cast %parallel_loop3A_424 : i32 to index
        %parallel_loop3A_435 = arith.constant 16 : index
        %parallel_loop3A_436 = tpu.vector_load %arg25[%parallel_loop3A_434, %parallel_loop3A_435] {strides = array<i32>} : memref<48x128xf32, #tpu.memory_space<vmem>>, vector<16xf32>,
        %parallel_loop3A_437 = arith.mulf %parallel_loop3A_436, %parallel_loop3A_426 : vector<16xf32>
        %parallel_loop3A_438 = arith.index_cast %parallel_loop3A_424 : i32 to index
        %parallel_loop3A_439 = arith.constant 16 : index
        %parallel_loop3A_440 = tpu.vector_load %arg25[%parallel_loop3A_438, %parallel_loop3A_439] {strides = array<i32>} : memref<48x128xf32, #tpu.memory_space<vmem>>, vector<16xf32>,
        tpu.vector_store %arg25[%parallel_loop3A_438, %parallel_loop3A_439], %parallel_loop3A_437 {strides = array<i32>} : memref<48x128xf32, #tpu.memory_space<vmem>>, vector<16xf32>,
        %parallel_loop3A_441 = arith.index_cast %parallel_loop3A_424 : i32 to index
        %parallel_loop3A_442 = arith.constant 32 : index
        %parallel_loop3A_443 = tpu.vector_load %arg25[%parallel_loop3A_441, %parallel_loop3A_442] {strides = array<i32>} : memref<48x128xf32, #tpu.memory_space<vmem>>, vector<16xf32>,
        %parallel_loop3A_444 = arith.mulf %parallel_loop3A_443, %parallel_loop3A_426 : vector<16xf32>
        %parallel_loop3A_445 = arith.index_cast %parallel_loop3A_424 : i32 to index
        %parallel_loop3A_446 = arith.constant 32 : index
        %parallel_loop3A_447 = tpu.vector_load %arg25[%parallel_loop3A_445, %parallel_loop3A_446] {strides = array<i32>} : memref<48x128xf32, #tpu.memory_space<vmem>>, vector<16xf32>,
        tpu.vector_store %arg25[%parallel_loop3A_445, %parallel_loop3A_446], %parallel_loop3A_444 {strides = array<i32>} : memref<48x128xf32, #tpu.memory_space<vmem>>, vector<16xf32>,
        %parallel_loop3A_448 = arith.index_cast %parallel_loop3A_424 : i32 to index
        %parallel_loop3A_449 = arith.constant 48 : index
        %parallel_loop3A_450 = tpu.vector_load %arg25[%parallel_loop3A_448, %parallel_loop3A_449] {strides = array<i32>} : memref<48x128xf32, #tpu.memory_space<vmem>>, vector<16xf32>,
        %parallel_loop3A_451 = arith.mulf %parallel_loop3A_450, %parallel_loop3A_426 : vector<16xf32>
        %parallel_loop3A_452 = arith.index_cast %parallel_loop3A_424 : i32 to index
        %parallel_loop3A_453 = arith.constant 48 : index
        %parallel_loop3A_454 = tpu.vector_load %arg25[%parallel_loop3A_452, %parallel_loop3A_453] {strides = array<i32>} : memref<48x128xf32, #tpu.memory_space<vmem>>, vector<16xf32>,
        tpu.vector_store %arg25[%parallel_loop3A_452, %parallel_loop3A_453], %parallel_loop3A_451 {strides = array<i32>} : memref<48x128xf32, #tpu.memory_space<vmem>>, vector<16xf32>,
        %parallel_loop3A_455 = arith.index_cast %parallel_loop3A_424 : i32 to index
        %parallel_loop3A_456 = arith.constant 64 : index
        %parallel_loop3A_457 = tpu.vector_load %arg25[%parallel_loop3A_455, %parallel_loop3A_456] {strides = array<i32>} : memref<48x128xf32, #tpu.memory_space<vmem>>, vector<16xf32>,
        %parallel_loop3A_458 = arith.mulf %parallel_loop3A_457, %parallel_loop3A_426 : vector<16xf32>
        %parallel_loop3A_459 = arith.index_cast %parallel_loop3A_424 : i32 to index
        %parallel_loop3A_460 = arith.constant 64 : index
        %parallel_loop3A_461 = tpu.vector_load %arg25[%parallel_loop3A_459, %parallel_loop3A_460] {strides = array<i32>} : memref<48x128xf32, #tpu.memory_space<vmem>>, vector<16xf32>,
        tpu.vector_store %arg25[%parallel_loop3A_459, %parallel_loop3A_460], %parallel_loop3A_458 {strides = array<i32>} : memref<48x128xf32, #tpu.memory_space<vmem>>, vector<16xf32>,
        %parallel_loop3A_462 = arith.index_cast %parallel_loop3A_424 : i32 to index
        %parallel_loop3A_463 = arith.constant 80 : index
        %parallel_loop3A_464 = tpu.vector_load %arg25[%parallel_loop3A_462, %parallel_loop3A_463] {strides = array<i32>} : memref<48x128xf32, #tpu.memory_space<vmem>>, vector<16xf32>,
        %parallel_loop3A_465 = arith.mulf %parallel_loop3A_464, %parallel_loop3A_426 : vector<16xf32>
        %parallel_loop3A_466 = arith.index_cast %parallel_loop3A_424 : i32 to index
        %parallel_loop3A_467 = arith.constant 80 : index
        %parallel_loop3A_468 = tpu.vector_load %arg25[%parallel_loop3A_466, %parallel_loop3A_467] {strides = array<i32>} : memref<48x128xf32, #tpu.memory_space<vmem>>, vector<16xf32>,
        tpu.vector_store %arg25[%parallel_loop3A_466, %parallel_loop3A_467], %parallel_loop3A_465 {strides = array<i32>} : memref<48x128xf32, #tpu.memory_space<vmem>>, vector<16xf32>,
        %parallel_loop3A_469 = arith.index_cast %parallel_loop3A_424 : i32 to index
        %parallel_loop3A_470 = arith.constant 96 : index
        %parallel_loop3A_471 = tpu.vector_load %arg25[%parallel_loop3A_469, %parallel_loop3A_470] {strides = array<i32>} : memref<48x128xf32, #tpu.memory_space<vmem>>, vector<16xf32>,
        %parallel_loop3A_472 = arith.mulf %parallel_loop3A_471, %parallel_loop3A_426 : vector<16xf32>
        %parallel_loop3A_473 = arith.index_cast %parallel_loop3A_424 : i32 to index
        %parallel_loop3A_474 = arith.constant 96 : index
        %parallel_loop3A_475 = tpu.vector_load %arg25[%parallel_loop3A_473, %parallel_loop3A_474] {strides = array<i32>} : memref<48x128xf32, #tpu.memory_space<vmem>>, vector<16xf32>,
        tpu.vector_store %arg25[%parallel_loop3A_473, %parallel_loop3A_474], %parallel_loop3A_472 {strides = array<i32>} : memref<48x128xf32, #tpu.memory_space<vmem>>, vector<16xf32>,
        %parallel_loop3A_476 = arith.index_cast %parallel_loop3A_424 : i32 to index
        %parallel_loop3A_477 = arith.constant 112 : index
        %parallel_loop3A_478 = tpu.vector_load %arg25[%parallel_loop3A_476, %parallel_loop3A_477] {strides = array<i32>} : memref<48x128xf32, #tpu.memory_space<vmem>>, vector<16xf32>,
        %parallel_loop3A_479 = arith.mulf %parallel_loop3A_478, %parallel_loop3A_426 : vector<16xf32>
        %parallel_loop3A_480 = arith.index_cast %parallel_loop3A_424 : i32 to index
        %parallel_loop3A_481 = arith.constant 112 : index
        %parallel_loop3A_482 = tpu.vector_load %arg25[%parallel_loop3A_480, %parallel_loop3A_481] {strides = array<i32>} : memref<48x128xf32, #tpu.memory_space<vmem>>, vector<16xf32>,
        tpu.vector_store %arg25[%parallel_loop3A_480, %parallel_loop3A_481], %parallel_loop3A_479 {strides = array<i32>} : memref<48x128xf32, #tpu.memory_space<vmem>>, vector<16xf32>,
      } {sc.loop_unroll_factor = 8 : i64, sc.parallel_access}
      %dma_start3A_308 = arith.constant 0 : i32
      %dma_start3A_309 = arith.constant 0 : i32
      %dma_start3A_310 = tpu.memref_slice %arg9[%dma_start3A_308, %dma_start3A_309] : memref<10000x128xf32, #tpu.memory_space<vmem_shared>> -> memref<10000x128xf32, #tpu.memory_space<vmem_shared>>
      tpu.enqueue_indirect_dma source(%arg25 : memref<48x128xf32, #tpu.memory_space<vmem>>) target(%dma_start3A_310 : memref<10000x128xf32, #tpu.memory_space<vmem_shared>>) offsets(%arg19 : memref<48xi32, #tpu.memory_space<vmem>>) semaphore(%arg34 : memref<!tpu.dma_semaphore, #tpu.memory_space<semaphore_mem>>) {add = true}
      %mul3A_311 = arith.constant 3 : i32
      %mul3A_312 = arith.muli %scan3A_260, %mul3A_311 : i32
      %add3A_313 = arith.constant 1 : i32
      %add3A_314 = arith.addi %mul3A_312, %add3A_313 : i32
      %add3A_315 = arith.constant 2 : i32
      %add3A_316 = arith.addi %add3A_314, %add3A_315 : i32
      %lt3A_317 = arith.constant 216 : i32
      %lt3A_318 = arith.cmpi slt, %add3A_316, %lt3A_317 : i32
      %convert_element_type3A_319 = arith.extui %lt3A_318 : i1 to i32
      %cond3A_320 = arith.constant 0 : i32
      %cond3A_321 = arith.cmpi ne, %convert_element_type3A_319, %cond3A_320 : i32
      scf.if %cond3A_321 {
        %add3A_424 = arith.constant 2 : i32
        %add3A_425 = arith.addi %add3A_314, %add3A_424 : i32
        %mul3A_426 = arith.constant 216 : i32
        %mul3A_427 = arith.muli %add3A, %mul3A_426 : i32
        %add3A_428 = arith.addi %mul3A_427, %add3A_425 : i32
        %mul3A_429 = arith.constant 48 : i32
        %mul3A_430 = arith.muli %add3A_428, %mul3A_429 : i32
        %dma_wait3A_431 = tpu.memref_slice %arg3[%mul3A_430] : memref<331776xi32, #tpu.memory_space<hbm>> -> memref<48xi32, #tpu.memory_space<hbm>>
        %dma_wait3A_432 = tpu.memref_slice %arg3[%mul3A_430] : memref<331776xi32, #tpu.memory_space<hbm>> -> memref<48xi32, #tpu.memory_space<hbm>>
        tpu.wait_dma2 semaphore(%arg28 : memref<!tpu.dma_semaphore, #tpu.memory_space<semaphore_mem>>) src(%dma_wait3A_432 : memref<48xi32, #tpu.memory_space<hbm>>) dst(%arg13 : memref<48xi32, #tpu.memory_space<vmem>>)
        %dma_wait3A_433 = tpu.memref_slice %arg4[%mul3A_430] : memref<331776xi32, #tpu.memory_space<hbm>> -> memref<48xi32, #tpu.memory_space<hbm>>
        %dma_wait3A_434 = tpu.memref_slice %arg4[%mul3A_430] : memref<331776xi32, #tpu.memory_space<hbm>> -> memref<48xi32, #tpu.memory_space<hbm>>
        tpu.wait_dma2 semaphore(%arg28 : memref<!tpu.dma_semaphore, #tpu.memory_space<semaphore_mem>>) src(%dma_wait3A_434 : memref<48xi32, #tpu.memory_space<hbm>>) dst(%arg16 : memref<48xi32, #tpu.memory_space<vmem>>)
        %add3A_435 = arith.constant 2 : i32
        %add3A_436 = arith.addi %add3A_314, %add3A_435 : i32
        %mul3A_437 = arith.constant 216 : i32
        %mul3A_438 = arith.muli %add3A, %mul3A_437 : i32
        %add3A_439 = arith.addi %mul3A_438, %add3A_436 : i32
        %mul3A_440 = arith.constant 48 : i32
        %mul3A_441 = arith.muli %add3A_439, %mul3A_440 : i32
        %scan3A_442 = arith.constant 0 : i32
        %scan3A_443 = arith.constant 0 : i32
        %scan3A_444 = arith.constant 3 : i32
        %scan3A_445 = arith.addi %scan3A_443, %scan3A_444 : i32
        %scan3A_446 = arith.constant 1 : i32
        %scan3A_447 = scf.for %scan3A_449 = %scan3A_443 to %scan3A_445 step %scan3A_446 iter_args(%scan3A_450 = %scan3A_442) -> (i32)  : i32 {
          %mul3A_451 = arith.constant 16 : i32
          %mul3A_452 = arith.muli %scan3A_449, %mul3A_451 : i32
          %get3A_453 = arith.index_cast %mul3A_452 : i32 to index
          %get3A_454 = tpu.vector_load %arg13[%get3A_453] {strides = array<i32>} : memref<48xi32, #tpu.memory_space<vmem>>, vector<16xi32>,
          %mul3A_455 = arith.constant 16 : i32
          %mul3A_456 = arith.muli %scan3A_449, %mul3A_455 : i32
          %get3A_457 = arith.index_cast %mul3A_456 : i32 to index
          %get3A_458 = tpu.vector_load %arg16[%get3A_457] {strides = array<i32>} : memref<48xi32, #tpu.memory_space<vmem>>, vector<16xi32>,
          %gather3A = tpu.vector_load_idx %arg10[%get3A_454] : memref<10000xf32, #tpu.memory_space<vmem>>[vector<16xi32>], vector<16xf32>,
          %gather3A_459 = tpu.vector_load_idx %arg11[%get3A_458] : memref<10000xf32, #tpu.memory_space<vmem>>[vector<16xi32>], vector<16xf32>,
          %add3A_460 = arith.addf %gather3A, %gather3A_459 : vector<16xf32>
          %gt3A = arith.constant 0.000000e+00 : f32
          %gt3A_461 = vector.broadcast %gt3A : f32 to vector<16xf32>
          %gt3A_462 = arith.cmpf ogt, %add3A_460, %gt3A_461 : vector<16xf32>
          %mul3A_463 = arith.constant 2.000000e-01 : f32
          %mul3A_464 = vector.broadcast %mul3A_463 : f32 to vector<16xf32>
          %mul3A_465 = arith.mulf %mul3A_464, %add3A_460 : vector<16xf32>
          %select_n3A = arith.select %gt3A_462, %add3A_460, %mul3A_465 : vector<16xi1>, vector<16xf32>
          %mul3A_466 = arith.constant 16 : i32
          %mul3A_467 = arith.muli %scan3A_449, %mul3A_466 : i32
          %add3A_468 = arith.addi %mul3A_441, %mul3A_467 : i32
          %iota3A = tpu.iota {dimensions = array<i32: 0>} : vector<16xi32>
          %add3A_469 = vector.broadcast %add3A_468 : i32 to vector<16xi32>
          %add3A_470 = arith.addi %add3A_469, %iota3A : vector<16xi32>
          %lt3A_471 = arith.constant 330000 : i32
          %lt3A_472 = vector.broadcast %lt3A_471 : i32 to vector<16xi32>
          %lt3A_473 = arith.cmpi slt, %add3A_470, %lt3A_472 : vector<16xi32>
          %exp3A = math.exp %select_n3A : vector<16xf32>
          %jit3A = arith.constant 0.000000e+00 : f32
          %broadcast_in_dim3A_474 = vector.broadcast %jit3A : f32 to vector<16xf32>
          %select_n3A_475 = arith.select %lt3A_473, %exp3A, %broadcast_in_dim3A_474 : vector<16xi1>, vector<16xf32>
          %mul3A_476 = arith.constant 16 : i32
          %mul3A_477 = arith.muli %scan3A_449, %mul3A_476 : i32
          %swap3A_478 = arith.index_cast %mul3A_477 : i32 to index
          %swap3A_479 = tpu.vector_load %arg22[%swap3A_478] {strides = array<i32>} : memref<48xf32, #tpu.memory_space<vmem>>, vector<16xf32>,
          tpu.vector_store %arg22[%swap3A_478], %select_n3A_475 {strides = array<i32>} : memref<48xf32, #tpu.memory_space<vmem>>, vector<16xf32>,
          tpu.vector_store_idx %arg12[%broadcast_in_dim3A_106, %get3A_458], %select_n3A_475 {add = true} : memref<1x10000xf32, #tpu.memory_space<vmem>>[vector<16xi32>, vector<16xi32>], vector<16xf32>,
          %scan3A_480 = arith.constant 0 : i32
          scf.yield %scan3A_480 : i32
        }
        %scan3A_448 = arith.constant 3 : i32
      } else {
      }
      %dma_wait3A_322 = arith.constant 0 : i32
      %dma_wait3A_323 = arith.constant 0 : i32
      %dma_wait3A_324 = tpu.memref_slice %arg2[%dma_wait3A_322, %dma_wait3A_323] : memref<10000x128xf32, #tpu.memory_space<hbm>> -> memref<10000x128xf32, #tpu.memory_space<hbm>>
      tpu.wait_indirect_dma semaphore(%arg32 : memref<!tpu.dma_semaphore, #tpu.memory_space<semaphore_mem>>) src(%dma_wait3A_324 : memref<10000x128xf32, #tpu.memory_space<hbm>>) dst(%arg26 : memref<48x128xf32, #tpu.memory_space<vmem>>)
      %get3A_325 = arith.constant 0 : index
      %get3A_326 = tpu.vector_load %arg17[%get3A_325] {strides = array<i32>} : memref<48xi32, #tpu.memory_space<vmem>>, vector<16xi32>,
      %swap3A_327 = arith.constant 0 : index
      %swap3A_328 = tpu.vector_load %arg20[%swap3A_327] {strides = array<i32>} : memref<48xi32, #tpu.memory_space<vmem>>, vector<16xi32>,
      tpu.vector_store %arg20[%swap3A_327], %get3A_326 {strides = array<i32>} : memref<48xi32, #tpu.memory_space<vmem>>, vector<16xi32>,
      %get3A_329 = arith.constant 16 : index
      %get3A_330 = tpu.vector_load %arg17[%get3A_329] {strides = array<i32>} : memref<48xi32, #tpu.memory_space<vmem>>, vector<16xi32>,
      %swap3A_331 = arith.constant 16 : index
      %swap3A_332 = tpu.vector_load %arg20[%swap3A_331] {strides = array<i32>} : memref<48xi32, #tpu.memory_space<vmem>>, vector<16xi32>,
      tpu.vector_store %arg20[%swap3A_331], %get3A_330 {strides = array<i32>} : memref<48xi32, #tpu.memory_space<vmem>>, vector<16xi32>,
      %get3A_333 = arith.constant 32 : index
      %get3A_334 = tpu.vector_load %arg17[%get3A_333] {strides = array<i32>} : memref<48xi32, #tpu.memory_space<vmem>>, vector<16xi32>,
      %swap3A_335 = arith.constant 32 : index
      %swap3A_336 = tpu.vector_load %arg20[%swap3A_335] {strides = array<i32>} : memref<48xi32, #tpu.memory_space<vmem>>, vector<16xi32>,
      tpu.vector_store %arg20[%swap3A_335], %get3A_334 {strides = array<i32>} : memref<48xi32, #tpu.memory_space<vmem>>, vector<16xi32>,
      %add3A_337 = arith.constant 3 : i32
      %add3A_338 = arith.addi %add3A_314, %add3A_337 : i32
      %lt3A_339 = arith.constant 216 : i32
      %lt3A_340 = arith.cmpi slt, %add3A_338, %lt3A_339 : i32
      %convert_element_type3A_341 = arith.extui %lt3A_340 : i1 to i32
      %cond3A_342 = arith.constant 0 : i32
      %cond3A_343 = arith.cmpi ne, %convert_element_type3A_341, %cond3A_342 : i32
      scf.if %cond3A_343 {
        %add3A_424 = arith.constant 3 : i32
        %add3A_425 = arith.addi %add3A_314, %add3A_424 : i32
        %mul3A_426 = arith.constant 216 : i32
        %mul3A_427 = arith.muli %add3A, %mul3A_426 : i32
        %add3A_428 = arith.addi %mul3A_427, %add3A_425 : i32
        %mul3A_429 = arith.constant 48 : i32
        %mul3A_430 = arith.muli %add3A_428, %mul3A_429 : i32
        %dma_start3A_431 = tpu.memref_slice %arg3[%mul3A_430] : memref<331776xi32, #tpu.memory_space<hbm>> -> memref<48xi32, #tpu.memory_space<hbm>>
        %dma_start3A_432 = tpu.memref_slice %arg3[%mul3A_430] : memref<331776xi32, #tpu.memory_space<hbm>> -> memref<48xi32, #tpu.memory_space<hbm>>
        tpu.enqueue_dma source(%dma_start3A_432 : memref<48xi32, #tpu.memory_space<hbm>>) target(%arg14 : memref<48xi32, #tpu.memory_space<vmem>>) target_semaphore(%arg29 : memref<!tpu.dma_semaphore, #tpu.memory_space<semaphore_mem>>)
        %dma_start3A_433 = tpu.memref_slice %arg4[%mul3A_430] : memref<331776xi32, #tpu.memory_space<hbm>> -> memref<48xi32, #tpu.memory_space<hbm>>
        %dma_start3A_434 = tpu.memref_slice %arg4[%mul3A_430] : memref<331776xi32, #tpu.memory_space<hbm>> -> memref<48xi32, #tpu.memory_space<hbm>>
        tpu.enqueue_dma source(%dma_start3A_434 : memref<48xi32, #tpu.memory_space<hbm>>) target(%arg17 : memref<48xi32, #tpu.memory_space<vmem>>) target_semaphore(%arg29 : memref<!tpu.dma_semaphore, #tpu.memory_space<semaphore_mem>>)
      } else {
      }
      %ge3A_344 = arith.constant 1 : i32
      %ge3A_345 = arith.cmpi sge, %add3A_314, %ge3A_344 : i32
      %add3A_346 = arith.constant 2 : i32
      %add3A_347 = arith.addi %add3A_314, %add3A_346 : i32
      %lt3A_348 = arith.constant 216 : i32
      %lt3A_349 = arith.cmpi slt, %add3A_347, %lt3A_348 : i32
      %and3A_350 = arith.andi %ge3A_345, %lt3A_349 : i1
      %convert_element_type3A_351 = arith.extui %and3A_350 : i1 to i32
      %cond3A_352 = arith.constant 0 : i32
      %cond3A_353 = arith.cmpi ne, %convert_element_type3A_351, %cond3A_352 : i32
      scf.if %cond3A_353 {
        %dma_wait3A_424 = arith.constant 0 : i32
        %dma_wait3A_425 = arith.constant 0 : i32
        %dma_wait3A_426 = tpu.memref_slice %arg9[%dma_wait3A_424, %dma_wait3A_425] : memref<10000x128xf32, #tpu.memory_space<vmem_shared>> -> memref<10000x128xf32, #tpu.memory_space<vmem_shared>>
        tpu.wait_indirect_dma semaphore(%arg34 : memref<!tpu.dma_semaphore, #tpu.memory_space<semaphore_mem>>) src(%arg25 : memref<48x128xf32, #tpu.memory_space<vmem>>) dst(%dma_wait3A_426 : memref<10000x128xf32, #tpu.memory_space<vmem_shared>>)
      } else {
      }
      %add3A_354 = arith.constant 2 : i32
      %add3A_355 = arith.addi %add3A_314, %add3A_354 : i32
      %lt3A_356 = arith.constant 216 : i32
      %lt3A_357 = arith.cmpi slt, %add3A_355, %lt3A_356 : i32
      %convert_element_type3A_358 = arith.extui %lt3A_357 : i1 to i32
      %cond3A_359 = arith.constant 0 : i32
      %cond3A_360 = arith.cmpi ne, %convert_element_type3A_358, %cond3A_359 : i32
      scf.if %cond3A_360 {
        %dma_start3A_424 = arith.constant 0 : i32
        %dma_start3A_425 = arith.constant 0 : i32
        %dma_start3A_426 = tpu.memref_slice %arg2[%dma_start3A_424, %dma_start3A_425] : memref<10000x128xf32, #tpu.memory_space<hbm>> -> memref<10000x128xf32, #tpu.memory_space<hbm>>
        tpu.enqueue_indirect_dma source(%dma_start3A_426 : memref<10000x128xf32, #tpu.memory_space<hbm>>) target(%arg25 : memref<48x128xf32, #tpu.memory_space<vmem>>) offsets(%arg13 : memref<48xi32, #tpu.memory_space<vmem>>) semaphore(%arg31 : memref<!tpu.dma_semaphore, #tpu.memory_space<semaphore_mem>>)
      } else {
      }
      %parallel_loop3A_361 = arith.constant 0 : i32
      %parallel_loop3A_362 = arith.constant 48 : i32
      %parallel_loop3A_363 = arith.constant 1 : i32
      scf.for %parallel_loop3A_424 = %parallel_loop3A_361 to %parallel_loop3A_362 step %parallel_loop3A_363  : i32 {
        %parallel_loop3A_425 = vector.broadcast %parallel_loop3A_424 : i32 to vector<16xi32>
        %parallel_loop3A_426 = tpu.vector_load_idx %arg23[%parallel_loop3A_425] : memref<48xf32, #tpu.memory_space<vmem>>[vector<16xi32>], vector<16xf32>,
        %parallel_loop3A_427 = arith.index_cast %parallel_loop3A_424 : i32 to index
        %parallel_loop3A_428 = arith.constant 0 : index
        %parallel_loop3A_429 = tpu.vector_load %arg26[%parallel_loop3A_427, %parallel_loop3A_428] {strides = array<i32>} : memref<48x128xf32, #tpu.memory_space<vmem>>, vector<16xf32>,
        %parallel_loop3A_430 = arith.mulf %parallel_loop3A_429, %parallel_loop3A_426 : vector<16xf32>
        %parallel_loop3A_431 = arith.index_cast %parallel_loop3A_424 : i32 to index
        %parallel_loop3A_432 = arith.constant 0 : index
        %parallel_loop3A_433 = tpu.vector_load %arg26[%parallel_loop3A_431, %parallel_loop3A_432] {strides = array<i32>} : memref<48x128xf32, #tpu.memory_space<vmem>>, vector<16xf32>,
        tpu.vector_store %arg26[%parallel_loop3A_431, %parallel_loop3A_432], %parallel_loop3A_430 {strides = array<i32>} : memref<48x128xf32, #tpu.memory_space<vmem>>, vector<16xf32>,
        %parallel_loop3A_434 = arith.index_cast %parallel_loop3A_424 : i32 to index
        %parallel_loop3A_435 = arith.constant 16 : index
        %parallel_loop3A_436 = tpu.vector_load %arg26[%parallel_loop3A_434, %parallel_loop3A_435] {strides = array<i32>} : memref<48x128xf32, #tpu.memory_space<vmem>>, vector<16xf32>,
        %parallel_loop3A_437 = arith.mulf %parallel_loop3A_436, %parallel_loop3A_426 : vector<16xf32>
        %parallel_loop3A_438 = arith.index_cast %parallel_loop3A_424 : i32 to index
        %parallel_loop3A_439 = arith.constant 16 : index
        %parallel_loop3A_440 = tpu.vector_load %arg26[%parallel_loop3A_438, %parallel_loop3A_439] {strides = array<i32>} : memref<48x128xf32, #tpu.memory_space<vmem>>, vector<16xf32>,
        tpu.vector_store %arg26[%parallel_loop3A_438, %parallel_loop3A_439], %parallel_loop3A_437 {strides = array<i32>} : memref<48x128xf32, #tpu.memory_space<vmem>>, vector<16xf32>,
        %parallel_loop3A_441 = arith.index_cast %parallel_loop3A_424 : i32 to index
        %parallel_loop3A_442 = arith.constant 32 : index
        %parallel_loop3A_443 = tpu.vector_load %arg26[%parallel_loop3A_441, %parallel_loop3A_442] {strides = array<i32>} : memref<48x128xf32, #tpu.memory_space<vmem>>, vector<16xf32>,
        %parallel_loop3A_444 = arith.mulf %parallel_loop3A_443, %parallel_loop3A_426 : vector<16xf32>
        %parallel_loop3A_445 = arith.index_cast %parallel_loop3A_424 : i32 to index
        %parallel_loop3A_446 = arith.constant 32 : index
        %parallel_loop3A_447 = tpu.vector_load %arg26[%parallel_loop3A_445, %parallel_loop3A_446] {strides = array<i32>} : memref<48x128xf32, #tpu.memory_space<vmem>>, vector<16xf32>,
        tpu.vector_store %arg26[%parallel_loop3A_445, %parallel_loop3A_446], %parallel_loop3A_444 {strides = array<i32>} : memref<48x128xf32, #tpu.memory_space<vmem>>, vector<16xf32>,
        %parallel_loop3A_448 = arith.index_cast %parallel_loop3A_424 : i32 to index
        %parallel_loop3A_449 = arith.constant 48 : index
        %parallel_loop3A_450 = tpu.vector_load %arg26[%parallel_loop3A_448, %parallel_loop3A_449] {strides = array<i32>} : memref<48x128xf32, #tpu.memory_space<vmem>>, vector<16xf32>,
        %parallel_loop3A_451 = arith.mulf %parallel_loop3A_450, %parallel_loop3A_426 : vector<16xf32>
        %parallel_loop3A_452 = arith.index_cast %parallel_loop3A_424 : i32 to index
        %parallel_loop3A_453 = arith.constant 48 : index
        %parallel_loop3A_454 = tpu.vector_load %arg26[%parallel_loop3A_452, %parallel_loop3A_453] {strides = array<i32>} : memref<48x128xf32, #tpu.memory_space<vmem>>, vector<16xf32>,
        tpu.vector_store %arg26[%parallel_loop3A_452, %parallel_loop3A_453], %parallel_loop3A_451 {strides = array<i32>} : memref<48x128xf32, #tpu.memory_space<vmem>>, vector<16xf32>,
        %parallel_loop3A_455 = arith.index_cast %parallel_loop3A_424 : i32 to index
        %parallel_loop3A_456 = arith.constant 64 : index
        %parallel_loop3A_457 = tpu.vector_load %arg26[%parallel_loop3A_455, %parallel_loop3A_456] {strides = array<i32>} : memref<48x128xf32, #tpu.memory_space<vmem>>, vector<16xf32>,
        %parallel_loop3A_458 = arith.mulf %parallel_loop3A_457, %parallel_loop3A_426 : vector<16xf32>
        %parallel_loop3A_459 = arith.index_cast %parallel_loop3A_424 : i32 to index
        %parallel_loop3A_460 = arith.constant 64 : index
        %parallel_loop3A_461 = tpu.vector_load %arg26[%parallel_loop3A_459, %parallel_loop3A_460] {strides = array<i32>} : memref<48x128xf32, #tpu.memory_space<vmem>>, vector<16xf32>,
        tpu.vector_store %arg26[%parallel_loop3A_459, %parallel_loop3A_460], %parallel_loop3A_458 {strides = array<i32>} : memref<48x128xf32, #tpu.memory_space<vmem>>, vector<16xf32>,
        %parallel_loop3A_462 = arith.index_cast %parallel_loop3A_424 : i32 to index
        %parallel_loop3A_463 = arith.constant 80 : index
        %parallel_loop3A_464 = tpu.vector_load %arg26[%parallel_loop3A_462, %parallel_loop3A_463] {strides = array<i32>} : memref<48x128xf32, #tpu.memory_space<vmem>>, vector<16xf32>,
        %parallel_loop3A_465 = arith.mulf %parallel_loop3A_464, %parallel_loop3A_426 : vector<16xf32>
        %parallel_loop3A_466 = arith.index_cast %parallel_loop3A_424 : i32 to index
        %parallel_loop3A_467 = arith.constant 80 : index
        %parallel_loop3A_468 = tpu.vector_load %arg26[%parallel_loop3A_466, %parallel_loop3A_467] {strides = array<i32>} : memref<48x128xf32, #tpu.memory_space<vmem>>, vector<16xf32>,
        tpu.vector_store %arg26[%parallel_loop3A_466, %parallel_loop3A_467], %parallel_loop3A_465 {strides = array<i32>} : memref<48x128xf32, #tpu.memory_space<vmem>>, vector<16xf32>,
        %parallel_loop3A_469 = arith.index_cast %parallel_loop3A_424 : i32 to index
        %parallel_loop3A_470 = arith.constant 96 : index
        %parallel_loop3A_471 = tpu.vector_load %arg26[%parallel_loop3A_469, %parallel_loop3A_470] {strides = array<i32>} : memref<48x128xf32, #tpu.memory_space<vmem>>, vector<16xf32>,
        %parallel_loop3A_472 = arith.mulf %parallel_loop3A_471, %parallel_loop3A_426 : vector<16xf32>
        %parallel_loop3A_473 = arith.index_cast %parallel_loop3A_424 : i32 to index
        %parallel_loop3A_474 = arith.constant 96 : index
        %parallel_loop3A_475 = tpu.vector_load %arg26[%parallel_loop3A_473, %parallel_loop3A_474] {strides = array<i32>} : memref<48x128xf32, #tpu.memory_space<vmem>>, vector<16xf32>,
        tpu.vector_store %arg26[%parallel_loop3A_473, %parallel_loop3A_474], %parallel_loop3A_472 {strides = array<i32>} : memref<48x128xf32, #tpu.memory_space<vmem>>, vector<16xf32>,
        %parallel_loop3A_476 = arith.index_cast %parallel_loop3A_424 : i32 to index
        %parallel_loop3A_477 = arith.constant 112 : index
        %parallel_loop3A_478 = tpu.vector_load %arg26[%parallel_loop3A_476, %parallel_loop3A_477] {strides = array<i32>} : memref<48x128xf32, #tpu.memory_space<vmem>>, vector<16xf32>,
        %parallel_loop3A_479 = arith.mulf %parallel_loop3A_478, %parallel_loop3A_426 : vector<16xf32>
        %parallel_loop3A_480 = arith.index_cast %parallel_loop3A_424 : i32 to index
        %parallel_loop3A_481 = arith.constant 112 : index
        %parallel_loop3A_482 = tpu.vector_load %arg26[%parallel_loop3A_480, %parallel_loop3A_481] {strides = array<i32>} : memref<48x128xf32, #tpu.memory_space<vmem>>, vector<16xf32>,
        tpu.vector_store %arg26[%parallel_loop3A_480, %parallel_loop3A_481], %parallel_loop3A_479 {strides = array<i32>} : memref<48x128xf32, #tpu.memory_space<vmem>>, vector<16xf32>,
      } {sc.loop_unroll_factor = 8 : i64, sc.parallel_access}
      %dma_start3A_364 = arith.constant 0 : i32
      %dma_start3A_365 = arith.constant 0 : i32
      %dma_start3A_366 = tpu.memref_slice %arg9[%dma_start3A_364, %dma_start3A_365] : memref<10000x128xf32, #tpu.memory_space<vmem_shared>> -> memref<10000x128xf32, #tpu.memory_space<vmem_shared>>
      tpu.enqueue_indirect_dma source(%arg26 : memref<48x128xf32, #tpu.memory_space<vmem>>) target(%dma_start3A_366 : memref<10000x128xf32, #tpu.memory_space<vmem_shared>>) offsets(%arg20 : memref<48xi32, #tpu.memory_space<vmem>>) semaphore(%arg35 : memref<!tpu.dma_semaphore, #tpu.memory_space<semaphore_mem>>) {add = true}
      %mul3A_367 = arith.constant 3 : i32
      %mul3A_368 = arith.muli %scan3A_260, %mul3A_367 : i32
      %add3A_369 = arith.constant 2 : i32
      %add3A_370 = arith.addi %mul3A_368, %add3A_369 : i32
      %add3A_371 = arith.constant 2 : i32
      %add3A_372 = arith.addi %add3A_370, %add3A_371 : i32
      %lt3A_373 = arith.constant 216 : i32
      %lt3A_374 = arith.cmpi slt, %add3A_372, %lt3A_373 : i32
      %convert_element_type3A_375 = arith.extui %lt3A_374 : i1 to i32
      %cond3A_376 = arith.constant 0 : i32
      %cond3A_377 = arith.cmpi ne, %convert_element_type3A_375, %cond3A_376 : i32
      scf.if %cond3A_377 {
        %add3A_424 = arith.constant 2 : i32
        %add3A_425 = arith.addi %add3A_370, %add3A_424 : i32
        %mul3A_426 = arith.constant 216 : i32
        %mul3A_427 = arith.muli %add3A, %mul3A_426 : i32
        %add3A_428 = arith.addi %mul3A_427, %add3A_425 : i32
        %mul3A_429 = arith.constant 48 : i32
        %mul3A_430 = arith.muli %add3A_428, %mul3A_429 : i32
        %dma_wait3A_431 = tpu.memref_slice %arg3[%mul3A_430] : memref<331776xi32, #tpu.memory_space<hbm>> -> memref<48xi32, #tpu.memory_space<hbm>>
        %dma_wait3A_432 = tpu.memref_slice %arg3[%mul3A_430] : memref<331776xi32, #tpu.memory_space<hbm>> -> memref<48xi32, #tpu.memory_space<hbm>>
        tpu.wait_dma2 semaphore(%arg29 : memref<!tpu.dma_semaphore, #tpu.memory_space<semaphore_mem>>) src(%dma_wait3A_432 : memref<48xi32, #tpu.memory_space<hbm>>) dst(%arg14 : memref<48xi32, #tpu.memory_space<vmem>>)
        %dma_wait3A_433 = tpu.memref_slice %arg4[%mul3A_430] : memref<331776xi32, #tpu.memory_space<hbm>> -> memref<48xi32, #tpu.memory_space<hbm>>
        %dma_wait3A_434 = tpu.memref_slice %arg4[%mul3A_430] : memref<331776xi32, #tpu.memory_space<hbm>> -> memref<48xi32, #tpu.memory_space<hbm>>
        tpu.wait_dma2 semaphore(%arg29 : memref<!tpu.dma_semaphore, #tpu.memory_space<semaphore_mem>>) src(%dma_wait3A_434 : memref<48xi32, #tpu.memory_space<hbm>>) dst(%arg17 : memref<48xi32, #tpu.memory_space<vmem>>)
        %add3A_435 = arith.constant 2 : i32
        %add3A_436 = arith.addi %add3A_370, %add3A_435 : i32
        %mul3A_437 = arith.constant 216 : i32
        %mul3A_438 = arith.muli %add3A, %mul3A_437 : i32
        %add3A_439 = arith.addi %mul3A_438, %add3A_436 : i32
        %mul3A_440 = arith.constant 48 : i32
        %mul3A_441 = arith.muli %add3A_439, %mul3A_440 : i32
        %scan3A_442 = arith.constant 0 : i32
        %scan3A_443 = arith.constant 0 : i32
        %scan3A_444 = arith.constant 3 : i32
        %scan3A_445 = arith.addi %scan3A_443, %scan3A_444 : i32
        %scan3A_446 = arith.constant 1 : i32
        %scan3A_447 = scf.for %scan3A_449 = %scan3A_443 to %scan3A_445 step %scan3A_446 iter_args(%scan3A_450 = %scan3A_442) -> (i32)  : i32 {
          %mul3A_451 = arith.constant 16 : i32
          %mul3A_452 = arith.muli %scan3A_449, %mul3A_451 : i32
          %get3A_453 = arith.index_cast %mul3A_452 : i32 to index
          %get3A_454 = tpu.vector_load %arg14[%get3A_453] {strides = array<i32>} : memref<48xi32, #tpu.memory_space<vmem>>, vector<16xi32>,
          %mul3A_455 = arith.constant 16 : i32
          %mul3A_456 = arith.muli %scan3A_449, %mul3A_455 : i32
          %get3A_457 = arith.index_cast %mul3A_456 : i32 to index
          %get3A_458 = tpu.vector_load %arg17[%get3A_457] {strides = array<i32>} : memref<48xi32, #tpu.memory_space<vmem>>, vector<16xi32>,
          %gather3A = tpu.vector_load_idx %arg10[%get3A_454] : memref<10000xf32, #tpu.memory_space<vmem>>[vector<16xi32>], vector<16xf32>,
          %gather3A_459 = tpu.vector_load_idx %arg11[%get3A_458] : memref<10000xf32, #tpu.memory_space<vmem>>[vector<16xi32>], vector<16xf32>,
          %add3A_460 = arith.addf %gather3A, %gather3A_459 : vector<16xf32>
          %gt3A = arith.constant 0.000000e+00 : f32
          %gt3A_461 = vector.broadcast %gt3A : f32 to vector<16xf32>
          %gt3A_462 = arith.cmpf ogt, %add3A_460, %gt3A_461 : vector<16xf32>
          %mul3A_463 = arith.constant 2.000000e-01 : f32
          %mul3A_464 = vector.broadcast %mul3A_463 : f32 to vector<16xf32>
          %mul3A_465 = arith.mulf %mul3A_464, %add3A_460 : vector<16xf32>
          %select_n3A = arith.select %gt3A_462, %add3A_460, %mul3A_465 : vector<16xi1>, vector<16xf32>
          %mul3A_466 = arith.constant 16 : i32
          %mul3A_467 = arith.muli %scan3A_449, %mul3A_466 : i32
          %add3A_468 = arith.addi %mul3A_441, %mul3A_467 : i32
          %iota3A = tpu.iota {dimensions = array<i32: 0>} : vector<16xi32>
          %add3A_469 = vector.broadcast %add3A_468 : i32 to vector<16xi32>
          %add3A_470 = arith.addi %add3A_469, %iota3A : vector<16xi32>
          %lt3A_471 = arith.constant 330000 : i32
          %lt3A_472 = vector.broadcast %lt3A_471 : i32 to vector<16xi32>
          %lt3A_473 = arith.cmpi slt, %add3A_470, %lt3A_472 : vector<16xi32>
          %exp3A = math.exp %select_n3A : vector<16xf32>
          %jit3A = arith.constant 0.000000e+00 : f32
          %broadcast_in_dim3A_474 = vector.broadcast %jit3A : f32 to vector<16xf32>
          %select_n3A_475 = arith.select %lt3A_473, %exp3A, %broadcast_in_dim3A_474 : vector<16xi1>, vector<16xf32>
          %mul3A_476 = arith.constant 16 : i32
          %mul3A_477 = arith.muli %scan3A_449, %mul3A_476 : i32
          %swap3A_478 = arith.index_cast %mul3A_477 : i32 to index
          %swap3A_479 = tpu.vector_load %arg23[%swap3A_478] {strides = array<i32>} : memref<48xf32, #tpu.memory_space<vmem>>, vector<16xf32>,
          tpu.vector_store %arg23[%swap3A_478], %select_n3A_475 {strides = array<i32>} : memref<48xf32, #tpu.memory_space<vmem>>, vector<16xf32>,
          tpu.vector_store_idx %arg12[%broadcast_in_dim3A_106, %get3A_458], %select_n3A_475 {add = true} : memref<1x10000xf32, #tpu.memory_space<vmem>>[vector<16xi32>, vector<16xi32>], vector<16xf32>,
          %scan3A_480 = arith.constant 0 : i32
          scf.yield %scan3A_480 : i32
        }
        %scan3A_448 = arith.constant 3 : i32
      } else {
      }
      %dma_wait3A_378 = arith.constant 0 : i32
      %dma_wait3A_379 = arith.constant 0 : i32
      %dma_wait3A_380 = tpu.memref_slice %arg2[%dma_wait3A_378, %dma_wait3A_379] : memref<10000x128xf32, #tpu.memory_space<hbm>> -> memref<10000x128xf32, #tpu.memory_space<hbm>>
      tpu.wait_indirect_dma semaphore(%arg33 : memref<!tpu.dma_semaphore, #tpu.memory_space<semaphore_mem>>) src(%dma_wait3A_380 : memref<10000x128xf32, #tpu.memory_space<hbm>>) dst(%arg27 : memref<48x128xf32, #tpu.memory_space<vmem>>)
      %get3A_381 = arith.constant 0 : index
      %get3A_382 = tpu.vector_load %arg18[%get3A_381] {strides = array<i32>} : memref<48xi32, #tpu.memory_space<vmem>>, vector<16xi32>,
      %swap3A_383 = arith.constant 0 : index
      %swap3A_384 = tpu.vector_load %arg21[%swap3A_383] {strides = array<i32>} : memref<48xi32, #tpu.memory_space<vmem>>, vector<16xi32>,
      tpu.vector_store %arg21[%swap3A_383], %get3A_382 {strides = array<i32>} : memref<48xi32, #tpu.memory_space<vmem>>, vector<16xi32>,
      %get3A_385 = arith.constant 16 : index
      %get3A_386 = tpu.vector_load %arg18[%get3A_385] {strides = array<i32>} : memref<48xi32, #tpu.memory_space<vmem>>, vector<16xi32>,
      %swap3A_387 = arith.constant 16 : index
      %swap3A_388 = tpu.vector_load %arg21[%swap3A_387] {strides = array<i32>} : memref<48xi32, #tpu.memory_space<vmem>>, vector<16xi32>,
      tpu.vector_store %arg21[%swap3A_387], %get3A_386 {strides = array<i32>} : memref<48xi32, #tpu.memory_space<vmem>>, vector<16xi32>,
      %get3A_389 = arith.constant 32 : index
      %get3A_390 = tpu.vector_load %arg18[%get3A_389] {strides = array<i32>} : memref<48xi32, #tpu.memory_space<vmem>>, vector<16xi32>,
      %swap3A_391 = arith.constant 32 : index
      %swap3A_392 = tpu.vector_load %arg21[%swap3A_391] {strides = array<i32>} : memref<48xi32, #tpu.memory_space<vmem>>, vector<16xi32>,
      tpu.vector_store %arg21[%swap3A_391], %get3A_390 {strides = array<i32>} : memref<48xi32, #tpu.memory_space<vmem>>, vector<16xi32>,
      %add3A_393 = arith.constant 3 : i32
      %add3A_394 = arith.addi %add3A_370, %add3A_393 : i32
      %lt3A_395 = arith.constant 216 : i32
      %lt3A_396 = arith.cmpi slt, %add3A_394, %lt3A_395 : i32
      %convert_element_type3A_397 = arith.extui %lt3A_396 : i1 to i32
      %cond3A_398 = arith.constant 0 : i32
      %cond3A_399 = arith.cmpi ne, %convert_element_type3A_397, %cond3A_398 : i32
      scf.if %cond3A_399 {
        %add3A_424 = arith.constant 3 : i32
        %add3A_425 = arith.addi %add3A_370, %add3A_424 : i32
        %mul3A_426 = arith.constant 216 : i32
        %mul3A_427 = arith.muli %add3A, %mul3A_426 : i32
        %add3A_428 = arith.addi %mul3A_427, %add3A_425 : i32
        %mul3A_429 = arith.constant 48 : i32
        %mul3A_430 = arith.muli %add3A_428, %mul3A_429 : i32
        %dma_start3A_431 = tpu.memref_slice %arg3[%mul3A_430] : memref<331776xi32, #tpu.memory_space<hbm>> -> memref<48xi32, #tpu.memory_space<hbm>>
        %dma_start3A_432 = tpu.memref_slice %arg3[%mul3A_430] : memref<331776xi32, #tpu.memory_space<hbm>> -> memref<48xi32, #tpu.memory_space<hbm>>
        tpu.enqueue_dma source(%dma_start3A_432 : memref<48xi32, #tpu.memory_space<hbm>>) target(%arg15 : memref<48xi32, #tpu.memory_space<vmem>>) target_semaphore(%arg30 : memref<!tpu.dma_semaphore, #tpu.memory_space<semaphore_mem>>)
        %dma_start3A_433 = tpu.memref_slice %arg4[%mul3A_430] : memref<331776xi32, #tpu.memory_space<hbm>> -> memref<48xi32, #tpu.memory_space<hbm>>
        %dma_start3A_434 = tpu.memref_slice %arg4[%mul3A_430] : memref<331776xi32, #tpu.memory_space<hbm>> -> memref<48xi32, #tpu.memory_space<hbm>>
        tpu.enqueue_dma source(%dma_start3A_434 : memref<48xi32, #tpu.memory_space<hbm>>) target(%arg18 : memref<48xi32, #tpu.memory_space<vmem>>) target_semaphore(%arg30 : memref<!tpu.dma_semaphore, #tpu.memory_space<semaphore_mem>>)
      } else {
      }
      %ge3A_400 = arith.constant 1 : i32
      %ge3A_401 = arith.cmpi sge, %add3A_370, %ge3A_400 : i32
      %add3A_402 = arith.constant 2 : i32
      %add3A_403 = arith.addi %add3A_370, %add3A_402 : i32
      %lt3A_404 = arith.constant 216 : i32
      %lt3A_405 = arith.cmpi slt, %add3A_403, %lt3A_404 : i32
      %and3A_406 = arith.andi %ge3A_401, %lt3A_405 : i1
      %convert_element_type3A_407 = arith.extui %and3A_406 : i1 to i32
      %cond3A_408 = arith.constant 0 : i32
      %cond3A_409 = arith.cmpi ne, %convert_element_type3A_407, %cond3A_408 : i32
      scf.if %cond3A_409 {
        %dma_wait3A_424 = arith.constant 0 : i32
        %dma_wait3A_425 = arith.constant 0 : i32
        %dma_wait3A_426 = tpu.memref_slice %arg9[%dma_wait3A_424, %dma_wait3A_425] : memref<10000x128xf32, #tpu.memory_space<vmem_shared>> -> memref<10000x128xf32, #tpu.memory_space<vmem_shared>>
        tpu.wait_indirect_dma semaphore(%arg35 : memref<!tpu.dma_semaphore, #tpu.memory_space<semaphore_mem>>) src(%arg26 : memref<48x128xf32, #tpu.memory_space<vmem>>) dst(%dma_wait3A_426 : memref<10000x128xf32, #tpu.memory_space<vmem_shared>>)
      } else {
      }
      %add3A_410 = arith.constant 2 : i32
      %add3A_411 = arith.addi %add3A_370, %add3A_410 : i32
      %lt3A_412 = arith.constant 216 : i32
      %lt3A_413 = arith.cmpi slt, %add3A_411, %lt3A_412 : i32
      %convert_element_type3A_414 = arith.extui %lt3A_413 : i1 to i32
      %cond3A_415 = arith.constant 0 : i32
      %cond3A_416 = arith.cmpi ne, %convert_element_type3A_414, %cond3A_415 : i32
      scf.if %cond3A_416 {
        %dma_start3A_424 = arith.constant 0 : i32
        %dma_start3A_425 = arith.constant 0 : i32
        %dma_start3A_426 = tpu.memref_slice %arg2[%dma_start3A_424, %dma_start3A_425] : memref<10000x128xf32, #tpu.memory_space<hbm>> -> memref<10000x128xf32, #tpu.memory_space<hbm>>
        tpu.enqueue_indirect_dma source(%dma_start3A_426 : memref<10000x128xf32, #tpu.memory_space<hbm>>) target(%arg26 : memref<48x128xf32, #tpu.memory_space<vmem>>) offsets(%arg14 : memref<48xi32, #tpu.memory_space<vmem>>) semaphore(%arg32 : memref<!tpu.dma_semaphore, #tpu.memory_space<semaphore_mem>>)
      } else {
      }
      %parallel_loop3A_417 = arith.constant 0 : i32
      %parallel_loop3A_418 = arith.constant 48 : i32
      %parallel_loop3A_419 = arith.constant 1 : i32
      scf.for %parallel_loop3A_424 = %parallel_loop3A_417 to %parallel_loop3A_418 step %parallel_loop3A_419  : i32 {
        %parallel_loop3A_425 = vector.broadcast %parallel_loop3A_424 : i32 to vector<16xi32>
        %parallel_loop3A_426 = tpu.vector_load_idx %arg24[%parallel_loop3A_425] : memref<48xf32, #tpu.memory_space<vmem>>[vector<16xi32>], vector<16xf32>,
        %parallel_loop3A_427 = arith.index_cast %parallel_loop3A_424 : i32 to index
        %parallel_loop3A_428 = arith.constant 0 : index
        %parallel_loop3A_429 = tpu.vector_load %arg27[%parallel_loop3A_427, %parallel_loop3A_428] {strides = array<i32>} : memref<48x128xf32, #tpu.memory_space<vmem>>, vector<16xf32>,
        %parallel_loop3A_430 = arith.mulf %parallel_loop3A_429, %parallel_loop3A_426 : vector<16xf32>
        %parallel_loop3A_431 = arith.index_cast %parallel_loop3A_424 : i32 to index
        %parallel_loop3A_432 = arith.constant 0 : index
        %parallel_loop3A_433 = tpu.vector_load %arg27[%parallel_loop3A_431, %parallel_loop3A_432] {strides = array<i32>} : memref<48x128xf32, #tpu.memory_space<vmem>>, vector<16xf32>,
        tpu.vector_store %arg27[%parallel_loop3A_431, %parallel_loop3A_432], %parallel_loop3A_430 {strides = array<i32>} : memref<48x128xf32, #tpu.memory_space<vmem>>, vector<16xf32>,
        %parallel_loop3A_434 = arith.index_cast %parallel_loop3A_424 : i32 to index
        %parallel_loop3A_435 = arith.constant 16 : index
        %parallel_loop3A_436 = tpu.vector_load %arg27[%parallel_loop3A_434, %parallel_loop3A_435] {strides = array<i32>} : memref<48x128xf32, #tpu.memory_space<vmem>>, vector<16xf32>,
        %parallel_loop3A_437 = arith.mulf %parallel_loop3A_436, %parallel_loop3A_426 : vector<16xf32>
        %parallel_loop3A_438 = arith.index_cast %parallel_loop3A_424 : i32 to index
        %parallel_loop3A_439 = arith.constant 16 : index
        %parallel_loop3A_440 = tpu.vector_load %arg27[%parallel_loop3A_438, %parallel_loop3A_439] {strides = array<i32>} : memref<48x128xf32, #tpu.memory_space<vmem>>, vector<16xf32>,
        tpu.vector_store %arg27[%parallel_loop3A_438, %parallel_loop3A_439], %parallel_loop3A_437 {strides = array<i32>} : memref<48x128xf32, #tpu.memory_space<vmem>>, vector<16xf32>,
        %parallel_loop3A_441 = arith.index_cast %parallel_loop3A_424 : i32 to index
        %parallel_loop3A_442 = arith.constant 32 : index
        %parallel_loop3A_443 = tpu.vector_load %arg27[%parallel_loop3A_441, %parallel_loop3A_442] {strides = array<i32>} : memref<48x128xf32, #tpu.memory_space<vmem>>, vector<16xf32>,
        %parallel_loop3A_444 = arith.mulf %parallel_loop3A_443, %parallel_loop3A_426 : vector<16xf32>
        %parallel_loop3A_445 = arith.index_cast %parallel_loop3A_424 : i32 to index
        %parallel_loop3A_446 = arith.constant 32 : index
        %parallel_loop3A_447 = tpu.vector_load %arg27[%parallel_loop3A_445, %parallel_loop3A_446] {strides = array<i32>} : memref<48x128xf32, #tpu.memory_space<vmem>>, vector<16xf32>,
        tpu.vector_store %arg27[%parallel_loop3A_445, %parallel_loop3A_446], %parallel_loop3A_444 {strides = array<i32>} : memref<48x128xf32, #tpu.memory_space<vmem>>, vector<16xf32>,
        %parallel_loop3A_448 = arith.index_cast %parallel_loop3A_424 : i32 to index
        %parallel_loop3A_449 = arith.constant 48 : index
        %parallel_loop3A_450 = tpu.vector_load %arg27[%parallel_loop3A_448, %parallel_loop3A_449] {strides = array<i32>} : memref<48x128xf32, #tpu.memory_space<vmem>>, vector<16xf32>,
        %parallel_loop3A_451 = arith.mulf %parallel_loop3A_450, %parallel_loop3A_426 : vector<16xf32>
        %parallel_loop3A_452 = arith.index_cast %parallel_loop3A_424 : i32 to index
        %parallel_loop3A_453 = arith.constant 48 : index
        %parallel_loop3A_454 = tpu.vector_load %arg27[%parallel_loop3A_452, %parallel_loop3A_453] {strides = array<i32>} : memref<48x128xf32, #tpu.memory_space<vmem>>, vector<16xf32>,
        tpu.vector_store %arg27[%parallel_loop3A_452, %parallel_loop3A_453], %parallel_loop3A_451 {strides = array<i32>} : memref<48x128xf32, #tpu.memory_space<vmem>>, vector<16xf32>,
        %parallel_loop3A_455 = arith.index_cast %parallel_loop3A_424 : i32 to index
        %parallel_loop3A_456 = arith.constant 64 : index
        %parallel_loop3A_457 = tpu.vector_load %arg27[%parallel_loop3A_455, %parallel_loop3A_456] {strides = array<i32>} : memref<48x128xf32, #tpu.memory_space<vmem>>, vector<16xf32>,
        %parallel_loop3A_458 = arith.mulf %parallel_loop3A_457, %parallel_loop3A_426 : vector<16xf32>
        %parallel_loop3A_459 = arith.index_cast %parallel_loop3A_424 : i32 to index
        %parallel_loop3A_460 = arith.constant 64 : index
        %parallel_loop3A_461 = tpu.vector_load %arg27[%parallel_loop3A_459, %parallel_loop3A_460] {strides = array<i32>} : memref<48x128xf32, #tpu.memory_space<vmem>>, vector<16xf32>,
        tpu.vector_store %arg27[%parallel_loop3A_459, %parallel_loop3A_460], %parallel_loop3A_458 {strides = array<i32>} : memref<48x128xf32, #tpu.memory_space<vmem>>, vector<16xf32>,
        %parallel_loop3A_462 = arith.index_cast %parallel_loop3A_424 : i32 to index
        %parallel_loop3A_463 = arith.constant 80 : index
        %parallel_loop3A_464 = tpu.vector_load %arg27[%parallel_loop3A_462, %parallel_loop3A_463] {strides = array<i32>} : memref<48x128xf32, #tpu.memory_space<vmem>>, vector<16xf32>,
        %parallel_loop3A_465 = arith.mulf %parallel_loop3A_464, %parallel_loop3A_426 : vector<16xf32>
        %parallel_loop3A_466 = arith.index_cast %parallel_loop3A_424 : i32 to index
        %parallel_loop3A_467 = arith.constant 80 : index
        %parallel_loop3A_468 = tpu.vector_load %arg27[%parallel_loop3A_466, %parallel_loop3A_467] {strides = array<i32>} : memref<48x128xf32, #tpu.memory_space<vmem>>, vector<16xf32>,
        tpu.vector_store %arg27[%parallel_loop3A_466, %parallel_loop3A_467], %parallel_loop3A_465 {strides = array<i32>} : memref<48x128xf32, #tpu.memory_space<vmem>>, vector<16xf32>,
        %parallel_loop3A_469 = arith.index_cast %parallel_loop3A_424 : i32 to index
        %parallel_loop3A_470 = arith.constant 96 : index
        %parallel_loop3A_471 = tpu.vector_load %arg27[%parallel_loop3A_469, %parallel_loop3A_470] {strides = array<i32>} : memref<48x128xf32, #tpu.memory_space<vmem>>, vector<16xf32>,
        %parallel_loop3A_472 = arith.mulf %parallel_loop3A_471, %parallel_loop3A_426 : vector<16xf32>
        %parallel_loop3A_473 = arith.index_cast %parallel_loop3A_424 : i32 to index
        %parallel_loop3A_474 = arith.constant 96 : index
        %parallel_loop3A_475 = tpu.vector_load %arg27[%parallel_loop3A_473, %parallel_loop3A_474] {strides = array<i32>} : memref<48x128xf32, #tpu.memory_space<vmem>>, vector<16xf32>,
        tpu.vector_store %arg27[%parallel_loop3A_473, %parallel_loop3A_474], %parallel_loop3A_472 {strides = array<i32>} : memref<48x128xf32, #tpu.memory_space<vmem>>, vector<16xf32>,
        %parallel_loop3A_476 = arith.index_cast %parallel_loop3A_424 : i32 to index
        %parallel_loop3A_477 = arith.constant 112 : index
        %parallel_loop3A_478 = tpu.vector_load %arg27[%parallel_loop3A_476, %parallel_loop3A_477] {strides = array<i32>} : memref<48x128xf32, #tpu.memory_space<vmem>>, vector<16xf32>,
        %parallel_loop3A_479 = arith.mulf %parallel_loop3A_478, %parallel_loop3A_426 : vector<16xf32>
        %parallel_loop3A_480 = arith.index_cast %parallel_loop3A_424 : i32 to index
        %parallel_loop3A_481 = arith.constant 112 : index
        %parallel_loop3A_482 = tpu.vector_load %arg27[%parallel_loop3A_480, %parallel_loop3A_481] {strides = array<i32>} : memref<48x128xf32, #tpu.memory_space<vmem>>, vector<16xf32>,
        tpu.vector_store %arg27[%parallel_loop3A_480, %parallel_loop3A_481], %parallel_loop3A_479 {strides = array<i32>} : memref<48x128xf32, #tpu.memory_space<vmem>>, vector<16xf32>,
      } {sc.loop_unroll_factor = 8 : i64, sc.parallel_access}
      %dma_start3A_420 = arith.constant 0 : i32
      %dma_start3A_421 = arith.constant 0 : i32
      %dma_start3A_422 = tpu.memref_slice %arg9[%dma_start3A_420, %dma_start3A_421] : memref<10000x128xf32, #tpu.memory_space<vmem_shared>> -> memref<10000x128xf32, #tpu.memory_space<vmem_shared>>
      tpu.enqueue_indirect_dma source(%arg27 : memref<48x128xf32, #tpu.memory_space<vmem>>) target(%dma_start3A_422 : memref<10000x128xf32, #tpu.memory_space<vmem_shared>>) offsets(%arg21 : memref<48xi32, #tpu.memory_space<vmem>>) semaphore(%arg36 : memref<!tpu.dma_semaphore, #tpu.memory_space<semaphore_mem>>) {add = true}
      %scan3A_423 = arith.constant 0 : i32
      scf.yield %scan3A_423 : i32
    }
    %scan3A_193 = arith.constant 72 : i32
    %dma_wait3A_194 = arith.constant 0 : i32
    %dma_wait3A_195 = arith.constant 0 : i32
    %dma_wait3A_196 = tpu.memref_slice %arg9[%dma_wait3A_194, %dma_wait3A_195] : memref<10000x128xf32, #tpu.memory_space<vmem_shared>> -> memref<10000x128xf32, #tpu.memory_space<vmem_shared>>
    tpu.wait_indirect_dma semaphore(%arg34 : memref<!tpu.dma_semaphore, #tpu.memory_space<semaphore_mem>>) src(%arg25 : memref<48x128xf32, #tpu.memory_space<vmem>>) dst(%dma_wait3A_196 : memref<10000x128xf32, #tpu.memory_space<vmem_shared>>)
    %dma_wait3A_197 = arith.constant 0 : i32
    %dma_wait3A_198 = arith.constant 0 : i32
    %dma_wait3A_199 = tpu.memref_slice %arg9[%dma_wait3A_197, %dma_wait3A_198] : memref<10000x128xf32, #tpu.memory_space<vmem_shared>> -> memref<10000x128xf32, #tpu.memory_space<vmem_shared>>
    tpu.wait_indirect_dma semaphore(%arg35 : memref<!tpu.dma_semaphore, #tpu.memory_space<semaphore_mem>>) src(%arg26 : memref<48x128xf32, #tpu.memory_space<vmem>>) dst(%dma_wait3A_199 : memref<10000x128xf32, #tpu.memory_space<vmem_shared>>)
    %dma_wait3A_200 = arith.constant 0 : i32
    %dma_wait3A_201 = arith.constant 0 : i32
    %dma_wait3A_202 = tpu.memref_slice %arg9[%dma_wait3A_200, %dma_wait3A_201] : memref<10000x128xf32, #tpu.memory_space<vmem_shared>> -> memref<10000x128xf32, #tpu.memory_space<vmem_shared>>
    tpu.wait_indirect_dma semaphore(%arg36 : memref<!tpu.dma_semaphore, #tpu.memory_space<semaphore_mem>>) src(%arg27 : memref<48x128xf32, #tpu.memory_space<vmem>>) dst(%dma_wait3A_202 : memref<10000x128xf32, #tpu.memory_space<vmem_shared>>)
    %barrier3A_203 = arith.constant 0 : index
    tpu.barrier barrier_id(%barrier3A_203)
    "tpu.region"() ({
      %run_scoped3A = tpu.sem_alloc : memref<!tpu.dma_semaphore, #tpu.memory_space<semaphore_mem>>
      %dma_start3A_260 = arith.constant 0 : i32
      %dma_start3A_261 = arith.constant 0 : i32
      %dma_start3A_262 = tpu.memref_slice %arg8[%add3A, %dma_start3A_260, %dma_start3A_261] : memref<32x1x10000xf32, #tpu.memory_space<hbm>> -> memref<1x1x10000xf32, #tpu.memory_space<hbm>>
      %dma_start3A_263 = tpu.memref_squeeze %dma_start3A_262 : memref<1x1x10000xf32, #tpu.memory_space<hbm>> -> memref<1x10000xf32, #tpu.memory_space<hbm>>
      %dma_start3A_264 = arith.constant 0 : i32
      %dma_start3A_265 = arith.constant 0 : i32
      %dma_start3A_266 = tpu.memref_slice %arg8[%add3A, %dma_start3A_264, %dma_start3A_265] : memref<32x1x10000xf32, #tpu.memory_space<hbm>> -> memref<1x1x10000xf32, #tpu.memory_space<hbm>>
      %dma_start3A_267 = tpu.memref_squeeze %dma_start3A_266 : memref<1x1x10000xf32, #tpu.memory_space<hbm>> -> memref<1x10000xf32, #tpu.memory_space<hbm>>
      tpu.enqueue_dma source(%arg12 : memref<1x10000xf32, #tpu.memory_space<vmem>>) target(%dma_start3A_267 : memref<1x10000xf32, #tpu.memory_space<hbm>>) target_semaphore(%run_scoped3A : memref<!tpu.dma_semaphore, #tpu.memory_space<semaphore_mem>>)
      %dma_wait3A_268 = arith.constant 0 : i32
      %dma_wait3A_269 = arith.constant 0 : i32
      %dma_wait3A_270 = tpu.memref_slice %arg8[%add3A, %dma_wait3A_268, %dma_wait3A_269] : memref<32x1x10000xf32, #tpu.memory_space<hbm>> -> memref<1x1x10000xf32, #tpu.memory_space<hbm>>
      %dma_wait3A_271 = tpu.memref_squeeze %dma_wait3A_270 : memref<1x1x10000xf32, #tpu.memory_space<hbm>> -> memref<1x10000xf32, #tpu.memory_space<hbm>>
      %dma_wait3A_272 = arith.constant 0 : i32
      %dma_wait3A_273 = arith.constant 0 : i32
      %dma_wait3A_274 = tpu.memref_slice %arg8[%add3A, %dma_wait3A_272, %dma_wait3A_273] : memref<32x1x10000xf32, #tpu.memory_space<hbm>> -> memref<1x1x10000xf32, #tpu.memory_space<hbm>>
      %dma_wait3A_275 = tpu.memref_squeeze %dma_wait3A_274 : memref<1x1x10000xf32, #tpu.memory_space<hbm>> -> memref<1x10000xf32, #tpu.memory_space<hbm>>
      tpu.wait_dma2 semaphore(%run_scoped3A : memref<!tpu.dma_semaphore, #tpu.memory_space<semaphore_mem>>) src(%arg12 : memref<1x10000xf32, #tpu.memory_space<vmem>>) dst(%dma_wait3A_275 : memref<1x10000xf32, #tpu.memory_space<hbm>>)
      tpu.yield
    }) : () -> ()
    %add3A_204 = arith.constant 0 : i32
    %add3A_205 = arith.addi %add3A_204, %arg1 : i32
    %lt3A_206 = arith.constant 125 : i32
    %lt3A_207 = arith.cmpi slt, %add3A_205, %lt3A_206 : i32
    %convert_element_type3A_208 = arith.extui %lt3A_207 : i1 to i32
    %cond3A_209 = arith.constant 0 : i32
    %cond3A_210 = arith.cmpi ne, %convert_element_type3A_208, %cond3A_209 : i32
    scf.if %cond3A_210 {
      %mul3A_260 = arith.constant 80 : i32
      %mul3A_261 = arith.muli %add3A_205, %mul3A_260 : i32
      "tpu.region"() ({
        %run_scoped3A = tpu.sem_alloc : memref<!tpu.dma_semaphore, #tpu.memory_space<semaphore_mem>>
        %dma_start3A_262 = arith.constant 0 : i32
        %dma_start3A_263 = tpu.memref_slice %arg7[%arg0, %mul3A_261, %dma_start3A_262] : memref<2x10000x128xf32, #tpu.memory_space<hbm>> -> memref<1x80x128xf32, #tpu.memory_space<hbm>>
        %dma_start3A_264 = tpu.memref_squeeze %dma_start3A_263 : memref<1x80x128xf32, #tpu.memory_space<hbm>> -> memref<80x128xf32, #tpu.memory_space<hbm>>
        %dma_start3A_265 = arith.constant 0 : i32
        %dma_start3A_266 = tpu.memref_slice %arg9[%mul3A_261, %dma_start3A_265] : memref<10000x128xf32, #tpu.memory_space<vmem_shared>> -> memref<80x128xf32, #tpu.memory_space<vmem_shared>>
        tpu.enqueue_dma source(%dma_start3A_266 : memref<80x128xf32, #tpu.memory_space<vmem_shared>>) target(%dma_start3A_264 : memref<80x128xf32, #tpu.memory_space<hbm>>) target_semaphore(%run_scoped3A : memref<!tpu.dma_semaphore, #tpu.memory_space<semaphore_mem>>)
        %dma_wait3A_267 = arith.constant 0 : i32
        %dma_wait3A_268 = tpu.memref_slice %arg7[%arg0, %mul3A_261, %dma_wait3A_267] : memref<2x10000x128xf32, #tpu.memory_space<hbm>> -> memref<1x80x128xf32, #tpu.memory_space<hbm>>
        %dma_wait3A_269 = tpu.memref_squeeze %dma_wait3A_268 : memref<1x80x128xf32, #tpu.memory_space<hbm>> -> memref<80x128xf32, #tpu.memory_space<hbm>>
        %dma_wait3A_270 = arith.constant 0 : i32
        %dma_wait3A_271 = tpu.memref_slice %arg9[%mul3A_261, %dma_wait3A_270] : memref<10000x128xf32, #tpu.memory_space<vmem_shared>> -> memref<80x128xf32, #tpu.memory_space<vmem_shared>>
        tpu.wait_dma2 semaphore(%run_scoped3A : memref<!tpu.dma_semaphore, #tpu.memory_space<semaphore_mem>>) src(%dma_wait3A_271 : memref<80x128xf32, #tpu.memory_space<vmem_shared>>) dst(%dma_wait3A_269 : memref<80x128xf32, #tpu.memory_space<hbm>>)
        tpu.yield
      }) : () -> ()
    } else {
    }
    %add3A_211 = arith.constant 16 : i32
    %add3A_212 = arith.addi %add3A_211, %arg1 : i32
    %lt3A_213 = arith.constant 125 : i32
    %lt3A_214 = arith.cmpi slt, %add3A_212, %lt3A_213 : i32
    %convert_element_type3A_215 = arith.extui %lt3A_214 : i1 to i32
    %cond3A_216 = arith.constant 0 : i32
    %cond3A_217 = arith.cmpi ne, %convert_element_type3A_215, %cond3A_216 : i32
    scf.if %cond3A_217 {
      %mul3A_260 = arith.constant 80 : i32
      %mul3A_261 = arith.muli %add3A_212, %mul3A_260 : i32
      "tpu.region"() ({
        %run_scoped3A = tpu.sem_alloc : memref<!tpu.dma_semaphore, #tpu.memory_space<semaphore_mem>>
        %dma_start3A_262 = arith.constant 0 : i32
        %dma_start3A_263 = tpu.memref_slice %arg7[%arg0, %mul3A_261, %dma_start3A_262] : memref<2x10000x128xf32, #tpu.memory_space<hbm>> -> memref<1x80x128xf32, #tpu.memory_space<hbm>>
        %dma_start3A_264 = tpu.memref_squeeze %dma_start3A_263 : memref<1x80x128xf32, #tpu.memory_space<hbm>> -> memref<80x128xf32, #tpu.memory_space<hbm>>
        %dma_start3A_265 = arith.constant 0 : i32
        %dma_start3A_266 = tpu.memref_slice %arg9[%mul3A_261, %dma_start3A_265] : memref<10000x128xf32, #tpu.memory_space<vmem_shared>> -> memref<80x128xf32, #tpu.memory_space<vmem_shared>>
        tpu.enqueue_dma source(%dma_start3A_266 : memref<80x128xf32, #tpu.memory_space<vmem_shared>>) target(%dma_start3A_264 : memref<80x128xf32, #tpu.memory_space<hbm>>) target_semaphore(%run_scoped3A : memref<!tpu.dma_semaphore, #tpu.memory_space<semaphore_mem>>)
        %dma_wait3A_267 = arith.constant 0 : i32
        %dma_wait3A_268 = tpu.memref_slice %arg7[%arg0, %mul3A_261, %dma_wait3A_267] : memref<2x10000x128xf32, #tpu.memory_space<hbm>> -> memref<1x80x128xf32, #tpu.memory_space<hbm>>
        %dma_wait3A_269 = tpu.memref_squeeze %dma_wait3A_268 : memref<1x80x128xf32, #tpu.memory_space<hbm>> -> memref<80x128xf32, #tpu.memory_space<hbm>>
        %dma_wait3A_270 = arith.constant 0 : i32
        %dma_wait3A_271 = tpu.memref_slice %arg9[%mul3A_261, %dma_wait3A_270] : memref<10000x128xf32, #tpu.memory_space<vmem_shared>> -> memref<80x128xf32, #tpu.memory_space<vmem_shared>>
        tpu.wait_dma2 semaphore(%run_scoped3A : memref<!tpu.dma_semaphore, #tpu.memory_space<semaphore_mem>>) src(%dma_wait3A_271 : memref<80x128xf32, #tpu.memory_space<vmem_shared>>) dst(%dma_wait3A_269 : memref<80x128xf32, #tpu.memory_space<hbm>>)
        tpu.yield
      }) : () -> ()
    } else {
    }
    %add3A_218 = arith.constant 32 : i32
    %add3A_219 = arith.addi %add3A_218, %arg1 : i32
    %lt3A_220 = arith.constant 125 : i32
    %lt3A_221 = arith.cmpi slt, %add3A_219, %lt3A_220 : i32
    %convert_element_type3A_222 = arith.extui %lt3A_221 : i1 to i32
    %cond3A_223 = arith.constant 0 : i32
    %cond3A_224 = arith.cmpi ne, %convert_element_type3A_222, %cond3A_223 : i32
    scf.if %cond3A_224 {
      %mul3A_260 = arith.constant 80 : i32
      %mul3A_261 = arith.muli %add3A_219, %mul3A_260 : i32
      "tpu.region"() ({
        %run_scoped3A = tpu.sem_alloc : memref<!tpu.dma_semaphore, #tpu.memory_space<semaphore_mem>>
        %dma_start3A_262 = arith.constant 0 : i32
        %dma_start3A_263 = tpu.memref_slice %arg7[%arg0, %mul3A_261, %dma_start3A_262] : memref<2x10000x128xf32, #tpu.memory_space<hbm>> -> memref<1x80x128xf32, #tpu.memory_space<hbm>>
        %dma_start3A_264 = tpu.memref_squeeze %dma_start3A_263 : memref<1x80x128xf32, #tpu.memory_space<hbm>> -> memref<80x128xf32, #tpu.memory_space<hbm>>
        %dma_start3A_265 = arith.constant 0 : i32
        %dma_start3A_266 = tpu.memref_slice %arg9[%mul3A_261, %dma_start3A_265] : memref<10000x128xf32, #tpu.memory_space<vmem_shared>> -> memref<80x128xf32, #tpu.memory_space<vmem_shared>>
        tpu.enqueue_dma source(%dma_start3A_266 : memref<80x128xf32, #tpu.memory_space<vmem_shared>>) target(%dma_start3A_264 : memref<80x128xf32, #tpu.memory_space<hbm>>) target_semaphore(%run_scoped3A : memref<!tpu.dma_semaphore, #tpu.memory_space<semaphore_mem>>)
        %dma_wait3A_267 = arith.constant 0 : i32
        %dma_wait3A_268 = tpu.memref_slice %arg7[%arg0, %mul3A_261, %dma_wait3A_267] : memref<2x10000x128xf32, #tpu.memory_space<hbm>> -> memref<1x80x128xf32, #tpu.memory_space<hbm>>
        %dma_wait3A_269 = tpu.memref_squeeze %dma_wait3A_268 : memref<1x80x128xf32, #tpu.memory_space<hbm>> -> memref<80x128xf32, #tpu.memory_space<hbm>>
        %dma_wait3A_270 = arith.constant 0 : i32
        %dma_wait3A_271 = tpu.memref_slice %arg9[%mul3A_261, %dma_wait3A_270] : memref<10000x128xf32, #tpu.memory_space<vmem_shared>> -> memref<80x128xf32, #tpu.memory_space<vmem_shared>>
        tpu.wait_dma2 semaphore(%run_scoped3A : memref<!tpu.dma_semaphore, #tpu.memory_space<semaphore_mem>>) src(%dma_wait3A_271 : memref<80x128xf32, #tpu.memory_space<vmem_shared>>) dst(%dma_wait3A_269 : memref<80x128xf32, #tpu.memory_space<hbm>>)
        tpu.yield
      }) : () -> ()
    } else {
    }
    %add3A_225 = arith.constant 48 : i32
    %add3A_226 = arith.addi %add3A_225, %arg1 : i32
    %lt3A_227 = arith.constant 125 : i32
    %lt3A_228 = arith.cmpi slt, %add3A_226, %lt3A_227 : i32
    %convert_element_type3A_229 = arith.extui %lt3A_228 : i1 to i32
    %cond3A_230 = arith.constant 0 : i32
    %cond3A_231 = arith.cmpi ne, %convert_element_type3A_229, %cond3A_230 : i32
    scf.if %cond3A_231 {
      %mul3A_260 = arith.constant 80 : i32
      %mul3A_261 = arith.muli %add3A_226, %mul3A_260 : i32
      "tpu.region"() ({
        %run_scoped3A = tpu.sem_alloc : memref<!tpu.dma_semaphore, #tpu.memory_space<semaphore_mem>>
        %dma_start3A_262 = arith.constant 0 : i32
        %dma_start3A_263 = tpu.memref_slice %arg7[%arg0, %mul3A_261, %dma_start3A_262] : memref<2x10000x128xf32, #tpu.memory_space<hbm>> -> memref<1x80x128xf32, #tpu.memory_space<hbm>>
        %dma_start3A_264 = tpu.memref_squeeze %dma_start3A_263 : memref<1x80x128xf32, #tpu.memory_space<hbm>> -> memref<80x128xf32, #tpu.memory_space<hbm>>
        %dma_start3A_265 = arith.constant 0 : i32
        %dma_start3A_266 = tpu.memref_slice %arg9[%mul3A_261, %dma_start3A_265] : memref<10000x128xf32, #tpu.memory_space<vmem_shared>> -> memref<80x128xf32, #tpu.memory_space<vmem_shared>>
        tpu.enqueue_dma source(%dma_start3A_266 : memref<80x128xf32, #tpu.memory_space<vmem_shared>>) target(%dma_start3A_264 : memref<80x128xf32, #tpu.memory_space<hbm>>) target_semaphore(%run_scoped3A : memref<!tpu.dma_semaphore, #tpu.memory_space<semaphore_mem>>)
        %dma_wait3A_267 = arith.constant 0 : i32
        %dma_wait3A_268 = tpu.memref_slice %arg7[%arg0, %mul3A_261, %dma_wait3A_267] : memref<2x10000x128xf32, #tpu.memory_space<hbm>> -> memref<1x80x128xf32, #tpu.memory_space<hbm>>
        %dma_wait3A_269 = tpu.memref_squeeze %dma_wait3A_268 : memref<1x80x128xf32, #tpu.memory_space<hbm>> -> memref<80x128xf32, #tpu.memory_space<hbm>>
        %dma_wait3A_270 = arith.constant 0 : i32
        %dma_wait3A_271 = tpu.memref_slice %arg9[%mul3A_261, %dma_wait3A_270] : memref<10000x128xf32, #tpu.memory_space<vmem_shared>> -> memref<80x128xf32, #tpu.memory_space<vmem_shared>>
        tpu.wait_dma2 semaphore(%run_scoped3A : memref<!tpu.dma_semaphore, #tpu.memory_space<semaphore_mem>>) src(%dma_wait3A_271 : memref<80x128xf32, #tpu.memory_space<vmem_shared>>) dst(%dma_wait3A_269 : memref<80x128xf32, #tpu.memory_space<hbm>>)
        tpu.yield
      }) : () -> ()
    } else {
    }
    %add3A_232 = arith.constant 64 : i32
    %add3A_233 = arith.addi %add3A_232, %arg1 : i32
    %lt3A_234 = arith.constant 125 : i32
    %lt3A_235 = arith.cmpi slt, %add3A_233, %lt3A_234 : i32
    %convert_element_type3A_236 = arith.extui %lt3A_235 : i1 to i32
    %cond3A_237 = arith.constant 0 : i32
    %cond3A_238 = arith.cmpi ne, %convert_element_type3A_236, %cond3A_237 : i32
    scf.if %cond3A_238 {
      %mul3A_260 = arith.constant 80 : i32
      %mul3A_261 = arith.muli %add3A_233, %mul3A_260 : i32
      "tpu.region"() ({
        %run_scoped3A = tpu.sem_alloc : memref<!tpu.dma_semaphore, #tpu.memory_space<semaphore_mem>>
        %dma_start3A_262 = arith.constant 0 : i32
        %dma_start3A_263 = tpu.memref_slice %arg7[%arg0, %mul3A_261, %dma_start3A_262] : memref<2x10000x128xf32, #tpu.memory_space<hbm>> -> memref<1x80x128xf32, #tpu.memory_space<hbm>>
        %dma_start3A_264 = tpu.memref_squeeze %dma_start3A_263 : memref<1x80x128xf32, #tpu.memory_space<hbm>> -> memref<80x128xf32, #tpu.memory_space<hbm>>
        %dma_start3A_265 = arith.constant 0 : i32
        %dma_start3A_266 = tpu.memref_slice %arg9[%mul3A_261, %dma_start3A_265] : memref<10000x128xf32, #tpu.memory_space<vmem_shared>> -> memref<80x128xf32, #tpu.memory_space<vmem_shared>>
        tpu.enqueue_dma source(%dma_start3A_266 : memref<80x128xf32, #tpu.memory_space<vmem_shared>>) target(%dma_start3A_264 : memref<80x128xf32, #tpu.memory_space<hbm>>) target_semaphore(%run_scoped3A : memref<!tpu.dma_semaphore, #tpu.memory_space<semaphore_mem>>)
        %dma_wait3A_267 = arith.constant 0 : i32
        %dma_wait3A_268 = tpu.memref_slice %arg7[%arg0, %mul3A_261, %dma_wait3A_267] : memref<2x10000x128xf32, #tpu.memory_space<hbm>> -> memref<1x80x128xf32, #tpu.memory_space<hbm>>
        %dma_wait3A_269 = tpu.memref_squeeze %dma_wait3A_268 : memref<1x80x128xf32, #tpu.memory_space<hbm>> -> memref<80x128xf32, #tpu.memory_space<hbm>>
        %dma_wait3A_270 = arith.constant 0 : i32
        %dma_wait3A_271 = tpu.memref_slice %arg9[%mul3A_261, %dma_wait3A_270] : memref<10000x128xf32, #tpu.memory_space<vmem_shared>> -> memref<80x128xf32, #tpu.memory_space<vmem_shared>>
        tpu.wait_dma2 semaphore(%run_scoped3A : memref<!tpu.dma_semaphore, #tpu.memory_space<semaphore_mem>>) src(%dma_wait3A_271 : memref<80x128xf32, #tpu.memory_space<vmem_shared>>) dst(%dma_wait3A_269 : memref<80x128xf32, #tpu.memory_space<hbm>>)
        tpu.yield
      }) : () -> ()
    } else {
    }
    %add3A_239 = arith.constant 80 : i32
    %add3A_240 = arith.addi %add3A_239, %arg1 : i32
    %lt3A_241 = arith.constant 125 : i32
    %lt3A_242 = arith.cmpi slt, %add3A_240, %lt3A_241 : i32
    %convert_element_type3A_243 = arith.extui %lt3A_242 : i1 to i32
    %cond3A_244 = arith.constant 0 : i32
    %cond3A_245 = arith.cmpi ne, %convert_element_type3A_243, %cond3A_244 : i32
    scf.if %cond3A_245 {
      %mul3A_260 = arith.constant 80 : i32
      %mul3A_261 = arith.muli %add3A_240, %mul3A_260 : i32
      "tpu.region"() ({
        %run_scoped3A = tpu.sem_alloc : memref<!tpu.dma_semaphore, #tpu.memory_space<semaphore_mem>>
        %dma_start3A_262 = arith.constant 0 : i32
        %dma_start3A_263 = tpu.memref_slice %arg7[%arg0, %mul3A_261, %dma_start3A_262] : memref<2x10000x128xf32, #tpu.memory_space<hbm>> -> memref<1x80x128xf32, #tpu.memory_space<hbm>>
        %dma_start3A_264 = tpu.memref_squeeze %dma_start3A_263 : memref<1x80x128xf32, #tpu.memory_space<hbm>> -> memref<80x128xf32, #tpu.memory_space<hbm>>
        %dma_start3A_265 = arith.constant 0 : i32
        %dma_start3A_266 = tpu.memref_slice %arg9[%mul3A_261, %dma_start3A_265] : memref<10000x128xf32, #tpu.memory_space<vmem_shared>> -> memref<80x128xf32, #tpu.memory_space<vmem_shared>>
        tpu.enqueue_dma source(%dma_start3A_266 : memref<80x128xf32, #tpu.memory_space<vmem_shared>>) target(%dma_start3A_264 : memref<80x128xf32, #tpu.memory_space<hbm>>) target_semaphore(%run_scoped3A : memref<!tpu.dma_semaphore, #tpu.memory_space<semaphore_mem>>)
        %dma_wait3A_267 = arith.constant 0 : i32
        %dma_wait3A_268 = tpu.memref_slice %arg7[%arg0, %mul3A_261, %dma_wait3A_267] : memref<2x10000x128xf32, #tpu.memory_space<hbm>> -> memref<1x80x128xf32, #tpu.memory_space<hbm>>
        %dma_wait3A_269 = tpu.memref_squeeze %dma_wait3A_268 : memref<1x80x128xf32, #tpu.memory_space<hbm>> -> memref<80x128xf32, #tpu.memory_space<hbm>>
        %dma_wait3A_270 = arith.constant 0 : i32
        %dma_wait3A_271 = tpu.memref_slice %arg9[%mul3A_261, %dma_wait3A_270] : memref<10000x128xf32, #tpu.memory_space<vmem_shared>> -> memref<80x128xf32, #tpu.memory_space<vmem_shared>>
        tpu.wait_dma2 semaphore(%run_scoped3A : memref<!tpu.dma_semaphore, #tpu.memory_space<semaphore_mem>>) src(%dma_wait3A_271 : memref<80x128xf32, #tpu.memory_space<vmem_shared>>) dst(%dma_wait3A_269 : memref<80x128xf32, #tpu.memory_space<hbm>>)
        tpu.yield
      }) : () -> ()
    } else {
    }
    %add3A_246 = arith.constant 96 : i32
    %add3A_247 = arith.addi %add3A_246, %arg1 : i32
    %lt3A_248 = arith.constant 125 : i32
    %lt3A_249 = arith.cmpi slt, %add3A_247, %lt3A_248 : i32
    %convert_element_type3A_250 = arith.extui %lt3A_249 : i1 to i32
    %cond3A_251 = arith.constant 0 : i32
    %cond3A_252 = arith.cmpi ne, %convert_element_type3A_250, %cond3A_251 : i32
    scf.if %cond3A_252 {
      %mul3A_260 = arith.constant 80 : i32
      %mul3A_261 = arith.muli %add3A_247, %mul3A_260 : i32
      "tpu.region"() ({
        %run_scoped3A = tpu.sem_alloc : memref<!tpu.dma_semaphore, #tpu.memory_space<semaphore_mem>>
        %dma_start3A_262 = arith.constant 0 : i32
        %dma_start3A_263 = tpu.memref_slice %arg7[%arg0, %mul3A_261, %dma_start3A_262] : memref<2x10000x128xf32, #tpu.memory_space<hbm>> -> memref<1x80x128xf32, #tpu.memory_space<hbm>>
        %dma_start3A_264 = tpu.memref_squeeze %dma_start3A_263 : memref<1x80x128xf32, #tpu.memory_space<hbm>> -> memref<80x128xf32, #tpu.memory_space<hbm>>
        %dma_start3A_265 = arith.constant 0 : i32
        %dma_start3A_266 = tpu.memref_slice %arg9[%mul3A_261, %dma_start3A_265] : memref<10000x128xf32, #tpu.memory_space<vmem_shared>> -> memref<80x128xf32, #tpu.memory_space<vmem_shared>>
        tpu.enqueue_dma source(%dma_start3A_266 : memref<80x128xf32, #tpu.memory_space<vmem_shared>>) target(%dma_start3A_264 : memref<80x128xf32, #tpu.memory_space<hbm>>) target_semaphore(%run_scoped3A : memref<!tpu.dma_semaphore, #tpu.memory_space<semaphore_mem>>)
        %dma_wait3A_267 = arith.constant 0 : i32
        %dma_wait3A_268 = tpu.memref_slice %arg7[%arg0, %mul3A_261, %dma_wait3A_267] : memref<2x10000x128xf32, #tpu.memory_space<hbm>> -> memref<1x80x128xf32, #tpu.memory_space<hbm>>
        %dma_wait3A_269 = tpu.memref_squeeze %dma_wait3A_268 : memref<1x80x128xf32, #tpu.memory_space<hbm>> -> memref<80x128xf32, #tpu.memory_space<hbm>>
        %dma_wait3A_270 = arith.constant 0 : i32
        %dma_wait3A_271 = tpu.memref_slice %arg9[%mul3A_261, %dma_wait3A_270] : memref<10000x128xf32, #tpu.memory_space<vmem_shared>> -> memref<80x128xf32, #tpu.memory_space<vmem_shared>>
        tpu.wait_dma2 semaphore(%run_scoped3A : memref<!tpu.dma_semaphore, #tpu.memory_space<semaphore_mem>>) src(%dma_wait3A_271 : memref<80x128xf32, #tpu.memory_space<vmem_shared>>) dst(%dma_wait3A_269 : memref<80x128xf32, #tpu.memory_space<hbm>>)
        tpu.yield
      }) : () -> ()
    } else {
    }
    %add3A_253 = arith.constant 112 : i32
    %add3A_254 = arith.addi %add3A_253, %arg1 : i32
    %lt3A_255 = arith.constant 125 : i32
    %lt3A_256 = arith.cmpi slt, %add3A_254, %lt3A_255 : i32
    %convert_element_type3A_257 = arith.extui %lt3A_256 : i1 to i32
    %cond3A_258 = arith.constant 0 : i32
    %cond3A_259 = arith.cmpi ne, %convert_element_type3A_257, %cond3A_258 : i32
    scf.if %cond3A_259 {
      %mul3A_260 = arith.constant 80 : i32
      %mul3A_261 = arith.muli %add3A_254, %mul3A_260 : i32
      "tpu.region"() ({
        %run_scoped3A = tpu.sem_alloc : memref<!tpu.dma_semaphore, #tpu.memory_space<semaphore_mem>>
        %dma_start3A_262 = arith.constant 0 : i32
        %dma_start3A_263 = tpu.memref_slice %arg7[%arg0, %mul3A_261, %dma_start3A_262] : memref<2x10000x128xf32, #tpu.memory_space<hbm>> -> memref<1x80x128xf32, #tpu.memory_space<hbm>>
        %dma_start3A_264 = tpu.memref_squeeze %dma_start3A_263 : memref<1x80x128xf32, #tpu.memory_space<hbm>> -> memref<80x128xf32, #tpu.memory_space<hbm>>
        %dma_start3A_265 = arith.constant 0 : i32
        %dma_start3A_266 = tpu.memref_slice %arg9[%mul3A_261, %dma_start3A_265] : memref<10000x128xf32, #tpu.memory_space<vmem_shared>> -> memref<80x128xf32, #tpu.memory_space<vmem_shared>>
        tpu.enqueue_dma source(%dma_start3A_266 : memref<80x128xf32, #tpu.memory_space<vmem_shared>>) target(%dma_start3A_264 : memref<80x128xf32, #tpu.memory_space<hbm>>) target_semaphore(%run_scoped3A : memref<!tpu.dma_semaphore, #tpu.memory_space<semaphore_mem>>)
        %dma_wait3A_267 = arith.constant 0 : i32
        %dma_wait3A_268 = tpu.memref_slice %arg7[%arg0, %mul3A_261, %dma_wait3A_267] : memref<2x10000x128xf32, #tpu.memory_space<hbm>> -> memref<1x80x128xf32, #tpu.memory_space<hbm>>
        %dma_wait3A_269 = tpu.memref_squeeze %dma_wait3A_268 : memref<1x80x128xf32, #tpu.memory_space<hbm>> -> memref<80x128xf32, #tpu.memory_space<hbm>>
        %dma_wait3A_270 = arith.constant 0 : i32
        %dma_wait3A_271 = tpu.memref_slice %arg9[%mul3A_261, %dma_wait3A_270] : memref<10000x128xf32, #tpu.memory_space<vmem_shared>> -> memref<80x128xf32, #tpu.memory_space<vmem_shared>>
        tpu.wait_dma2 semaphore(%run_scoped3A : memref<!tpu.dma_semaphore, #tpu.memory_space<semaphore_mem>>) src(%dma_wait3A_271 : memref<80x128xf32, #tpu.memory_space<vmem_shared>>) dst(%dma_wait3A_269 : memref<80x128xf32, #tpu.memory_space<hbm>>)
        tpu.yield
      }) : () -> ()
    } else {
    }
    return
  }
}

module attributes {stable_mosaic.version = 14 : i64} {
  func.func @_proj_body(%arg0: memref<10000x128xf32, #tpu.memory_space<vmem>>, %arg1: memref<128x128xf32, #tpu.memory_space<vmem>>, %arg2: memref<128xf32, #tpu.memory_space<vmem>>, %arg3: memref<128xf32, #tpu.memory_space<vmem>>, %arg4: memref<10000x128xf32, #tpu.memory_space<vmem>>, %arg5: memref<10000xf32, #tpu.memory_space<vmem>>, %arg6: memref<10000xf32, #tpu.memory_space<vmem>>) attributes {dimension_semantics = [], scalar_prefetch = 0 : i64, scratch_operands = 0 : i64, tpu.core_type = #tpu.core_type<tc>} {
    %get3A = arith.constant 0 : index
    %get3A_0 = arith.constant 0 : index
    %get3A_1 = vector.load %arg0[%get3A, %get3A_0] : memref<10000x128xf32, #tpu.memory_space<vmem>>, vector<10000x128xf32>
    %get3A_2 = arith.constant 0 : index
    %get3A_3 = arith.constant 0 : index
    %get3A_4 = vector.load %arg1[%get3A_2, %get3A_3] : memref<128x128xf32, #tpu.memory_space<vmem>>, vector<128x128xf32>
    %dot_general3A = arith.constant dense<0.000000e+00> : vector<10000x128xf32>
    %dot_general3A_5 = tpu.matmul %get3A_1, %get3A_4, %dot_general3A {dimension_numbers = #tpu.dot_dimension_numbers<[1], [0], [0], [1], [0, 0, 1, 1], [], []>, transpose_lhs_hint = false} : vector<10000x128xf32>, vector<128x128xf32>, vector<10000x128xf32> -> vector<10000x128xf32>
    %swap3A = arith.constant 0 : index
    %swap3A_6 = arith.constant 0 : index
    %swap3A_7 = vector.load %arg4[%swap3A, %swap3A_6] : memref<10000x128xf32, #tpu.memory_space<vmem>>, vector<10000x128xf32>
    tpu.vector_store %arg4[%swap3A, %swap3A_6], %dot_general3A_5 {strides = array<i32>} : memref<10000x128xf32, #tpu.memory_space<vmem>>, vector<10000x128xf32>,
    %get3A_8 = arith.constant 0 : index
    %get3A_9 = vector.load %arg2[%get3A_8] : memref<128xf32, #tpu.memory_space<vmem>>, vector<128xf32>
    %broadcast_in_dim3A = vector.shape_cast %get3A_9 : vector<128xf32> to vector<1x128xf32>
    %mul3A = vector.broadcast %broadcast_in_dim3A : vector<1x128xf32> to vector<10000x128xf32>
    %mul3A_10 = arith.mulf %dot_general3A_5, %mul3A : vector<10000x128xf32>
    %reduce_sum3A = arith.constant dense<0.000000e+00> : vector<10000xf32>
    %reduce_sum3A_11 = vector.multi_reduction <add>, %mul3A_10, %reduce_sum3A [1] : vector<10000x128xf32> to vector<10000xf32>
    %swap3A_12 = arith.constant 0 : index
    %swap3A_13 = vector.load %arg5[%swap3A_12] : memref<10000xf32, #tpu.memory_space<vmem>>, vector<10000xf32>
    tpu.vector_store %arg5[%swap3A_12], %reduce_sum3A_11 {strides = array<i32>} : memref<10000xf32, #tpu.memory_space<vmem>>, vector<10000xf32>,
    %get3A_14 = arith.constant 0 : index
    %get3A_15 = vector.load %arg3[%get3A_14] : memref<128xf32, #tpu.memory_space<vmem>>, vector<128xf32>
    %broadcast_in_dim3A_16 = vector.shape_cast %get3A_15 : vector<128xf32> to vector<1x128xf32>
    %mul3A_17 = vector.broadcast %broadcast_in_dim3A_16 : vector<1x128xf32> to vector<10000x128xf32>
    %mul3A_18 = arith.mulf %dot_general3A_5, %mul3A_17 : vector<10000x128xf32>
    %reduce_sum3A_19 = arith.constant dense<0.000000e+00> : vector<10000xf32>
    %reduce_sum3A_20 = vector.multi_reduction <add>, %mul3A_18, %reduce_sum3A_19 [1] : vector<10000x128xf32> to vector<10000xf32>
    %swap3A_21 = arith.constant 0 : index
    %swap3A_22 = vector.load %arg6[%swap3A_21] : memref<10000xf32, #tpu.memory_space<vmem>>, vector<10000xf32>
    tpu.vector_store %arg6[%swap3A_21], %reduce_sum3A_20 {strides = array<i32>} : memref<10000xf32, #tpu.memory_space<vmem>>, vector<10000xf32>,
    return
  }
}

module attributes {stable_mosaic.version = 14 : i64} {
  func.func @_fin_body(%arg0: i32, %arg1: memref<2x512x128xf32, #tpu.memory_space<vmem>>, %arg2: memref<32x512xf32, #tpu.memory_space<vmem>>, %arg3: memref<512x128xf32, #tpu.memory_space<vmem>>, %arg4: memref<1x128xf32, #tpu.memory_space<vmem>>, %arg5: memref<1x1xf32, #tpu.memory_space<vmem>>, %arg6: memref<512x128xf32, #tpu.memory_space<vmem>>) attributes {dimension_semantics = [#tpu.dimension_semantics<arbitrary>], iteration_bounds = array<i64: 20>, scalar_prefetch = 0 : i64, scratch_operands = 0 : i64, tpu.core_type = #tpu.core_type<tc>, window_params = [{transform_indices = @transform_0, window_bounds = array<i64: 2, 512, 128>}, {transform_indices = @transform_1, window_bounds = array<i64: 32, 512>}, {transform_indices = @transform_2, window_bounds = array<i64: 512, 128>}, {pipeline_mode = #tpu.pipeline_mode<synchronous>, transform_indices = @transform_3, window_bounds = array<i64: 1, 128>}, {pipeline_mode = #tpu.pipeline_mode<synchronous>, transform_indices = @transform_4, window_bounds = array<i64: 1, 1>}, {transform_indices = @transform_5, window_bounds = array<i64: 512, 128>}]} {
    %get3A = arith.constant 0 : index
    %get3A_0 = arith.constant 0 : index
    %get3A_1 = arith.constant 0 : index
    %get3A_2 = vector.load %arg1[%get3A, %get3A_0, %get3A_1] : memref<2x512x128xf32, #tpu.memory_space<vmem>>, vector<1x512x128xf32>
    %get3A_3 = vector.shape_cast %get3A_2 : vector<1x512x128xf32> to vector<512x128xf32>
    %get3A_4 = arith.constant 1 : index
    %get3A_5 = arith.constant 0 : index
    %get3A_6 = arith.constant 0 : index
    %get3A_7 = vector.load %arg1[%get3A_4, %get3A_5, %get3A_6] : memref<2x512x128xf32, #tpu.memory_space<vmem>>, vector<1x512x128xf32>
    %get3A_8 = vector.shape_cast %get3A_7 : vector<1x512x128xf32> to vector<512x128xf32>
    %add3A = arith.addf %get3A_3, %get3A_8 : vector<512x128xf32>
    %get3A_9 = arith.constant 0 : index
    %get3A_10 = arith.constant 0 : index
    %get3A_11 = vector.load %arg2[%get3A_9, %get3A_10] : memref<32x512xf32, #tpu.memory_space<vmem>>, vector<32x512xf32>
    %reduce_sum3A = arith.constant dense<0.000000e+00> : vector<512xf32>
    %reduce_sum3A_12 = vector.multi_reduction <add>, %get3A_11, %reduce_sum3A [0] : vector<32x512xf32> to vector<512xf32>
    %broadcast_in_dim3A = vector.shape_cast %reduce_sum3A_12 : vector<512xf32> to vector<512x1xf32>
    %div3A = vector.broadcast %broadcast_in_dim3A : vector<512x1xf32> to vector<512x128xf32>
    %div3A_13 = arith.divf %add3A, %div3A : vector<512x128xf32>
    %get3A_14 = arith.constant 0 : index
    %get3A_15 = arith.constant 0 : index
    %get3A_16 = vector.load %arg4[%get3A_14, %get3A_15] : memref<1x128xf32, #tpu.memory_space<vmem>>, vector<1x128xf32>
    %add3A_17 = vector.broadcast %get3A_16 : vector<1x128xf32> to vector<512x128xf32>
    %add3A_18 = arith.addf %div3A_13, %add3A_17 : vector<512x128xf32>
    %get3A_19 = arith.constant 0 : index
    %get3A_20 = arith.constant 0 : index
    %get3A_21 = vector.load %arg5[%get3A_19, %get3A_20] : memref<1x1xf32, #tpu.memory_space<vmem>>, vector<1x1xf32>
    %get3A_22 = vector.extract %get3A_21[0, 0] : f32 from vector<1x1xf32>
    %gt3A = arith.constant 0.000000e+00 : f32
    %gt3A_23 = vector.broadcast %gt3A : f32 to vector<512x128xf32>
    %gt3A_24 = arith.cmpf ogt, %add3A_18, %gt3A_23 : vector<512x128xf32>
    %mul3A = vector.broadcast %get3A_22 : f32 to vector<512x128xf32>
    %mul3A_25 = arith.mulf %mul3A, %add3A_18 : vector<512x128xf32>
    %select_n3A = arith.select %gt3A_24, %add3A_18, %mul3A_25 : vector<512x128xi1>, vector<512x128xf32>
    %get3A_26 = arith.constant 0 : index
    %get3A_27 = arith.constant 0 : index
    %get3A_28 = vector.load %arg3[%get3A_26, %get3A_27] : memref<512x128xf32, #tpu.memory_space<vmem>>, vector<512x128xf32>
    %add3A_29 = arith.addf %select_n3A, %get3A_28 : vector<512x128xf32>
    %swap3A = arith.constant 0 : index
    %swap3A_30 = arith.constant 0 : index
    %swap3A_31 = vector.load %arg6[%swap3A, %swap3A_30] : memref<512x128xf32, #tpu.memory_space<vmem>>, vector<512x128xf32>
    tpu.vector_store %arg6[%swap3A, %swap3A_30], %add3A_29 {strides = array<i32>} : memref<512x128xf32, #tpu.memory_space<vmem>>, vector<512x128xf32>,
    return
  }
  func.func @transform_0(%arg0: i32) -> (i32, i32, i32) {
    %c0_i32 = arith.constant 0 : i32
    %c0_i32_0 = arith.constant 0 : i32
    %c0_i32_1 = arith.constant 0 : i32
    return %c0_i32, %arg0, %c0_i32_0 : i32, i32, i32
  }
  func.func @transform_1(%arg0: i32) -> (i32, i32) {
    %c0_i32 = arith.constant 0 : i32
    %c0_i32_0 = arith.constant 0 : i32
    return %c0_i32, %arg0 : i32, i32
  }
  func.func @transform_2(%arg0: i32) -> (i32, i32) {
    %c0_i32 = arith.constant 0 : i32
    %c0_i32_0 = arith.constant 0 : i32
    return %arg0, %c0_i32 : i32, i32
  }
  func.func @transform_3(%arg0: i32) -> (i32, i32) {
    %c0_i32 = arith.constant 0 : i32
    %c0_i32_0 = arith.constant 0 : i32
    %c0_i32_1 = arith.constant 0 : i32
    return %c0_i32, %c0_i32_0 : i32, i32
  }
  func.func @transform_4(%arg0: i32) -> (i32, i32) {
    %c0_i32 = arith.constant 0 : i32
    %c0_i32_0 = arith.constant 0 : i32
    %c0_i32_1 = arith.constant 0 : i32
    return %c0_i32, %c0_i32_0 : i32, i32
  }
  func.func @transform_5(%arg0: i32) -> (i32, i32) {
    %c0_i32 = arith.constant 0 : i32
    %c0_i32_0 = arith.constant 0 : i32
    return %arg0, %c0_i32 : i32, i32
  }
}

</mosaic_0001>

<sc_bundles>
// kernel: kernel.5.cloned.1.call-start
scs
__scs_entry_jumppad:
0x0: {  	(pc) =	sbr.rel $0x88, $3  }
0x1: {  	(tag) =	ssettag $0x0;
	lr =	simm.s32 $0x1  }
0x2: {  	[smem:$0x3F9A] =	sst lr;
	_ =	strace $0xD0000000  }
0x3: {  	_ = 	snop  }
0x4: {  	_ = 	snop  }
0x5: {  	_ = 	snop  }
0x6: {  	_ = 	snop  }
0x7: {  	_ = 	snop  }
__scs_overlays_trampoline_lowered:
0x8: {  	[smem:$0x3FA9] =	sst s0  }
0x9: {  	[smem:$0x3FAA] =	sst s1  }
0xa: {  	[smem:$0x3FAB] =	sst s2  }
0xb: {  	[smem:$0x3FAC] =	sst s3  }
0xc: {  	[smem:$0x3FAD] =	sst s4  }
0xd: {  	[smem:$0x3FAE] =	sst s5  }
0xe: {  	[smem:$0x3FAF] =	sst s6  }
0xf: {  	[smem:$0x3FB0] =	sst s7  }
0x10: {  	[smem:$0x3FB1] =	sst s8  }
0x11: {  	[smem:$0x3FB2] =	sst s9;
	s0 =	simm.s32 @!p0 $0x0  }
0x12: {  	s1 =	sld [smem:$0x3F98];
	s0 =	simm.s32 @p0 $0x1  }
0x13: {  	[smem:$0x3FB3] =	sst s0;
	s0 =	simm.s32 @!p1 $0x0  }
0x14: {  	s2 =	sld [smem:$0x3F97];
	s0 =	simm.s32 @p1 $0x1  }
0x15: {  	[smem:$0x3FB4] =	sst s0;
	s0 =	simm.s32 @!p2 $0x0  }
0x16: {  	s3 =	sld [smem:$0x3FDB];
	s0 =	simm.s32 @p2 $0x1  }
0x17: {  	s4 =	simm.s32 $0x1BF5;
	[smem:$0x3FB6] =	sst s0  }
0x18: {  	s0 =	sld [smem:$0x3F99];
	_ =	swait.ge [sflag:s4], $0x0  }
0x19: {  	s7 =	sld [smem:$0x3F9A]  }
0x1a: {  	s8 =	sadd.s32 $0xFFFFE003, lr  }
0x1b: {  	s9 =	sadd.s32 $0xFFFFFEF7, lr;
	s5 =	simm.s32 $0xFFFFFFFF;
	p2 =	slt.u32 s8, $0xFFFFF086  }
0x1c: {  	p1 =	slt.u32 s9, $0xF7A;
	s5 =	simm.s32 @!p2 $0x0  }
0x1d: {  	s5 =	simm.s32 @p1 $0x1;
	p0 =	seq.s32 s7, s2  }
0x1e: {  	s7 =	smul.u32 @!p0 $0xF7A, s2;
	p2 =	seq.s32 @!p0 s5, $0x0  }
0x1f: {  	s9 =	smul.u32 $0xF7A, s1;
	s8 =	simm.s32 @!p0 $0x1BF5;
	p2 =	por !p2, p0  }
0x20: {  	[sflag:s8] =	ssyncset.s32 @!p0 $0xFFFFF086;
	s6 =	sadd.s32 @!p0 s3, s7;
	s7 =	simm.s32 @!p0 $0x108  }
0x21: {  	s3 =	sadd.s32 s3, s9;
	s6 =	sadd.s32 @!p0 $0x88, s6;
	s7 =	simm.s32 @p2 $0x1082  }
0x22: {  	[simem:s7], [sflag:s8] =	dma.local @!p0 [hbm:s6], $0xF7A  }
0x23: {  	s9 =	sor.u32 $0xD0000000, s2;
	s6 =	simm.s32 $0x108;
	_ =	swait.ge @!p0 [sflag:s8], $0x0  }
0x24: {  	s3 =	sadd.s32 $0x88, s3;
	s6 =	simm.s32 @!p1 $0x1082;
	[sflag:s4] =	ssyncset.s32 $0xFFFFF086  }
0x25: {  	[simem:s6], [sflag:s4] =	dma.local [hbm:s3], $0xF7A  }
0x26: {  	[smem:$0x3F9A] =	sst s1;
	(tag) =	ssettag s2;
	_ =	strace s9  }
0x27: {  	s1 =	sld [smem:$0x3FAA]  }
0x28: {  	s2 =	sld [smem:$0x3FAB]  }
0x29: {  	s4 =	sld [smem:$0x3FAD]  }
0x2a: {  	p0 =	seq.s32 s5, $0x0;
	s5 =	sld [smem:$0x3FAE]  }
0x2b: {  	s6 =	sld [smem:$0x3FAF]  }
0x2c: {  	s7 =	sld [smem:$0x3FB0]  }
0x2d: {  	s3 =	simm.s32 $0x108;
	s8 =	sld [smem:$0x3FB1]  }
0x2e: {  	s3 =	simm.s32 @!p0 $0x1082;
	s9 =	sld [smem:$0x3FB2]  }
0x2f: {  	lr =	sadd.s32 s0, s3;
	s0 =	sld [smem:$0x3FA9]  }
0x30: {  	s3 =	sld [smem:$0x3FAC]  }
0x31: {  	[smem:$0x3FB5] =	sst s10  }
0x32: {  	s10 =	sld [smem:$0x3FB3];
	_ =	sdelay $0x3  }
0x33: {  	p0 =	seq.s32 s10, $0x1;
	s10 =	sld [smem:$0x3FB5];
	_ =	sdelay $0x3  }
0x34: {  	[smem:$0x3FB5] =	sst s10  }
0x35: {  	s10 =	sld [smem:$0x3FB4];
	_ =	sdelay $0x3  }
0x36: {  	p1 =	seq.s32 s10, $0x1;
	s10 =	sld [smem:$0x3FB5];
	_ =	sdelay $0x3  }
0x37: {  	[smem:$0x3FB5] =	sst s10  }
0x38: {  	s10 =	sld [smem:$0x3FB6]  }
0x39: {  	_ = 	snop;
	(pc) =	sbr.ind lr, $3  }
0x3a: {  	_ = 	snop  }
0x3b: {  	_ = 	snop  }
0x3c: {  	p2 =	seq.s32 s10, $0x1;
	s10 =	sld [smem:$0x3FB5]  }
0x3d: {  	_ =	shalt  }
0x3e: {  	_ =	shalt  }
0x3f: {  	_ =	shalt  }
0x40: {  	_ =	shalt  }
0x41: {  	_ =	shalt  }
0x42: {  	_ =	shalt  }
0x43: {  	_ =	shalt  }
0x44: {  	_ =	shalt  }
0x45: {  	_ =	shalt  }
0x46: {  	_ =	shalt  }
0x47: {  	_ =	shalt  }
0x48: {  	_ =	shalt  }
0x49: {  	_ =	shalt  }
0x4a: {  	_ =	shalt  }
0x4b: {  	_ =	shalt  }
0x4c: {  	_ =	shalt  }
0x4d: {  	_ =	shalt  }
0x4e: {  	_ =	shalt  }
0x4f: {  	_ =	shalt  }
0x50: {  	_ =	shalt  }
0x51: {  	_ =	shalt  }
0x52: {  	_ =	shalt  }
0x53: {  	_ =	shalt  }
0x54: {  	_ =	shalt  }
0x55: {  	_ =	shalt  }
0x56: {  	_ =	shalt  }
0x57: {  	_ =	shalt  }
0x58: {  	_ =	shalt  }
0x59: {  	_ =	shalt  }
0x5a: {  	_ =	shalt  }
0x5b: {  	_ =	shalt  }
0x5c: {  	_ =	shalt  }
0x5d: {  	_ =	shalt  }
0x5e: {  	_ =	shalt  }
0x5f: {  	_ =	shalt  }
0x60: {  	_ =	shalt  }
0x61: {  	_ =	shalt  }
0x62: {  	_ =	shalt  }
0x63: {  	_ =	shalt  }
0x64: {  	_ =	shalt  }
0x65: {  	_ =	shalt  }
0x66: {  	_ =	shalt  }
0x67: {  	_ =	shalt  }
0x68: {  	_ =	shalt  }
0x69: {  	_ =	shalt  }
0x6a: {  	_ =	shalt  }
0x6b: {  	_ =	shalt  }
0x6c: {  	_ =	shalt  }
0x6d: {  	_ =	shalt  }
0x6e: {  	_ =	shalt  }
0x6f: {  	_ =	shalt  }
0x70: {  	_ =	shalt  }
0x71: {  	_ =	shalt  }
0x72: {  	_ =	shalt  }
0x73: {  	_ =	shalt  }
0x74: {  	_ =	shalt  }
0x75: {  	_ =	shalt  }
0x76: {  	_ =	shalt  }
0x77: {  	_ =	shalt  }
0x78: {  	_ =	shalt  }
0x79: {  	_ =	shalt  }
0x7a: {  	_ =	shalt  }
0x7b: {  	_ =	shalt  }
0x7c: {  	_ =	shalt  }
0x7d: {  	_ =	shalt  }
0x7e: {  	_ =	shalt  }
0x7f: {  	_ =	shalt  }
0x80: {  	_ =	shalt  }
0x81: {  	_ =	shalt  }
0x82: {  	_ =	shalt  }
0x83: {  	_ =	shalt  }
0x84: {  	_ =	shalt  }
0x85: {  	_ =	shalt  }
0x86: {  	_ =	shalt  }
0x87: {  	_ =	shalt  }
.Lfunc_end0:
.L_simem_size_0:
called_computation_lowered:
.L_overlay_start_0:
0x88: {  	s2 =	sld [smem:$0x3FD9]  }
0x89: {  	s3 =	sld [smem:$0x3FFE];
	_ =	sdelay $0x1  }
0x8a: {  	s1 =	srdreg.scid  }
0x8b: {  	s0 =	sand.u32 $0x1, s1  }
0x8c: {  	s17 =	sshll.u32 s0, $0xA;
	s2 =	sadd.s32 s3, s2  }
0x8d: {  	s2 =	sadd.s32 s2, s17  }
0x8e: {  	[smem:$0x3FC1] =	sst s2  }
0x8f: {  	_ = 	snop  }
0x90: {  	s2 =	sld [smem:$0x3FD0];
	(tm) =	ssettm $0x1  }
0x91: {  	s18 =	sld [smem:$0x3FFB];
	_ =	sdelay $0x3  }
0x92: {  	_ =	strace s18  }
0x93: {  	s3 =	sld [smem:$0x3FFC];
	_ =	sdelay $0x3  }
0x94: {  	_ =	strace s3  }
0x95: {  	s3 =	sld [smem:$0x3FFD];
	_ =	sdelay $0x3  }
0x96: {  	_ =	strace s3  }
0x97: {  	_ =	strace $0x8FFFFFFF  }
0x98: {  	s19 =	sld [smem:$0x3FDB];
	_ =	sdelay $0x1  }
0x99: {  	s4 =	simm.s32 $_scs_section_size  }
0x9a: {  	s5 =	simm.s32 $_size__tile_overlayer_lowered;
	s6 =	simm.s32 $_tile_overlayer_lowered  }
0x9b: {  	s22 =	simm.s32 $0x1BFF;
	s21 =	sshll.u32 s6, $0x1;
	s3 =	sadd.s32 s4, s19  }
0x9c: {  	s7 =	simm.s32 $0x0;
	s20 =	sshll.u32 s5, $0x1;
	s5 =	sadd.s32 s21, s3  }
0x9d: {  	[timem:s7], [sflag:s22] =	dma.local [hbm:s5], s20  }
0x9e: {  	_ =	swait.ge [sflag:s22], s20  }
0x9f: {  	s4 =	ssub.s32 $0x0, s20;
	[sflag:s22] =	ssyncset.done $0x0  }
0xa0: {  	[sflag:s22] =	ssyncadd.s32 s4;
	_ =	sdelay $0x1  }
0xa1: {  	s23 =	simm.s32 $0x1B8B  }
0xa2: {  	_ =	swait.ge [sflag:s23], $0x1  }
0xa3: {  	[sflag:s23] =	ssyncset.done $0x0  }
0xa4: {  	s25 =	simm.s32 $0x1B8E;
	s24 =	sld [smem:$0x3FFE];
	[sflag:s23] =	ssyncadd.s32 $0xFFFFFFFF  }
0xa5: {  	s26 =	simm.s32 $execute0_lowered;
	[smem:$0x3FD2] =	sst s25  }
0xa6: {  	s5 =	sshll.u32 s26, $0x1;
	_ =	strace $0x80000046;
	[dreg:$0x1] =	wrdreg $0xFFFFFFFF  }
0xa7: {  	s28 =	simm.s32 $_size_execute0_lowered;
	s3 =	sadd.s32 s3, s5;
	[dreg:$0x0] =	wrdreg $0x0  }
0xa8: {  	s5 =	sshll.u32 s28, $0x1;
	[dreg:$0x2] =	wrdreg s3  }
0xa9: {  	[dreg:$0x3] =	wrdreg s5  }
0xaa: {  	[dreg:$0x4] =	wrdreg $0xC0  }
0xab: {  	_ =	task [dreg:s7], $0x5FFFF  }
0xac: {  	[dreg:$0x1] =	wrdreg $0xFFFFFFFF  }
0xad: {  	[dreg:$0x0] =	wrdreg $0x60  }
0xae: {  	[dreg:$0x2] =	wrdreg s2  }
0xaf: {  	[dreg:$0x3] =	wrdreg s24  }
0xb0: {  	[dreg:$0x4] =	wrdreg $0x0  }
0xb1: {  	[dreg:$0x5] =	wrdreg $0x9  }
0xb2: {  	_ =	task.clear_ibuf [dreg:s7], $0x6FFFF;
	_ =	strace $0x90000046  }
0xb3: {  	s29 =	simm.s32 $0x9;
	_ =	strace $0x80000048  }
0xb4: {  	_ =	swait.ge [sflag:s29], $0x1  }
0xb5: {  	[sflag:s29] =	ssyncadd.s32 $0xFFFFFFFF  }
0xb6: {  	_ =	strace $0x90000048  }
0xb7: {  	_ =	sfence  }
0xb8: {  	s30 =	sld [smem:$0x0];
	_ =	sdelay $0x2  }
0xb9: {  	s31 =	sshll.u32 s1, $0xD;
	s1 =	sshrl.u32 s1, $0x2  }
0xba: {  	s3 =	sand.u32 $0x4000, s31;
	s1 =	sadd.s32 s1, s30  }
0xbb: {  	s0 =	sor.u32 s3, s0;
	s1 =	sshll.u32 s1, $0x11  }
0xbc: {  	s0 =	sor.u32 s1, s0  }
0xbd: {  	s0 =	sadd.s32 $0x8F2B, s0  }
0xbe: {  	[sflag:s0] =	ssyncadd.remote.s32 $0x1  }
0xbf: {  	_ =	sfence.sel $0xFFFF  }
0xc0: {  	[dreg:$0x0] =	wrdreg $0xFFFFFFFF;
	(pc) =	sbr.abs _section_cstart, $3  }
0xc1: {  	[dreg:$0x1] =	wrdreg $0xFFFFFFFF  }
0xc2: {  	_ =	task.clear_ibuf [dreg:s7], $0x2FFFF;
	_ =	strace $0x9FFFFFFF  }
0xc3: {  	(tm) =	ssettm $0x7FFFFFFF  }
tec
execute0_lowered:
.L_overlay_start_1:
0x0: {  	(tag) =	ssettag $0x1  }
0x1: {  	s1 =	rddreg [dreg:$0x0]  }
0x2: {  	s11 =	rddreg [dreg:$0x1]  }
0x3: {  	s2 =	rddreg [dreg:$0x2];
	s0 =	srdreg.scid;
	s19 =	simm.s32 $0x0  }
0x4: {  	s20 =	stileid.u32;
	s29 =	simm.s32 $0x13880;
	s30 =	simm.s32 $0x16000  }
0x5: {  	s31 =	simm.s32 $0x18780;
	s3 =	sand.u32 $0x1, s0;
	s13 =	sadd.s32 $0x20200, s11  }
0x6: {  	s4 =	sshll.u32 s20, $0x1;
	s10 =	sor.u32 $0x10, s20;
	s22 =	smul.u32 $0x2800, s20  }
0x7: {  	s8 =	sor.u32 $0x20, s20;
	s7 =	sor.u32 $0x30, s20;
	s14 =	smul.u32 $0x138800, s3  }
0x8: {  	s6 =	sor.u32 $0x40, s20;
	[smem:$0x7FF] =	sst s19;
	s15 =	smul.u32 $0x2800, s10  }
0x9: {  	p6 =	sgt.u32 s20, $0xC;
	s0 =	ssub.s32 $0x2, s3;
	s17 =	smul.u32 $0x2800, s8  }
0xa: {  	s9 =	sor.u32 s3, s4;
	s3 =	sor.u32 $0x60, s20;
	s24 =	smul.u32 $0x2800, s7  }
0xb: {  	s4 =	sor.u32 $0x70, s20;
	s26 =	smul.u32 $0x2800, s6;
	s5 =	sshrl.u32 s0, $0x1  }
0xc: {  	s28 =	smul.u32 $0xD8, s9;
	s0 =	ssub.s32 s0, s5;
	s5 =	sor.u32 $0x50, s20  }
0xd: {  	s12 =	sadd.s32 s22, s14;
	s15 =	sadd.s32 s14, s15;
	s23 =	sadd.s32 s14, s17  }
0xe: {  	s18 =	sadd.s32 s14, s24;
	s16 =	sshrl.u32 s12, $0x3;
	s12 =	smul.u32 $0x2880, s9  }
0xf: {  	s15 =	sshrl.u32 s15, $0x3;
	s25 =	sshrl.u32 s23, $0x3;
	s16 =	sadd.s32 s13, s16  }
0x10: {  	s21 =	smul.u32 $0x2800, s5;
	s15 =	sadd.s32 s13, s15;
	[dreg:$0x4] =	wrdreg s16  }
0x11: {  	s23 =	smul.u32 $0x2800, s4;
	s0 =	smax.u32 s0, $0x1;
	[dreg:$0x5] =	wrdreg s15  }
0x12: {  	s15 =	sadd.s32 s13, s25;
	s16 =	sadd.s32 s14, s26;
	s24 =	sadd.s32 s14, s21  }
0x13: {  	s21 =	smul.u32 $0x4F0, s9;
	p4 =	slt.u32 s12, $0x50910;
	s19 =	sor.u32 $0x30, s12  }
0x14: {  	s9 =	smul.u32 $0x510, s9;
	[dreg:$0x6] =	wrdreg s15;
	s15 =	sshrl.u32 s18, $0x3  }
0x15: {  	s18 =	smul.u32 $0x2800, s3;
	s22 =	sshrl.u32 s16, $0x3;
	s16 =	sor.u32 $0x10, s12  }
0x16: {  	p5 =	slt.u32 s19, $0x50910;
	s15 =	sadd.s32 s13, s15;
	p0 =	slt.u32 s16, $0x50910  }
0x17: {  	[dreg:$0x7] =	wrdreg s15;
	s15 =	sadd.s32 s13, s22;
	s25 =	sadd.s32 s14, s18  }
0x18: {  	s14 =	sadd.s32 s14, s23;
	s22 =	sor.u32 $0x50, s12;
	s23 =	smul.u32 $0x6000, s20  }
0x19: {  	[dreg:$0x8] =	wrdreg s15;
	s15 =	sshrl.u32 s24, $0x3;
	s24 =	smul.u32 $0x6000, s10  }
0x1a: {  	s9 =	sor.u32 $0xC, s9;
	p3 =	slt.u32 s22, $0x50910;
	s22 =	smul.u32 $0x6000, s7  }
0x1b: {  	s18 =	sor.u32 $0x40, s12;
	s17 =	sshrl.u32 s25, $0x3;
	s10 =	smul.u32 $0xA000, s10  }
0x1c: {  	s14 =	sshrl.u32 s14, $0x3;
	s7 =	smul.u32 $0xA000, s7;
	s15 =	sadd.s32 s13, s15  }
0x1d: {  	s26 =	sadd.s32 s13, s17;
	s13 =	sadd.s32 s13, s14;
	[dreg:$0x9] =	wrdreg s15  }
0x1e: {  	s17 =	sor.u32 $0x20, s12;
	s25 =	sshrl.u32 s23, $0x2;
	[dreg:$0xa] =	wrdreg s26  }
0x1f: {  	s14 =	sadd.s32 $0xB600, s11;
	[dreg:$0xb] =	wrdreg s13;
	s26 =	smul.u32 $0x6000, s8  }
0x20: {  	s13 =	simm.s32 @!p0 $0x0;
	s16 =	sshrl.u32 s24, $0x2;
	s24 =	smul.u32 $0x6000, s5  }
0x21: {  	s15 =	sadd.s32 s21, s11;
	s21 =	sadd.s32 $0x15800, s11;
	s8 =	smul.u32 $0xA000, s8  }
0x22: {  	s22 =	sshrl.u32 s22, $0x2;
	s10 =	sshrl.u32 s10, $0x2;
	s5 =	smul.u32 $0xA000, s5  }
0x23: {  	s7 =	sshrl.u32 s7, $0x2;
	s13 =	simm.s32 @p0 $0x1;
	p0 =	slt.u32 s17, $0x50910  }
0x24: {  	s16 =	sadd.s32 s16, s2;
	s17 =	sadd.s32 s22, s2;
	s10 =	sadd.s32 s10, s2  }
0x25: {  	s7 =	sadd.s32 s7, s2;
	[smem:$0x7EE] =	sst s13;
	s13 =	simm.s32 @!p0 $0x0  }
0x26: {  	s23 =	sshrl.u32 s26, $0x2;
	s26 =	smul.u32 $0x6000, s3;
	s24 =	sshrl.u32 s24, $0x2  }
0x27: {  	s8 =	sshrl.u32 s8, $0x2;
	s13 =	simm.s32 @p0 $0x1;
	p0 =	slt.u32 s18, $0x50910  }
0x28: {  	s3 =	smul.u32 $0xA000, s3;
	[smem:$0x7EF] =	sst s13;
	s13 =	simm.s32 @!p0 $0x0  }
0x29: {  	s5 =	sshrl.u32 s5, $0x2;
	s8 =	sadd.s32 s8, s2;
	s13 =	simm.s32 @p0 $0x1  }
0x2a: {  	s3 =	sshrl.u32 s3, $0x2;
	[smem:$0x7F0] =	sst s13;
	s13 =	sadd.s32 $0x1400, s11  }
0x2b: {  	s11 =	sadd.s32 $0x15E00, s11;
	_ =	strace $0x80000047;
	[dreg:$0xc] =	wrdreg s21  }
0x2c: {  	s5 =	sadd.s32 s5, s2;
	s3 =	sadd.s32 s3, s2;
	[dreg:$0xd] =	wrdreg s11  }
0x2d: {  	p0 =	sne.s32 s20, $0x0;
	s21 =	sadd.s32 s25, s2;
	[dreg:$0xf] =	wrdreg s16  }
0x2e: {  	s11 =	smul.u32 $0x6000, s6;
	s25 =	sadd.s32 s23, s2;
	[dreg:$0x11] =	wrdreg s17  }
0x2f: {  	s23 =	smul.u32 $0x6000, s4;
	s17 =	sshrl.u32 s12, $0x3;
	[dreg:$0x1d] =	wrdreg s0  }
0x30: {  	s6 =	smul.u32 $0xA000, s6;
	s12 =	sshrl.u32 s8, $0x3;
	[dreg:$0x10] =	wrdreg s25  }
0x31: {  	s4 =	smul.u32 $0xA000, s4;
	s25 =	sshrl.u32 s26, $0x2;
	[smem:$0x7F1] =	sst s12  }
0x32: {  	s18 =	sadd.s32 s13, s17;
	[dreg:$0xe] =	wrdreg s21;
	s11 =	sshrl.u32 s11, $0x2  }
0x33: {  	s26 =	sshrl.u32 s23, $0x2;
	[dreg:$0x16] =	wrdreg s18;
	s18 =	sshrl.u32 s3, $0x3  }
0x34: {  	s23 =	smul.u32 $0xA000, s20;
	s20 =	sadd.s32 $0xD8000, s21;
	[smem:$0x7F5] =	sst s18  }
0x35: {  	s8 =	simm.s32 $0x1B000;
	s11 =	sadd.s32 s11, s2;
	[smem:$0x7F8] =	sst s20  }
0x36: {  	s12 =	simm.s32 $0x1E500;
	s16 =	sadd.s32 s26, s2;
	[dreg:$0x12] =	wrdreg s11  }
0x37: {  	s6 =	sshrl.u32 s6, $0x2;
	s26 =	sadd.s32 $0x16400, s15;
	[dreg:$0x15] =	wrdreg s16  }
0x38: {  	s4 =	sshrl.u32 s4, $0x2;
	s15 =	sshrl.u32 s7, $0x3;
	[dreg:$0x1c] =	wrdreg s26  }
0x39: {  	s6 =	sadd.s32 s6, s2;
	s11 =	sadd.s32 s24, s2;
	[smem:$0x7F2] =	sst s15  }
0x3a: {  	s4 =	sadd.s32 s4, s2;
	s24 =	sadd.s32 s13, s9;
	[dreg:$0x13] =	wrdreg s11  }
0x3b: {  	s18 =	simm.s32 $0x5;
	s9 =	sadd.s32 s14, s9;
	[dreg:$0x1a] =	wrdreg s24  }
0x3c: {  	s7 =	simm.s32 $0x0;
	s16 =	sshrl.u32 s6, $0x3;
	[dreg:$0x1b] =	wrdreg s9  }
0x3d: {  	s0 =	sshrl.u32 @!p6 s4, $0x3;
	s26 =	sor.u32 $0x5, s28;
	[smem:$0x7F3] =	sst s16  }
0x3e: {  	s4 =	simm.s32 $0x30;
	s6 =	simm.s32 $0x2;
	[smem:$0x7F6] =	sst s0  }
0x3f: {  	s15 =	simm.s32 $0x1B380;
	s11 =	sadd.s32 s25, s2;
	[smem:$0x7FD] =	sst s26  }
0x40: {  	s25 =	sshrl.u32 s23, $0x2;
	s23 =	sadd.s32 $0x108000, s21;
	[dreg:$0x14] =	wrdreg s11  }
0x41: {  	s24 =	sadd.s32 $0x120000, s21;
	s26 =	simm.s32 $0xA;
	[smem:$0x7FA] =	sst s23  }
0x42: {  	s0 =	simm.s32 $0x8;
	s11 =	sadd.s32 s14, s17;
	[smem:$0x7FB] =	sst s24  }
0x43: {  	s9 =	sadd.s32 s25, s2;
	s17 =	sshrl.u32 s5, $0x3;
	[dreg:$0x17] =	wrdreg s11  }
0x44: {  	s25 =	sadd.s32 $0x138000, s2;
	s23 =	sor.u32 $0x2, s28;
	[smem:$0x7F4] =	sst s17  }
0x45: {  	s11 =	sshrl.u32 s19, $0x3;
	s9 =	sshrl.u32 s9, $0x3;
	[smem:$0x7FC] =	sst s25  }
0x46: {  	s19 =	sadd.s32 $0xC0000, s21;
	s25 =	simm.s32 $0x1CD00;
	[dreg:$0x1e] =	wrdreg s9  }
0x47: {  	s22 =	sadd.s32 s13, s11;
	s11 =	sadd.s32 s14, s11;
	[smem:$0x7F7] =	sst s19  }
0x48: {  	s19 =	simm.s32 $0x1B400;
	s9 =	simm.s32 $0x9;
	[dreg:$0x18] =	wrdreg s22  }
0x49: {  	[dreg:$0x19] =	wrdreg s11;
	s11 =	sshrl.u32 s10, $0x3;
	s22 =	sadd.s32 $0xF0000, s21  }
0x4a: {  	s10 =	simm.s32 $0x3;
	s21 =	simm.s32 $0x6;
	[dreg:$0x1f] =	wrdreg s11  }
0x4b: {  	v0 =	vimm.f32 $0.0e+00;
	[smem:$0x7F9] =	sst s22;
	s11 =	simm.s32 $0x4;
	s22 =	simm.s32 $0x1B480  }
.LBB2_1:
0x4c: {  	s3 =	simm.s32 $0x0  }
.LBB2_2:
0x4d: {  	p1 =	sne.s32 s3, $0x9C00  }
.Ltmp0:
0x4e: {  	_ = 	snop;
	(pc) =	sbr.rel @p1 .LBB2_2-.Ltmp0, $3  }
0x4f: {  	_ =	sdelay $0x1  }
0x50: {  	s5 =	sshra.s32 s3, $0x2  }
0x51: {  	s3 =	sadd.s32 $0x40, s3;
	[tilespmem:s5+$0x18780] =	vst v0  }
0x52: {  	[smem:$0x7ED] =	sst s7;
	s3 =	simm.s32 $0x0;
	s5 =	simm.s32 $0x200  }
.LBB2_4:
0x53: {  	p1 =	sne.s32 s5, $0x5E00;
	[tilespmem:s3+$0x1B570] =	vst v0  }
0x54: {  	[tilespmem:s3+$0x1B500] =	vst v0  }
0x55: {  	[tilespmem:s3+$0x1B510] =	vst v0  }
.Ltmp1:
0x56: {  	[tilespmem:s3+$0x1B520] =	vst v0;
	(pc) =	sbr.rel @p1 .LBB2_4-.Ltmp1, $4  }
0x57: {  	[tilespmem:s3+$0x1B530] =	vst v0  }
0x58: {  	[tilespmem:s3+$0x1B540] =	vst v0  }
0x59: {  	[tilespmem:s3+$0x1B550] =	vst v0  }
0x5a: {  	[tilespmem:s3+$0x1B560] =	vst v0;
	s3 =	sshra.s32 s5, $0x2;
	s5 =	sadd.s32 $0x200, s5  }
0x5b: {  	[tilespmem:s3+$0x1B570] =	vst v0  }
0x5c: {  	[tilespmem:s3+$0x1B500] =	vst v0  }
0x5d: {  	[tilespmem:s3+$0x1B510] =	vst v0  }
0x5e: {  	[tilespmem:s3+$0x1B520] =	vst v0  }
0x5f: {  	[tilespmem:s3+$0x1B530] =	vst v0  }
0x60: {  	[tilespmem:s3+$0x1B540] =	vst v0  }
0x61: {  	[tilespmem:s3+$0x1B550] =	vst v0  }
0x62: {  	[tilespmem:s3+$0x1B560] =	vst v0;
	s20 =	rddreg [dreg:$0xe];
	s7 =	simm.s32 $0x1B500  }
0x63: {  	[spmem:s20] =	stream.linear.scatter [tilespmem:s7], [sflag:$0xA], $0x1800, $0x38;
	[tilespmem:$0x1FD00] =	vst v63  }
0x64: {  	_ =	swait.ge [sflag:s26], $0x1800  }
0x65: {  	[sflag:s26] =	ssyncset.done $0x0  }
0x66: {  	s24 =	rddreg [dreg:$0xf];
	[sflag:s26] =	ssyncadd.s32 $0xFFFFE800  }
0x67: {  	[spmem:s24] =	stream.linear.scatter [tilespmem:s7], [sflag:$0xA], $0x1800, $0x38;
	[tilespmem:$0x1FD00] =	vst v63  }
0x68: {  	_ =	swait.ge [sflag:s26], $0x1800  }
0x69: {  	[sflag:s26] =	ssyncset.done $0x0  }
0x6a: {  	s5 =	rddreg [dreg:$0x10];
	[sflag:s26] =	ssyncadd.s32 $0xFFFFE800  }
0x6b: {  	[spmem:s5] =	stream.linear.scatter [tilespmem:s7], [sflag:$0xA], $0x1800, $0x38;
	[tilespmem:$0x1FD00] =	vst v63  }
0x6c: {  	_ =	swait.ge [sflag:s26], $0x1800  }
0x6d: {  	[sflag:s26] =	ssyncset.done $0x0  }
0x6e: {  	s16 =	rddreg [dreg:$0x11];
	[sflag:s26] =	ssyncadd.s32 $0xFFFFE800  }
0x6f: {  	[spmem:s16] =	stream.linear.scatter [tilespmem:s7], [sflag:$0xA], $0x1800, $0x38;
	[tilespmem:$0x1FD00] =	vst v63  }
0x70: {  	_ =	swait.ge [sflag:s26], $0x1800  }
0x71: {  	[sflag:s26] =	ssyncset.done $0x0  }
0x72: {  	s17 =	rddreg [dreg:$0x12];
	[sflag:s26] =	ssyncadd.s32 $0xFFFFE800  }
0x73: {  	[spmem:s17] =	stream.linear.scatter [tilespmem:s7], [sflag:$0xA], $0x1800, $0x38;
	[tilespmem:$0x1FD00] =	vst v63  }
0x74: {  	_ =	swait.ge [sflag:s26], $0x1800  }
0x75: {  	[sflag:s26] =	ssyncset.done $0x0  }
0x76: {  	s20 =	rddreg [dreg:$0x13];
	[sflag:s26] =	ssyncadd.s32 $0xFFFFE800  }
0x77: {  	[spmem:s20] =	stream.linear.scatter [tilespmem:s7], [sflag:$0xA], $0x1800, $0x38;
	[tilespmem:$0x1FD00] =	vst v63  }
0x78: {  	_ =	swait.ge [sflag:s26], $0x1800  }
0x79: {  	[sflag:s26] =	ssyncset.done $0x0  }
0x7a: {  	s24 =	rddreg [dreg:$0x14];
	[sflag:s26] =	ssyncadd.s32 $0xFFFFE800  }
0x7b: {  	[spmem:s24] =	stream.linear.scatter [tilespmem:s7], [sflag:$0xA], $0x1800, $0x38;
	[tilespmem:$0x1FD00] =	vst v63  }
0x7c: {  	_ =	swait.ge [sflag:s26], $0x1800  }
0x7d: {  	[sflag:s26] =	ssyncset.done $0x0  }
0x7e: {  	s5 =	rddreg [dreg:$0x15];
	[sflag:s26] =	ssyncadd.s32 $0xFFFFE800  }
0x7f: {  	[spmem:s5] =	stream.linear.scatter [tilespmem:s7], [sflag:$0xA], $0x1800, $0x38;
	[tilespmem:$0x1FD00] =	vst v63  }
0x80: {  	_ =	swait.ge [sflag:s26], $0x1800  }
0x81: {  	s16 =	sld [smem:$0x7F7]  }
0x82: {  	[sflag:s26] =	ssyncset.done $0x0  }
0x83: {  	[sflag:s26] =	ssyncadd.s32 $0xFFFFE800  }
0x84: {  	[spmem:s16] =	stream.linear.scatter [tilespmem:s7], [sflag:$0xA], $0x1800, $0x38;
	[tilespmem:$0x1FD00] =	vst v63  }
0x85: {  	_ =	swait.ge [sflag:s26], $0x1800  }
0x86: {  	s17 =	sld [smem:$0x7F8]  }
0x87: {  	[sflag:s26] =	ssyncset.done $0x0  }
0x88: {  	[sflag:s26] =	ssyncadd.s32 $0xFFFFE800  }
0x89: {  	[spmem:s17] =	stream.linear.scatter [tilespmem:s7], [sflag:$0xA], $0x1800, $0x38;
	[tilespmem:$0x1FD00] =	vst v63  }
0x8a: {  	_ =	swait.ge [sflag:s26], $0x1800  }
0x8b: {  	s20 =	sld [smem:$0x7F9]  }
0x8c: {  	[sflag:s26] =	ssyncset.done $0x0  }
0x8d: {  	[sflag:s26] =	ssyncadd.s32 $0xFFFFE800  }
0x8e: {  	[spmem:s20] =	stream.linear.scatter [tilespmem:s7], [sflag:$0xA], $0x1800, $0x38;
	[tilespmem:$0x1FD00] =	vst v63  }
0x8f: {  	_ =	swait.ge [sflag:s26], $0x1800  }
0x90: {  	s24 =	sld [smem:$0x7FA]  }
0x91: {  	[sflag:s26] =	ssyncset.done $0x0  }
0x92: {  	[sflag:s26] =	ssyncadd.s32 $0xFFFFE800  }
0x93: {  	[spmem:s24] =	stream.linear.scatter [tilespmem:s7], [sflag:$0xA], $0x1800, $0x38;
	[tilespmem:$0x1FD00] =	vst v63  }
0x94: {  	_ =	swait.ge [sflag:s26], $0x1800  }
0x95: {  	s5 =	sld [smem:$0x7FB]  }
0x96: {  	[sflag:s26] =	ssyncset.done $0x0  }
0x97: {  	[sflag:s26] =	ssyncadd.s32 $0xFFFFE800  }
0x98: {  	[spmem:s5] =	stream.linear.scatter [tilespmem:s7], [sflag:$0xA], $0x1800, $0x38;
	[tilespmem:$0x1FD00] =	vst v63  }
0x99: {  	_ =	swait.ge [sflag:s26], $0x1800  }
0x9a: {  	s5 =	sld [smem:$0x7FC]  }
0x9b: {  	[sflag:s26] =	ssyncset.done $0x0  }
0x9c: {  	s3 =	simm.s32 @!p0 $0x1B500;
	[sflag:s26] =	ssyncadd.s32 $0xFFFFE800  }
0x9d: {  	[spmem:s5] =	stream.linear.scatter @!p0 [tilespmem:s3], [sflag:$0xA], $0x800, $0x38;
	[tilespmem:$0x1FD00] =	vst v63  }
0x9e: {  	s3 =	simm.s32 @!p0 $0xA  }
0x9f: {  	_ =	swait.ge @!p0 [sflag:s3], $0x800  }
0xa0: {  	[sflag:s3] =	ssyncset.done @!p0 $0x0  }
0xa1: {  	s5 =	simm.s32 $0x0;
	s16 =	rddreg [dreg:$0xc];
	[sflag:s3] =	ssyncadd.s32 @!p0 $0xFFFFF800  }
0xa2: {  	[tilespmem:s29], [sflag:$0xA] =	stream.linear.gather [hbm4b:s16+s5], $0x2780, $0x38;
	[tilespmem:$0x1FD00] =	vst v63  }
0xa3: {  	_ =	swait.ge [sflag:s26], $0x2780  }
0xa4: {  	[sflag:s26] =	ssyncset.done $0x0  }
0xa5: {  	s17 =	rddreg [dreg:$0xd];
	[sflag:s26] =	ssyncadd.s32 $0xFFFFD880  }
0xa6: {  	[tilespmem:s30], [sflag:$0xA] =	stream.linear.gather [hbm4b:s17+s5], $0x2780, $0x38;
	[tilespmem:$0x1FD00] =	vst v63  }
0xa7: {  	_ =	swait.ge [sflag:s26], $0x2780  }
0xa8: {  	[sflag:s26] =	ssyncset.done $0x0  }
0xa9: {  	[sflag:s26] =	ssyncadd.s32 $0xFFFFD880  }
0xaa: {  	[bflag:$0x0] =	sbarrier.arrive $0xFFFF  }
0xab: {  	s16 =	simm.s32 $0x1AF00;
	s20 =	rddreg [dreg:$0x16]  }
0xac: {  	[tilespmem:s16], [sflag:$0x1] =	stream.linear.gather [hbm4b:s20+s5], $0x30, $0x38;
	[tilespmem:$0x1FD00] =	vst v63  }
0xad: {  	s17 =	simm.s32 $0x1B080;
	s24 =	rddreg [dreg:$0x17]  }
0xae: {  	[tilespmem:s17], [sflag:$0x1] =	stream.linear.gather [hbm4b:s24+s5], $0x30, $0x38;
	[tilespmem:$0x1FD00] =	vst v63  }
0xaf: {  	s17 =	simm.s32 $0x1  }
0xb0: {  	_ =	swait.ge [sflag:s17], $0x30  }
0xb1: {  	[sflag:s17] =	ssyncset.done $0x0  }
0xb2: {  	[sflag:s17] =	ssyncadd.s32 $0xFFFFFFD0  }
0xb3: {  	_ =	swait.ge [sflag:s17], $0x30  }
0xb4: {  	[sflag:s17] =	ssyncset.done $0x0  }
0xb5: {  	[sflag:s17] =	ssyncadd.s32 $0xFFFFFFD0  }
0xb6: {  	v1 =	vld [tilespmem:$0x1AF00]  }
0xb7: {  	v2 =	vld [tilespmem:$0x1B080];
	_ =	sdelay $0x6  }
0xb8: {  	v1 =	vld.idx.msk [tilespmem:v1+s29+$0x0], $0xffff  }
0xb9: {  	v3 =	vld.idx.msk [tilespmem:v2+s30+$0x0], $0xffff;
	_ =	sdelay $0x4  }
0xba: {  	v1 =	vadd.f32 v3, v1;
	_ =	sdelay $0x1  }
0xbb: {  	v3 =	vmul.f32 $2.000000030e-01, v1  }
0xbc: {  	vm0 =	vgt.f32 v1, $0.0e+00  }
0xbd: {  	v1 =	vsel vm0, v1, v3  }
0xbe: {  	v1 =	vmul.f32 $1.442695020e+00, v1;
	_ =	sdelay $0x1  }
0xbf: {  	(erf) = vpow2.f32 v1;
	_ =	sdelay $0x8  }
0xc0: {  	v1 =	vpop (erf)  }
0xc1: {  	v1 =	vpsel !p4, $0x0, v1  }
0xc2: {  	[tilespmem:$0x1B380] =	vst v1  }
0xc3: {  	[tilespmem:v2+s31+$0x0] =	vst.idx.add.f32.msk $0xffff, v1  }
0xc4: {  	v1 =	vld [tilespmem:$0x1AF10]  }
0xc5: {  	v2 =	vld [tilespmem:$0x1B090];
	_ =	sdelay $0x6  }
0xc6: {  	v1 =	vld.idx.msk [tilespmem:v1+s29+$0x0], $0xffff  }
0xc7: {  	v3 =	vld.idx.msk [tilespmem:v2+s30+$0x0], $0xffff;
	_ =	sdelay $0x4  }
0xc8: {  	v1 =	vadd.f32 v3, v1;
	_ =	sdelay $0x1  }
0xc9: {  	v3 =	vmul.f32 $2.000000030e-01, v1  }
0xca: {  	vm11 =	vgt.f32 v1, $0.0e+00  }
0xcb: {  	v1 =	vsel vm11, v1, v3  }
0xcc: {  	v1 =	vmul.f32 $1.442695020e+00, v1;
	_ =	sdelay $0x1  }
0xcd: {  	(erf) = vpow2.f32 v1;
	_ =	sdelay $0x5  }
0xce: {  	s20 =	sld [smem:$0x7EE];
	_ =	sdelay $0x2  }
0xcf: {  	p1 =	seq.s32 s20, $0x1;
	v1 =	vpop (erf)  }
0xd0: {  	v1 =	vpsel !p1, $0x0, v1  }
0xd1: {  	[tilespmem:$0x1B390] =	vst v1  }
0xd2: {  	[tilespmem:v2+s31+$0x0] =	vst.idx.add.f32.msk $0xffff, v1  }
0xd3: {  	v1 =	vld [tilespmem:$0x1AF20]  }
0xd4: {  	v2 =	vld [tilespmem:$0x1B0A0];
	_ =	sdelay $0x6  }
0xd5: {  	v1 =	vld.idx.msk [tilespmem:v1+s29+$0x0], $0xffff  }
0xd6: {  	v3 =	vld.idx.msk [tilespmem:v2+s30+$0x0], $0xffff;
	_ =	sdelay $0x4  }
0xd7: {  	v1 =	vadd.f32 v3, v1;
	_ =	sdelay $0x1  }
0xd8: {  	v3 =	vmul.f32 $2.000000030e-01, v1  }
0xd9: {  	vm12 =	vgt.f32 v1, $0.0e+00  }
0xda: {  	v1 =	vsel vm12, v1, v3  }
0xdb: {  	v1 =	vmul.f32 $1.442695020e+00, v1;
	_ =	sdelay $0x1  }
0xdc: {  	(erf) = vpow2.f32 v1;
	_ =	sdelay $0x5  }
0xdd: {  	s24 =	sld [smem:$0x7EF];
	_ =	sdelay $0x2  }
0xde: {  	p2 =	seq.s32 s24, $0x1;
	v1 =	vpop (erf)  }
0xdf: {  	v1 =	vpsel !p2, $0x0, v1  }
0xe0: {  	[tilespmem:$0x1B3A0] =	vst v1  }
0xe1: {  	[tilespmem:v2+s31+$0x0] =	vst.idx.add.f32.msk $0xffff, v1  }
0xe2: {  	[tilespmem:s7], [sflag:$0x4] =	stream.indirect.gather [hbm4b:s1+s4], $0x80, s16, s4, $0xb8;
	[tilespmem:$0x1FD00] =	vst v63  }
0xe3: {  	s17 =	rddreg [dreg:$0x18];
	s7 =	simm.s32 $0x1AF80  }
0xe4: {  	[tilespmem:s7], [sflag:$0x2] =	stream.linear.gather [hbm4b:s17+s5], $0x30, $0x38;
	[tilespmem:$0x1FD00] =	vst v63  }
0xe5: {  	s20 =	rddreg [dreg:$0x19];
	s24 =	simm.s32 $0x1B100  }
0xe6: {  	[tilespmem:s24], [sflag:$0x2] =	stream.linear.gather [hbm4b:s20+s5], $0x30, $0x38;
	[tilespmem:$0x1FD00] =	vst v63  }
0xe7: {  	_ =	swait.ge [sflag:s6], $0x30  }
0xe8: {  	[sflag:s6] =	ssyncset.done $0x0  }
0xe9: {  	[sflag:s6] =	ssyncadd.s32 $0xFFFFFFD0  }
0xea: {  	_ =	swait.ge [sflag:s6], $0x30  }
0xeb: {  	[sflag:s6] =	ssyncset.done $0x0  }
0xec: {  	[sflag:s6] =	ssyncadd.s32 $0xFFFFFFD0  }
0xed: {  	v1 =	vld [tilespmem:$0x1AF80]  }
0xee: {  	v2 =	vld [tilespmem:$0x1B100];
	_ =	sdelay $0x6  }
0xef: {  	v1 =	vld.idx.msk [tilespmem:v1+s29+$0x0], $0xffff  }
0xf0: {  	v3 =	vld.idx.msk [tilespmem:v2+s30+$0x0], $0xffff;
	_ =	sdelay $0x4  }
0xf1: {  	v1 =	vadd.f32 v3, v1;
	_ =	sdelay $0x1  }
0xf2: {  	v3 =	vmul.f32 $2.000000030e-01, v1  }
0xf3: {  	vm13 =	vgt.f32 v1, $0.0e+00  }
0xf4: {  	v1 =	vsel vm13, v1, v3  }
0xf5: {  	v1 =	vmul.f32 $1.442695020e+00, v1;
	_ =	sdelay $0x1  }
0xf6: {  	(erf) = vpow2.f32 v1;
	_ =	sdelay $0x8  }
0xf7: {  	v1 =	vpop (erf)  }
0xf8: {  	v1 =	vpsel !p5, $0x0, v1  }
0xf9: {  	[tilespmem:$0x1B400] =	vst v1  }
0xfa: {  	[tilespmem:v2+s31+$0x0] =	vst.idx.add.f32.msk $0xffff, v1  }
0xfb: {  	v1 =	vld [tilespmem:$0x1AF90]  }
0xfc: {  	v2 =	vld [tilespmem:$0x1B110];
	_ =	sdelay $0x6  }
0xfd: {  	v1 =	vld.idx.msk [tilespmem:v1+s29+$0x0], $0xffff  }
0xfe: {  	v3 =	vld.idx.msk [tilespmem:v2+s30+$0x0], $0xffff;
	_ =	sdelay $0x4  }
0xff: {  	v1 =	vadd.f32 v3, v1;
	_ =	sdelay $0x1  }
0x100: {  	v3 =	vmul.f32 $2.000000030e-01, v1  }
0x101: {  	vm14 =	vgt.f32 v1, $0.0e+00  }
0x102: {  	v1 =	vsel vm14, v1, v3  }
0x103: {  	v1 =	vmul.f32 $1.442695020e+00, v1;
	_ =	sdelay $0x1  }
0x104: {  	(erf) = vpow2.f32 v1;
	_ =	sdelay $0x5  }
0x105: {  	s17 =	sld [smem:$0x7F0];
	_ =	sdelay $0x2  }
0x106: {  	p2 =	seq.s32 s17, $0x1;
	v1 =	vpop (erf)  }
0x107: {  	v1 =	vpsel !p2, $0x0, v1  }
0x108: {  	[tilespmem:$0x1B410] =	vst v1  }
0x109: {  	[tilespmem:v2+s31+$0x0] =	vst.idx.add.f32.msk $0xffff, v1  }
0x10a: {  	v1 =	vld [tilespmem:$0x1AFA0]  }
0x10b: {  	v2 =	vld [tilespmem:$0x1B120];
	_ =	sdelay $0x6  }
0x10c: {  	v1 =	vld.idx.msk [tilespmem:v1+s29+$0x0], $0xffff  }
0x10d: {  	v3 =	vld.idx.msk [tilespmem:v2+s30+$0x0], $0xffff;
	_ =	sdelay $0x4  }
0x10e: {  	v1 =	vadd.f32 v3, v1;
	_ =	sdelay $0x1  }
0x10f: {  	v3 =	vmul.f32 $2.000000030e-01, v1  }
0x110: {  	vm15 =	vgt.f32 v1, $0.0e+00  }
0x111: {  	v1 =	vsel vm15, v1, v3  }
0x112: {  	v1 =	vmul.f32 $1.442695020e+00, v1;
	_ =	sdelay $0x1  }
0x113: {  	(erf) = vpow2.f32 v1;
	_ =	sdelay $0x8  }
0x114: {  	v1 =	vpop (erf)  }
0x115: {  	v1 =	vpsel !p3, $0x0, v1  }
0x116: {  	[tilespmem:$0x1B420] =	vst v1  }
0x117: {  	[tilespmem:v2+s31+$0x0] =	vst.idx.add.f32.msk $0xffff, v1  }
0x118: {  	[tilespmem:s25], [sflag:$0x5] =	stream.indirect.gather [hbm4b:s1+s4], $0x80, s7, s4, $0xb8;
	[tilespmem:$0x1FD00] =	vst v63  }
0x119: {  	s20 =	rddreg [dreg:$0x1a]  }
0x11a: {  	[tilespmem:s8], [sflag:$0x3] =	stream.linear.gather [hbm4b:s20+s5], $0x30, $0x38;
	[tilespmem:$0x1FD00] =	vst v63  }
0x11b: {  	s24 =	rddreg [dreg:$0x1b];
	s25 =	simm.s32 $0x1B180  }
0x11c: {  	[tilespmem:s25], [sflag:$0x3] =	stream.linear.gather [hbm4b:s24+s5], $0x30, $0x38;
	[tilespmem:$0x1FD00] =	vst v63  }
.LBB2_6:
0x11d: {  	_ =	swait.ge [sflag:s10], $0x30  }
0x11e: {  	[sflag:s10] =	ssyncset.done $0x0  }
0x11f: {  	[sflag:s10] =	ssyncadd.s32 $0xFFFFFFD0  }
0x120: {  	_ =	swait.ge [sflag:s10], $0x30  }
0x121: {  	[sflag:s10] =	ssyncset.done $0x0  }
0x122: {  	[sflag:s10] =	ssyncadd.s32 $0xFFFFFFD0  }
0x123: {  	v1 =	vld [tilespmem:$0x1B000]  }
0x124: {  	v2 =	vld [tilespmem:$0x1B180];
	_ =	sdelay $0x6  }
0x125: {  	v1 =	vld.idx.msk [tilespmem:v1+s29+$0x0], $0xffff  }
0x126: {  	v3 =	vld.idx.msk [tilespmem:v2+s30+$0x0], $0xffff;
	_ =	sdelay $0x4  }
0x127: {  	v1 =	vadd.f32 v3, v1;
	_ =	sdelay $0x1  }
0x128: {  	v3 =	vmul.f32 $2.000000030e-01, v1  }
0x129: {  	vm0 =	vgt.f32 v1, $0.0e+00  }
0x12a: {  	v1 =	vsel vm0, v1, v3  }
0x12b: {  	v1 =	vmul.f32 $1.442695020e+00, v1;
	_ =	sdelay $0x1  }
0x12c: {  	(erf) = vpow2.f32 v1;
	_ =	sdelay $0x3  }
0x12d: {  	s3 =	smul.u32 $0x3, s5;
	_ =	sdelay $0x1  }
0x12e: {  	s16 =	sadd.s32 s3, s23  }
0x12f: {  	s16 =	smul.u32 $0x30, s16;
	_ =	sdelay $0x1  }
0x130: {  	p1 =	slt.u32 s16, $0x50910;
	v1 =	vpop (erf)  }
0x131: {  	v1 =	vpsel !p1, $0x0, v1  }
0x132: {  	[tilespmem:$0x1B480] =	vst v1  }
0x133: {  	[tilespmem:v2+s31+$0x0] =	vst.idx.add.f32.msk $0xffff, v1  }
0x134: {  	v1 =	vld [tilespmem:$0x1B010]  }
0x135: {  	v2 =	vld [tilespmem:$0x1B190];
	_ =	sdelay $0x6  }
0x136: {  	v1 =	vld.idx.msk [tilespmem:v1+s29+$0x0], $0xffff  }
0x137: {  	v3 =	vld.idx.msk [tilespmem:v2+s30+$0x0], $0xffff;
	_ =	sdelay $0x4  }
0x138: {  	v1 =	vadd.f32 v3, v1;
	_ =	sdelay $0x1  }
0x139: {  	v3 =	vmul.f32 $2.000000030e-01, v1  }
0x13a: {  	vm14 =	vgt.f32 v1, $0.0e+00  }
0x13b: {  	v1 =	vsel vm14, v1, v3  }
0x13c: {  	v1 =	vmul.f32 $1.442695020e+00, v1;
	_ =	sdelay $0x1  }
0x13d: {  	(erf) = vpow2.f32 v1;
	_ =	sdelay $0x7  }
0x13e: {  	s17 =	sadd.s32 $0x10, s16  }
0x13f: {  	p2 =	slt.u32 s17, $0x50910;
	v1 =	vpop (erf)  }
0x140: {  	v1 =	vpsel !p2, $0x0, v1  }
0x141: {  	[tilespmem:$0x1B490] =	vst v1  }
0x142: {  	[tilespmem:v2+s31+$0x0] =	vst.idx.add.f32.msk $0xffff, v1  }
0x143: {  	v1 =	vld [tilespmem:$0x1B020]  }
0x144: {  	v2 =	vld [tilespmem:$0x1B1A0];
	_ =	sdelay $0x6  }
0x145: {  	v1 =	vld.idx.msk [tilespmem:v1+s29+$0x0], $0xffff  }
0x146: {  	v3 =	vld.idx.msk [tilespmem:v2+s30+$0x0], $0xffff;
	_ =	sdelay $0x4  }
0x147: {  	v1 =	vadd.f32 v3, v1;
	_ =	sdelay $0x1  }
0x148: {  	v3 =	vmul.f32 $2.000000030e-01, v1  }
0x149: {  	vm15 =	vgt.f32 v1, $0.0e+00  }
0x14a: {  	v1 =	vsel vm15, v1, v3  }
0x14b: {  	v1 =	vmul.f32 $1.442695020e+00, v1;
	_ =	sdelay $0x1  }
0x14c: {  	(erf) = vpow2.f32 v1;
	_ =	sdelay $0x7  }
0x14d: {  	s16 =	sadd.s32 $0x20, s16  }
0x14e: {  	p2 =	slt.u32 s16, $0x50910;
	v1 =	vpop (erf)  }
0x14f: {  	v1 =	vpsel !p2, $0x0, v1  }
0x150: {  	[tilespmem:$0x1B4A0] =	vst v1  }
0x151: {  	[tilespmem:v2+s31+$0x0] =	vst.idx.add.f32.msk $0xffff, v1  }
0x152: {  	_ =	swait.ge [sflag:s11], $0x1800  }
0x153: {  	[sflag:s11] =	ssyncset.done $0x0  }
0x154: {  	[sflag:s11] =	ssyncadd.s32 $0xFFFFE800  }
0x155: {  	v1 =	vld [tilespmem:$0x1B080]  }
0x156: {  	v2 =	vld [tilespmem:$0x1B090]  }
0x157: {  	v3 =	vld [tilespmem:$0x1B0A0]  }
0x158: {  	p1 =	seq.s32 s5, $0x47;
	s16 =	sadd.s32 $0x3, s3  }
0x159: {  	s24 =	sadd.s32 @!p1 s28, s16  }
0x15a: {  	s16 =	smul.u32 @!p1 $0x6, s24;
	[tilespmem:$0x1B200] =	vst v1  }
0x15b: {  	s20 =	simm.s32 @!p1 $0x0;
	[tilespmem:$0x1B210] =	vst v2  }
0x15c: {  	s25 =	simm.s32 @!p1 $0x1AF00;
	s17 =	sadd.s32 @!p1 s13, s16;
	p2 =	seq.s32 @!p1 s5, $0x0;
	[tilespmem:$0x1B220] =	vst v3  }
0x15d: {  	[tilespmem:s25], [sflag:$0x1] =	stream.linear.gather @!p1 [hbm4b:s17+s20], $0x30, $0x38;
	[tilespmem:$0x1FD00] =	vst v63  }
0x15e: {  	s16 =	sadd.s32 @!p1 s14, s16;
	p2 =	por p1, !p2;
	s17 =	simm.s32 @!p1 $0x1B080  }
0x15f: {  	[tilespmem:s17], [sflag:$0x1] =	stream.linear.gather @!p1 [hbm4b:s16+s20], $0x30, $0x38;
	[tilespmem:$0x1FD00] =	vst v63  }
0x160: {  	_ =	swait.ge @p2 [sflag:s9], $0x1800  }
0x161: {  	s25 =	simm.s32 $0x6;
	[sflag:s9] =	ssyncset.done @p2 $0x0  }
0x162: {  	s20 =	simm.s32 $0x0;
	s16 =	simm.s32 $0x1B700;
	[sflag:s9] =	ssyncadd.s32 @p2 $0xFFFFE800  }
0x163: {  	v2 =	vmov s25;
	[tilespmem:s12], [sflag:$0x6] =	stream.indirect.gather [hbm4b:s1+s4], $0x80, s8, s4, $0xb8;
	[tilespmem:$0x1FD00] =	vst v63  }
0x164: {  	v2 =	vand.u32 $0xFFFFFFFE, v2;
	v1 =	vmov s20;
	v4 =	vld [tilespmem:s16+$0x170]  }
0x165: {  	s7 =	simm.s32 $0x1;
	v2 =	vbroadcast v2, $0x0;
	v1 =	vand.u32 $0xFFFFFFF8, v1;
	v5 =	vld [tilespmem:s16+$0xFFFFFE00]  }
0x166: {  	v3 =	vmov s7;
	v1 =	vbroadcast v1, $0x0;
	v6 =	vld [tilespmem:s16+$0xFFFFFE10]  }
0x167: {  	v3 =	vand.u32 $0xFFFFFFF9, v3;
	v7 =	vld [tilespmem:s16+$0xFFFFFE20]  }
0x168: {  	v3 =	vbroadcast v3, $0x0;
	v8 =	vld [tilespmem:s16+$0xFFFFFE30]  }
0x169: {  	v9 =	vld [tilespmem:s16+$0xFFFFFE40]  }
0x16a: {  	v10 =	vld [tilespmem:s16+$0xFFFFFE50]  }
0x16b: {  	v2 =	vld.idx.msk [tilespmem:v2+s15+$0x0], $0xffff  }
0x16c: {  	v1 =	vld.idx.msk [tilespmem:v1+s15+$0x0], $0xffff  }
0x16d: {  	v11 =	vld [tilespmem:s16+$0xFFFFFE60]  }
0x16e: {  	v3 =	vld.idx.msk [tilespmem:v3+s15+$0x0], $0xffff  }
0x16f: {  	v12 =	vld [tilespmem:s16+$0xFFFFFE70]  }
0x170: {  	v13 =	vld [tilespmem:s16+$0xFFFFFE80];
	v4 =	vmul.f32 v4, v2  }
0x171: {  	v14 =	vld [tilespmem:s16+$0xFFFFFE90];
	v5 =	vmul.f32 v5, v1  }
0x172: {  	v15 =	vld [tilespmem:s16+$0xFFFFFEA0];
	v6 =	vmul.f32 v6, v1;
	[tilespmem:s16+$0x170] =	vst v4  }
0x173: {  	s20 =	simm.s32 $0x2;
	v16 =	vld [tilespmem:s16+$0xFFFFFEB0];
	v4 =	vmul.f32 v7, v1;
	[tilespmem:s16+$0xFFFFFE00] =	vst v5  }
0x174: {  	v7 =	vld [tilespmem:s16+$0xFFFFFEC0];
	v8 =	vmul.f32 v8, v1;
	v5 =	vmov s20;
	[tilespmem:s16+$0xFFFFFE10] =	vst v6  }
0x175: {  	v9 =	vmul.f32 v9, v1;
	v6 =	vmul.f32 v13, v3;
	v13 =	vld [tilespmem:s16+$0xFFFFFED0];
	[tilespmem:s16+$0xFFFFFE20] =	vst v4;
	v5 =	vand.u32 $0xFFFFFFFA, v5  }
0x176: {  	v4 =	vld [tilespmem:s16+$0xFFFFFEE0];
	[tilespmem:s16+$0xFFFFFE30] =	vst v8;
	v5 =	vbroadcast v5, $0x0  }
0x177: {  	v8 =	vmul.f32 v10, v1;
	v10 =	vld [tilespmem:s16+$0xFFFFFEF0];
	[tilespmem:s16+$0xFFFFFE40] =	vst v9  }
0x178: {  	v9 =	vmul.f32 v11, v1;
	v11 =	vld [tilespmem:s16+$0xFFFFFF00];
	[tilespmem:s16+$0xFFFFFE80] =	vst v6  }
0x179: {  	s25 =	simm.s32 $0x3;
	v1 =	vmul.f32 v12, v1;
	v12 =	vld [tilespmem:s16+$0xFFFFFF20];
	[tilespmem:s16+$0xFFFFFE50] =	vst v8  }
0x17a: {  	v6 =	vmov s25;
	v8 =	vld [tilespmem:s16+$0xFFFFFF10];
	[tilespmem:s16+$0xFFFFFE60] =	vst v9;
	v9 =	vmul.f32 v14, v3  }
0x17b: {  	[tilespmem:s16+$0xFFFFFE70] =	vst v1;
	v1 =	vmul.f32 v15, v3;
	v14 =	vld [tilespmem:s16+$0xFFFFFF30];
	v6 =	vand.u32 $0xFFFFFFFB, v6  }
0x17c: {  	v7 =	vmul.f32 v7, v3;
	v6 =	vbroadcast v6, $0x0;
	[tilespmem:s16+$0xFFFFFE90] =	vst v9;
	v5 =	vld.idx.msk [tilespmem:v5+s15+$0x0], $0xffff  }
0x17d: {  	v15 =	vld [tilespmem:s16+$0xFFFFFF40];
	v9 =	vmul.f32 v16, v3;
	[tilespmem:s16+$0xFFFFFEA0] =	vst v1  }
0x17e: {  	v13 =	vmul.f32 v13, v3;
	[tilespmem:s16+$0xFFFFFEC0] =	vst v7;
	v7 =	vld [tilespmem:s16+$0xFFFFFF70]  }
0x17f: {  	v4 =	vmul.f32 v4, v3;
	[tilespmem:s16+$0xFFFFFEB0] =	vst v9;
	v9 =	vld [tilespmem:s16+$0xFFFFFF60]  }
0x180: {  	v3 =	vmul.f32 v10, v3;
	v10 =	vld [tilespmem:s16+$0xFFFFFF80];
	[tilespmem:s16+$0xFFFFFED0] =	vst v13  }
0x181: {  	[tilespmem:s16+$0xFFFFFEE0] =	vst v4;
	v13 =	vld [tilespmem:s16+$0xFFFFFFB0];
	v1 =	vmul.f32 v11, v5  }
0x182: {  	[tilespmem:s16+$0xFFFFFEF0] =	vst v3;
	v6 =	vld.idx.msk [tilespmem:v6+s15+$0x0], $0xffff;
	v4 =	vmul.f32 v8, v5  }
0x183: {  	s7 =	simm.s32 $0x4;
	v11 =	vld [tilespmem:s16+$0xFFFFFF50];
	v3 =	vmul.f32 v12, v5;
	[tilespmem:s16+$0xFFFFFF00] =	vst v1  }
0x184: {  	v8 =	vld [tilespmem:s16+$0xFFFFFF90];
	v9 =	vmul.f32 v9, v5;
	v1 =	vmov s7;
	[tilespmem:s16+$0xFFFFFF10] =	vst v4  }
0x185: {  	v12 =	vld [tilespmem:s16+$0xFFFFFFA0];
	v4 =	vmul.f32 v14, v5;
	[tilespmem:s16+$0xFFFFFF20] =	vst v3;
	v1 =	vand.u32 $0xFFFFFFFC, v1  }
0x186: {  	v3 =	vmul.f32 v15, v5;
	v14 =	vld [tilespmem:s16+$0xFFFFFFC0];
	[tilespmem:s16+$0xFFFFFF60] =	vst v9;
	v1 =	vbroadcast v1, $0x0  }
0x187: {  	v9 =	vld [tilespmem:s16+$0x0];
	[tilespmem:s16+$0xFFFFFF30] =	vst v4;
	v4 =	vmul.f32 v10, v6  }
0x188: {  	s20 =	simm.s32 $0x5;
	v10 =	vld [tilespmem:s16+$0xFFFFFFD0];
	[tilespmem:s16+$0xFFFFFF40] =	vst v3;
	v11 =	vmul.f32 v11, v5  }
0x189: {  	v3 =	vld [tilespmem:s16+$0xFFFFFFE0];
	v5 =	vmul.f32 v7, v5;
	[tilespmem:s16+$0xFFFFFF80] =	vst v4;
	v4 =	vmov s20  }
0x18a: {  	v7 =	vld [tilespmem:s16+$0xFFFFFFF0];
	v8 =	vmul.f32 v8, v6;
	[tilespmem:s16+$0xFFFFFF50] =	vst v11;
	v4 =	vand.u32 $0xFFFFFFFD, v4  }
0x18b: {  	[tilespmem:s16+$0xFFFFFF70] =	vst v5;
	v5 =	vmul.f32 v12, v6;
	v11 =	vld [tilespmem:s16+$0x10];
	v4 =	vbroadcast v4, $0x0  }
0x18c: {  	[tilespmem:s16+$0xFFFFFF90] =	vst v8;
	v8 =	vmul.f32 v13, v6;
	v1 =	vld.idx.msk [tilespmem:v1+s15+$0x0], $0xffff  }
0x18d: {  	v12 =	vld [tilespmem:s16+$0x20];
	[tilespmem:s16+$0xFFFFFFA0] =	vst v5;
	v5 =	vmul.f32 v14, v6  }
0x18e: {  	v13 =	vld [tilespmem:s16+$0x30];
	[tilespmem:s16+$0xFFFFFFB0] =	vst v8;
	v8 =	vmul.f32 v10, v6  }
0x18f: {  	v10 =	vld [tilespmem:s16+$0x40];
	v3 =	vmul.f32 v3, v6;
	[tilespmem:s16+$0xFFFFFFC0] =	vst v5  }
0x190: {  	v6 =	vmul.f32 v7, v6;
	[tilespmem:s16+$0xFFFFFFD0] =	vst v8;
	v8 =	vld [tilespmem:s16+$0x60]  }
0x191: {  	[tilespmem:s16+$0xFFFFFFE0] =	vst v3;
	v4 =	vld.idx.msk [tilespmem:v4+s15+$0x0], $0xffff;
	v5 =	vmul.f32 v9, v1  }
0x192: {  	[tilespmem:s16+$0xFFFFFFF0] =	vst v6;
	v9 =	vld [tilespmem:s16+$0x50];
	v6 =	vmul.f32 v12, v1  }
0x193: {  	v3 =	vmul.f32 v11, v1;
	v11 =	vld [tilespmem:s16+$0x90];
	[tilespmem:s16+$0x0] =	vst v5  }
0x194: {  	v7 =	vld [tilespmem:s16+$0x80];
	[tilespmem:s16+$0x20] =	vst v6;
	v6 =	vmul.f32 v10, v1  }
0x195: {  	v5 =	vld [tilespmem:s16+$0x70];
	[tilespmem:s16+$0x10] =	vst v3;
	v3 =	vmul.f32 v13, v1  }
0x196: {  	v10 =	vld [tilespmem:s16+$0xA0];
	[tilespmem:s16+$0x40] =	vst v6;
	v6 =	vmul.f32 v8, v1  }
0x197: {  	[tilespmem:s16+$0x30] =	vst v3;
	v8 =	vld [tilespmem:s16+$0xC0];
	v3 =	vmul.f32 v9, v1  }
0x198: {  	v9 =	vld [tilespmem:s16+$0xB0];
	v11 =	vmul.f32 v11, v4;
	[tilespmem:s16+$0x60] =	vst v6  }
0x199: {  	s25 =	simm.s32 $0x7;
	v6 =	vld [tilespmem:s16+$0xE0];
	[tilespmem:s16+$0x50] =	vst v3;
	v3 =	vmul.f32 v7, v4  }
0x19a: {  	v12 =	vmov s25;
	v7 =	vld [tilespmem:s16+$0xD0];
	v5 =	vmul.f32 v5, v1;
	[tilespmem:s16+$0x90] =	vst v11  }
0x19b: {  	v11 =	vld [tilespmem:s16+$0x150];
	[tilespmem:s16+$0x80] =	vst v3  }
0x19c: {  	[tilespmem:s16+$0x70] =	vst v5;
	v3 =	vmul.f32 v10, v4;
	v5 =	vld [tilespmem:s16+$0xF0]  }
0x19d: {  	v10 =	vld [tilespmem:s16+$0x100];
	v9 =	vmul.f32 v9, v4  }
0x19e: {  	[tilespmem:s16+$0xA0] =	vst v3;
	v3 =	vmul.f32 v8, v4;
	v8 =	vld [tilespmem:s16+$0x110]  }
0x19f: {  	v1 =	vld.idx.msk [tilespmem:v12+s15+$0x0], $0xffff;
	[tilespmem:s16+$0xB0] =	vst v9;
	v7 =	vmul.f32 v7, v4  }
0x1a0: {  	v9 =	vld [tilespmem:s16+$0x120];
	v11 =	vmul.f32 v11, v2;
	[tilespmem:s16+$0xC0] =	vst v3  }
0x1a1: {  	s25 =	simm.s32 $0x9;
	v3 =	vmul.f32 v6, v4;
	v6 =	vld [tilespmem:s16+$0x130];
	[tilespmem:s16+$0xD0] =	vst v7;
	v4 =	vmul.f32 v5, v4  }
0x1a2: {  	s7 =	simm.s32 $0x8;
	v12 =	vmov s25;
	v5 =	vld [tilespmem:s16+$0x140];
	[tilespmem:s16+$0x150] =	vst v11  }
0x1a3: {  	s20 =	simm.s32 $0xF;
	v7 =	vmov s7;
	v10 =	vmul.f32 v10, v2;
	s7 =	simm.s32 $0xA;
	[tilespmem:s16+$0xF0] =	vst v4;
	v4 =	vmul.f32 v8, v2;
	v8 =	vld [tilespmem:s16+$0x160]  }
0x1a4: {  	v14 =	vld [tilespmem:s16+$0x180];
	s25 =	simm.s32 $0xB;
	[tilespmem:s16+$0xE0] =	vst v3;
	v7 =	vand.u32 $0xFFFFFFF8, v7;
	v3 =	vmov s20;
	v13 =	vmov s7;
	s7 =	simm.s32 $0xC  }
0x1a5: {  	v17 =	vld [tilespmem:s16+$0x190];
	[tilespmem:s16+$0x100] =	vst v10;
	v10 =	vmov s25;
	v15 =	vmov s7;
	s25 =	simm.s32 $0xD;
	v9 =	vmul.f32 v9, v2  }
0x1a6: {  	v18 =	vmov s25;
	[tilespmem:s16+$0x110] =	vst v4;
	v16 =	vmul.f32 v6, v2;
	v4 =	vbroadcast v7, $0x0;
	v6 =	vld [tilespmem:s16+$0x1A0]  }
0x1a7: {  	v7 =	vld [tilespmem:s16+$0x1B0];
	[tilespmem:s16+$0x120] =	vst v9;
	v9 =	vmul.f32 v5, v2;
	v5 =	vand.u32 $0xFFFFFFF9, v12;
	v12 =	vand.u32 $0xFFFFFFFA, v13  }
0x1a8: {  	v13 =	vand.u32 $0xFFFFFFFB, v10;
	[tilespmem:s16+$0x130] =	vst v16;
	v5 =	vbroadcast v5, $0x0;
	v16 =	vmul.f32 v8, v2;
	v8 =	vld [tilespmem:s16+$0x1C0]  }
0x1a9: {  	v10 =	vbroadcast v12, $0x0;
	[tilespmem:s16+$0x140] =	vst v9;
	v2 =	vand.u32 $0xFFFFFFFC, v15;
	v15 =	vmul.f32 v14, v1;
	v9 =	vld [tilespmem:s16+$0x1D0]  }
0x1aa: {  	s17 =	simm.s32 $0xE;
	v11 =	vld [tilespmem:s16+$0x1E0];
	s20 =	simm.s32 $0x10;
	v12 =	vbroadcast v13, $0x0;
	v13 =	vmul.f32 v17, v1;
	v14 =	vand.u32 $0xFFFFFFFD, v18;
	[tilespmem:s16+$0x160] =	vst v16  }
.LBB2_7:
0x1ab: {  	p2 =	slt.u32 s20, $0x28;
	v2 =	vbroadcast v2, $0x0;
	v16 =	vmov s17;
	[tilespmem:s16+$0x180] =	vst v15;
	v6 =	vmul.f32 v6, v1;
	v15 =	vld [tilespmem:s16+$0x1F0]  }
0x1ac: {  	v14 =	vbroadcast v14, $0x0;
	v16 =	vand.u32 $0xFFFFFFFE, v16;
	v17 =	vld.idx.msk [tilespmem:v3+s15+$0x0], $0xffff;
	[tilespmem:s16+$0x190] =	vst v13;
	v3 =	vmul.f32 v7, v1  }
0x1ad: {  	v7 =	vld.idx.msk [tilespmem:v4+s15+$0x0], $0xffff;
	v13 =	vbroadcast v16, $0x0;
	[tilespmem:s16+$0x1A0] =	vst v6;
	v4 =	vmul.f32 v8, v1  }
0x1ae: {  	v6 =	vld.idx.msk [tilespmem:v5+s15+$0x0], $0xffff;
	[tilespmem:s16+$0x1B0] =	vst v3;
	v3 =	vmul.f32 v9, v1  }
0x1af: {  	v8 =	vld.idx.msk [tilespmem:v10+s15+$0x0], $0xffff;
	[tilespmem:s16+$0x1C0] =	vst v4;
	v9 =	vmul.f32 v11, v1  }
0x1b0: {  	v5 =	vld.idx.msk [tilespmem:v12+s15+$0x0], $0xffff;
	[tilespmem:s16+$0x1D0] =	vst v3;
	v10 =	vmul.f32 v15, v1  }
0x1b1: {  	v4 =	vld.idx.msk [tilespmem:v2+s15+$0x0], $0xffff;
	[tilespmem:s16+$0x1E0] =	vst v9  }
0x1b2: {  	v1 =	vmov v17;
	v3 =	vld.idx.msk [tilespmem:v14+s15+$0x0], $0xffff;
	[tilespmem:s16+$0x1F0] =	vst v10  }
0x1b3: {  	s16 =	sadd.s32 $0x400, s16;
	v2 =	vld.idx.msk [tilespmem:v13+s15+$0x0], $0xffff  }
0x1b4: {  	v9 =	vld [tilespmem:s16+$0x170]  }
0x1b5: {  	v10 =	vld [tilespmem:s16+$0xFFFFFE00]  }
0x1b6: {  	v11 =	vld [tilespmem:s16+$0xFFFFFE10]  }
0x1b7: {  	v12 =	vld [tilespmem:s16+$0xFFFFFE20]  }
0x1b8: {  	v13 =	vld [tilespmem:s16+$0xFFFFFE30]  }
0x1b9: {  	v14 =	vld [tilespmem:s16+$0xFFFFFE40];
	v9 =	vmul.f32 v9, v2  }
0x1ba: {  	v10 =	vmul.f32 v10, v7;
	v15 =	vld [tilespmem:s16+$0xFFFFFE50]  }
0x1bb: {  	v11 =	vmul.f32 v11, v7;
	v16 =	vld [tilespmem:s16+$0xFFFFFE60];
	[tilespmem:s16+$0x170] =	vst v9  }
0x1bc: {  	[tilespmem:s16+$0xFFFFFE00] =	vst v10;
	v9 =	vmul.f32 v12, v7;
	v10 =	vld [tilespmem:s16+$0xFFFFFE70]  }
0x1bd: {  	[tilespmem:s16+$0xFFFFFE10] =	vst v11;
	v11 =	vmul.f32 v13, v7;
	v12 =	vld [tilespmem:s16+$0xFFFFFE80]  }
0x1be: {  	[tilespmem:s16+$0xFFFFFE20] =	vst v9;
	v9 =	vmul.f32 v14, v7;
	v13 =	vld [tilespmem:s16+$0xFFFFFE90]  }
0x1bf: {  	[tilespmem:s16+$0xFFFFFE30] =	vst v11;
	v11 =	vmul.f32 v15, v7;
	v14 =	vld [tilespmem:s16+$0xFFFFFEA0]  }
0x1c0: {  	[tilespmem:s16+$0xFFFFFE40] =	vst v9;
	v9 =	vmul.f32 v16, v7;
	v15 =	vld [tilespmem:s16+$0xFFFFFEB0]  }
0x1c1: {  	[tilespmem:s16+$0xFFFFFE50] =	vst v11;
	v7 =	vmul.f32 v10, v7;
	v10 =	vld [tilespmem:s16+$0xFFFFFEC0]  }
0x1c2: {  	[tilespmem:s16+$0xFFFFFE60] =	vst v9;
	v9 =	vmul.f32 v12, v6;
	v11 =	vld [tilespmem:s16+$0xFFFFFED0]  }
0x1c3: {  	[tilespmem:s16+$0xFFFFFE70] =	vst v7;
	v7 =	vmul.f32 v13, v6;
	v12 =	vld [tilespmem:s16+$0xFFFFFEE0]  }
0x1c4: {  	[tilespmem:s16+$0xFFFFFE80] =	vst v9;
	v9 =	vmul.f32 v14, v6;
	v13 =	vld [tilespmem:s16+$0xFFFFFEF0]  }
0x1c5: {  	[tilespmem:s16+$0xFFFFFE90] =	vst v7;
	v7 =	vmul.f32 v15, v6;
	v14 =	vld [tilespmem:s16+$0xFFFFFF00]  }
0x1c6: {  	[tilespmem:s16+$0xFFFFFEA0] =	vst v9;
	v9 =	vmul.f32 v10, v6;
	v10 =	vld [tilespmem:s16+$0xFFFFFF10]  }
0x1c7: {  	[tilespmem:s16+$0xFFFFFEB0] =	vst v7;
	v7 =	vmul.f32 v11, v6;
	v11 =	vld [tilespmem:s16+$0xFFFFFF20]  }
0x1c8: {  	[tilespmem:s16+$0xFFFFFEC0] =	vst v9;
	v9 =	vmul.f32 v12, v6;
	v12 =	vld [tilespmem:s16+$0xFFFFFF30]  }
0x1c9: {  	[tilespmem:s16+$0xFFFFFED0] =	vst v7;
	v6 =	vmul.f32 v13, v6;
	v7 =	vld [tilespmem:s16+$0xFFFFFF40]  }
0x1ca: {  	[tilespmem:s16+$0xFFFFFEE0] =	vst v9;
	v9 =	vmul.f32 v14, v8;
	v13 =	vld [tilespmem:s16+$0xFFFFFF50]  }
0x1cb: {  	[tilespmem:s16+$0xFFFFFEF0] =	vst v6;
	v6 =	vmul.f32 v10, v8;
	v10 =	vld [tilespmem:s16+$0xFFFFFF60]  }
0x1cc: {  	[tilespmem:s16+$0xFFFFFF00] =	vst v9;
	v9 =	vmul.f32 v11, v8;
	v11 =	vld [tilespmem:s16+$0xFFFFFF70]  }
0x1cd: {  	[tilespmem:s16+$0xFFFFFF10] =	vst v6;
	v6 =	vmul.f32 v12, v8;
	v12 =	vld [tilespmem:s16+$0xFFFFFF80]  }
0x1ce: {  	[tilespmem:s16+$0xFFFFFF20] =	vst v9;
	v7 =	vmul.f32 v7, v8;
	v9 =	vld [tilespmem:s16+$0xFFFFFF90]  }
0x1cf: {  	[tilespmem:s16+$0xFFFFFF30] =	vst v6;
	v6 =	vmul.f32 v13, v8;
	v13 =	vld [tilespmem:s16+$0xFFFFFFA0]  }
0x1d0: {  	[tilespmem:s16+$0xFFFFFF40] =	vst v7;
	v7 =	vmul.f32 v10, v8;
	v10 =	vld [tilespmem:s16+$0xFFFFFFB0]  }
0x1d1: {  	[tilespmem:s16+$0xFFFFFF50] =	vst v6;
	v6 =	vmul.f32 v11, v8;
	v8 =	vld [tilespmem:s16+$0xFFFFFFC0]  }
0x1d2: {  	[tilespmem:s16+$0xFFFFFF60] =	vst v7;
	v7 =	vmul.f32 v12, v5;
	v11 =	vld [tilespmem:s16+$0xFFFFFFD0]  }
0x1d3: {  	[tilespmem:s16+$0xFFFFFF70] =	vst v6;
	v6 =	vmul.f32 v9, v5;
	v9 =	vld [tilespmem:s16+$0xFFFFFFE0]  }
0x1d4: {  	[tilespmem:s16+$0xFFFFFF80] =	vst v7;
	v7 =	vmul.f32 v13, v5;
	v12 =	vld [tilespmem:s16+$0xFFFFFFF0]  }
0x1d5: {  	[tilespmem:s16+$0xFFFFFF90] =	vst v6;
	v6 =	vmul.f32 v10, v5;
	v10 =	vld [tilespmem:s16+$0x0]  }
0x1d6: {  	[tilespmem:s16+$0xFFFFFFA0] =	vst v7;
	v7 =	vmul.f32 v8, v5;
	v8 =	vld [tilespmem:s16+$0x10]  }
0x1d7: {  	[tilespmem:s16+$0xFFFFFFB0] =	vst v6;
	v6 =	vmul.f32 v11, v5;
	v11 =	vld [tilespmem:s16+$0x20]  }
0x1d8: {  	[tilespmem:s16+$0xFFFFFFC0] =	vst v7;
	v7 =	vmul.f32 v9, v5;
	v9 =	vld [tilespmem:s16+$0x30]  }
0x1d9: {  	[tilespmem:s16+$0xFFFFFFD0] =	vst v6;
	v5 =	vmul.f32 v12, v5;
	v6 =	vld [tilespmem:s16+$0x40]  }
0x1da: {  	[tilespmem:s16+$0xFFFFFFE0] =	vst v7;
	v7 =	vmul.f32 v10, v4;
	v10 =	vld [tilespmem:s16+$0x50]  }
0x1db: {  	[tilespmem:s16+$0xFFFFFFF0] =	vst v5;
	v5 =	vmul.f32 v8, v4;
	v8 =	vld [tilespmem:s16+$0x60]  }
0x1dc: {  	[tilespmem:s16+$0x0] =	vst v7;
	v7 =	vmul.f32 v11, v4;
	v11 =	vld [tilespmem:s16+$0x70]  }
0x1dd: {  	[tilespmem:s16+$0x10] =	vst v5;
	v5 =	vmul.f32 v9, v4;
	v9 =	vld [tilespmem:s16+$0x80]  }
0x1de: {  	[tilespmem:s16+$0x20] =	vst v7;
	v6 =	vmul.f32 v6, v4;
	v7 =	vld [tilespmem:s16+$0x90]  }
0x1df: {  	[tilespmem:s16+$0x30] =	vst v5;
	v5 =	vmul.f32 v10, v4;
	v10 =	vld [tilespmem:s16+$0xA0]  }
0x1e0: {  	[tilespmem:s16+$0x40] =	vst v6;
	v6 =	vmul.f32 v8, v4;
	v8 =	vld [tilespmem:s16+$0xB0]  }
0x1e1: {  	[tilespmem:s16+$0x50] =	vst v5;
	v4 =	vmul.f32 v11, v4;
	v5 =	vld [tilespmem:s16+$0xC0]  }
0x1e2: {  	[tilespmem:s16+$0x60] =	vst v6;
	v6 =	vmul.f32 v9, v3;
	v9 =	vld [tilespmem:s16+$0xD0]  }
0x1e3: {  	[tilespmem:s16+$0x70] =	vst v4;
	v4 =	vmul.f32 v7, v3;
	v7 =	vld [tilespmem:s16+$0xE0]  }
0x1e4: {  	[tilespmem:s16+$0x80] =	vst v6;
	v6 =	vmul.f32 v10, v3;
	v10 =	vld [tilespmem:s16+$0xF0]  }
0x1e5: {  	[tilespmem:s16+$0x90] =	vst v4;
	v4 =	vmul.f32 v8, v3;
	v8 =	vld [tilespmem:s16+$0x100]  }
0x1e6: {  	[tilespmem:s16+$0xA0] =	vst v6;
	v5 =	vmul.f32 v5, v3;
	v6 =	vld [tilespmem:s16+$0x110]  }
0x1e7: {  	[tilespmem:s16+$0xB0] =	vst v4;
	v4 =	vmul.f32 v9, v3;
	v9 =	vld [tilespmem:s16+$0x120]  }
0x1e8: {  	[tilespmem:s16+$0xC0] =	vst v5;
	v5 =	vmul.f32 v7, v3;
	v7 =	vld [tilespmem:s16+$0x130]  }
0x1e9: {  	[tilespmem:s16+$0xD0] =	vst v4;
	v4 =	vmul.f32 v10, v3;
	v10 =	vld [tilespmem:s16+$0x140]  }
0x1ea: {  	s17 =	sadd.s32 $0x7, s20;
	v3 =	vmov s20;
	[tilespmem:s16+$0xE0] =	vst v5;
	v5 =	vmul.f32 v8, v2;
	v8 =	vld [tilespmem:s16+$0x150]  }
0x1eb: {  	s25 =	sadd.s32 $0x1, s20;
	s7 =	sadd.s32 $0x2, s20;
	v11 =	vand.u32 $0xFFFFFFF8, v3;
	v3 =	vmov s17;
	[tilespmem:s16+$0xF0] =	vst v4;
	v4 =	vmul.f32 v6, v2;
	v12 =	vld [tilespmem:s16+$0x160]  }
0x1ec: {  	v14 =	vmov s7;
	s7 =	sadd.s32 $0x3, s20;
	v13 =	vmov s25;
	s17 =	sadd.s32 $0x4, s20;
	[tilespmem:s16+$0x100] =	vst v5;
	v5 =	vmul.f32 v9, v2;
	v9 =	vld [tilespmem:s16+$0x180]  }
0x1ed: {  	v15 =	vmov s7;
	s7 =	sadd.s32 $0x5, s20;
	v16 =	vmov s17;
	[tilespmem:s16+$0x110] =	vst v4;
	v7 =	vmul.f32 v7, v2;
	v17 =	vld [tilespmem:s16+$0x190]  }
.Ltmp2:
0x1ee: {  	v4 =	vbroadcast v11, $0x0;
	v11 =	vmov s7;
	[tilespmem:s16+$0x120] =	vst v5;
	v10 =	vmul.f32 v10, v2;
	v6 =	vld [tilespmem:s16+$0x1A0];
	(pc) =	sbr.rel @p2 .LBB2_7-.Ltmp2, $4  }
0x1ef: {  	v5 =	vand.u32 $0xFFFFFFF9, v13;
	v13 =	vand.u32 $0xFFFFFFFA, v14;
	[tilespmem:s16+$0x130] =	vst v7;
	v14 =	vmul.f32 v8, v2;
	v7 =	vld [tilespmem:s16+$0x1B0]  }
0x1f0: {  	v18 =	vand.u32 $0xFFFFFFFB, v15;
	v5 =	vbroadcast v5, $0x0;
	[tilespmem:s16+$0x140] =	vst v10;
	v19 =	vmul.f32 v12, v2;
	v8 =	vld [tilespmem:s16+$0x1C0]  }
0x1f1: {  	v10 =	vbroadcast v13, $0x0;
	v2 =	vand.u32 $0xFFFFFFFC, v16;
	[tilespmem:s16+$0x150] =	vst v14;
	v15 =	vmul.f32 v9, v1;
	v9 =	vld [tilespmem:s16+$0x1D0]  }
0x1f2: {  	s17 =	sadd.s32 $0x6, s20;
	s20 =	sadd.s32 $0x8, s20;
	v12 =	vbroadcast v18, $0x0;
	v14 =	vand.u32 $0xFFFFFFFD, v11;
	[tilespmem:s16+$0x160] =	vst v19;
	v13 =	vmul.f32 v17, v1;
	v11 =	vld [tilespmem:s16+$0x1E0]  }
0x1f3: {  	_ =	sdelay $0x2  }
0x1f4: {  	v16 =	vld [tilespmem:s16+$0x1F0]  }
0x1f5: {  	v18 =	vld.idx.msk [tilespmem:v4+s15+$0x0], $0xffff  }
0x1f6: {  	[tilespmem:s16+$0x180] =	vst v15;
	v15 =	vbroadcast v2, $0x0;
	v2 =	vmov s17;
	v10 =	vld.idx.msk [tilespmem:v10+s15+$0x0], $0xffff  }
0x1f7: {  	v17 =	vand.u32 $0xFFFFFFFE, v2;
	v2 =	vld.idx.msk [tilespmem:v3+s15+$0x0], $0xffff  }
0x1f8: {  	s20 =	sadd.s32 $0x400, s16;
	v12 =	vld.idx.msk [tilespmem:v12+s15+$0x0], $0xffff  }
0x1f9: {  	v14 =	vbroadcast v14, $0x0;
	v6 =	vmul.f32 v6, v1;
	[tilespmem:s16+$0x190] =	vst v13;
	v13 =	vld [tilespmem:s20+$0x170]  }
0x1fa: {  	v7 =	vmul.f32 v7, v1;
	v3 =	vbroadcast v17, $0x0;
	v17 =	vld.idx.msk [tilespmem:v5+s15+$0x0], $0xffff  }
0x1fb: {  	[tilespmem:s16+$0x1A0] =	vst v6;
	v6 =	vmul.f32 v8, v1;
	v8 =	vld [tilespmem:s20+$0xFFFFFE00]  }
0x1fc: {  	[tilespmem:s16+$0x1B0] =	vst v7;
	v7 =	vmul.f32 v9, v1;
	v9 =	vld [tilespmem:s20+$0xFFFFFE10]  }
0x1fd: {  	[tilespmem:s16+$0x1C0] =	vst v6;
	v6 =	vmul.f32 v11, v1;
	v11 =	vld [tilespmem:s20+$0xFFFFFE20]  }
0x1fe: {  	[tilespmem:s16+$0x1D0] =	vst v7;
	v7 =	vld [tilespmem:s20+$0xFFFFFE30]  }
0x1ff: {  	v5 =	vld.idx.msk [tilespmem:v15+s15+$0x0], $0xffff  }
0x200: {  	v1 =	vmul.f32 v16, v1;
	v4 =	vld.idx.msk [tilespmem:v14+s15+$0x0], $0xffff  }
0x201: {  	[tilespmem:s16+$0x1E0] =	vst v6;
	v6 =	vld [tilespmem:s20+$0xFFFFFE40]  }
0x202: {  	[tilespmem:s16+$0x1F0] =	vst v1;
	v1 =	vmul.f32 v8, v18;
	v3 =	vld.idx.msk [tilespmem:v3+s15+$0x0], $0xffff  }
0x203: {  	v8 =	vld [tilespmem:s20+$0xFFFFFE50];
	v9 =	vmul.f32 v9, v18  }
0x204: {  	v14 =	vld [tilespmem:s20+$0xFFFFFE60];
	[tilespmem:s20+$0xFFFFFE00] =	vst v1;
	v1 =	vmul.f32 v11, v18  }
0x205: {  	v11 =	vld [tilespmem:s20+$0xFFFFFE70];
	[tilespmem:s20+$0xFFFFFE10] =	vst v9;
	v7 =	vmul.f32 v7, v18  }
0x206: {  	v9 =	vld [tilespmem:s20+$0xFFFFFE80];
	[tilespmem:s20+$0xFFFFFE20] =	vst v1;
	v1 =	vmul.f32 v6, v18  }
0x207: {  	v6 =	vld [tilespmem:s20+$0xFFFFFE90];
	[tilespmem:s20+$0xFFFFFE30] =	vst v7;
	v13 =	vmul.f32 v13, v3  }
0x208: {  	v7 =	vmul.f32 v8, v18;
	v8 =	vld [tilespmem:s20+$0xFFFFFEA0];
	[tilespmem:s20+$0xFFFFFE40] =	vst v1  }
0x209: {  	v1 =	vmul.f32 v14, v18;
	[tilespmem:s20+$0x170] =	vst v13;
	v13 =	vld [tilespmem:s20+$0xFFFFFEB0]  }
0x20a: {  	[tilespmem:s20+$0xFFFFFE50] =	vst v7;
	v7 =	vmul.f32 v11, v18;
	v11 =	vld [tilespmem:s20+$0xFFFFFEC0]  }
0x20b: {  	[tilespmem:s20+$0xFFFFFE60] =	vst v1;
	v1 =	vmul.f32 v9, v17;
	v9 =	vld [tilespmem:s20+$0xFFFFFED0]  }
0x20c: {  	[tilespmem:s20+$0xFFFFFE70] =	vst v7;
	v6 =	vmul.f32 v6, v17;
	v7 =	vld [tilespmem:s20+$0xFFFFFEE0]  }
0x20d: {  	[tilespmem:s20+$0xFFFFFE80] =	vst v1;
	v1 =	vmul.f32 v8, v17;
	v8 =	vld [tilespmem:s20+$0xFFFFFEF0]  }
0x20e: {  	[tilespmem:s20+$0xFFFFFE90] =	vst v6;
	v6 =	vmul.f32 v13, v17;
	v13 =	vld [tilespmem:s20+$0xFFFFFF00]  }
0x20f: {  	[tilespmem:s20+$0xFFFFFEA0] =	vst v1;
	v1 =	vmul.f32 v11, v17;
	v11 =	vld [tilespmem:s20+$0xFFFFFF10]  }
0x210: {  	[tilespmem:s20+$0xFFFFFEB0] =	vst v6;
	v6 =	vmul.f32 v9, v17;
	v9 =	vld [tilespmem:s20+$0xFFFFFF20]  }
0x211: {  	[tilespmem:s20+$0xFFFFFEC0] =	vst v1;
	v1 =	vmul.f32 v7, v17;
	v7 =	vld [tilespmem:s20+$0xFFFFFF30]  }
0x212: {  	[tilespmem:s20+$0xFFFFFED0] =	vst v6;
	v6 =	vmul.f32 v8, v17;
	v8 =	vld [tilespmem:s20+$0xFFFFFF40]  }
0x213: {  	[tilespmem:s20+$0xFFFFFEE0] =	vst v1;
	v1 =	vmul.f32 v13, v10;
	v13 =	vld [tilespmem:s20+$0xFFFFFF50]  }
0x214: {  	[tilespmem:s20+$0xFFFFFEF0] =	vst v6;
	v6 =	vmul.f32 v11, v10;
	v11 =	vld [tilespmem:s20+$0xFFFFFF60]  }
0x215: {  	[tilespmem:s20+$0xFFFFFF00] =	vst v1;
	v1 =	vmul.f32 v9, v10;
	v9 =	vld [tilespmem:s20+$0xFFFFFF70]  }
0x216: {  	[tilespmem:s20+$0xFFFFFF10] =	vst v6;
	v6 =	vmul.f32 v7, v10;
	v7 =	vld [tilespmem:s20+$0xFFFFFF80]  }
0x217: {  	[tilespmem:s20+$0xFFFFFF20] =	vst v1;
	v1 =	vmul.f32 v8, v10;
	v8 =	vld [tilespmem:s20+$0xFFFFFF90]  }
0x218: {  	[tilespmem:s20+$0xFFFFFF30] =	vst v6;
	v6 =	vmul.f32 v13, v10;
	v13 =	vld [tilespmem:s20+$0xFFFFFFA0]  }
0x219: {  	[tilespmem:s20+$0xFFFFFF40] =	vst v1;
	v1 =	vmul.f32 v11, v10;
	v11 =	vld [tilespmem:s20+$0xFFFFFFB0]  }
0x21a: {  	[tilespmem:s20+$0xFFFFFF50] =	vst v6;
	v6 =	vmul.f32 v9, v10;
	v9 =	vld [tilespmem:s20+$0xFFFFFFC0]  }
0x21b: {  	[tilespmem:s20+$0xFFFFFF60] =	vst v1;
	v1 =	vmul.f32 v7, v12;
	v7 =	vld [tilespmem:s20+$0xFFFFFFD0]  }
0x21c: {  	[tilespmem:s20+$0xFFFFFF70] =	vst v6;
	v6 =	vmul.f32 v8, v12;
	v8 =	vld [tilespmem:s20+$0xFFFFFFE0]  }
0x21d: {  	v10 =	vld [tilespmem:s20+$0xFFFFFFF0];
	[tilespmem:s20+$0xFFFFFF80] =	vst v1;
	v1 =	vmul.f32 v13, v12  }
0x21e: {  	[tilespmem:s20+$0xFFFFFF90] =	vst v6;
	v6 =	vmul.f32 v11, v12;
	v11 =	vld [tilespmem:s20+$0x0]  }
0x21f: {  	[tilespmem:s20+$0xFFFFFFA0] =	vst v1;
	v1 =	vmul.f32 v9, v12;
	v9 =	vld [tilespmem:s20+$0x10]  }
0x220: {  	[tilespmem:s20+$0xFFFFFFB0] =	vst v6;
	v6 =	vmul.f32 v7, v12;
	v7 =	vld [tilespmem:s20+$0x20]  }
0x221: {  	[tilespmem:s20+$0xFFFFFFC0] =	vst v1;
	v1 =	vmul.f32 v8, v12;
	v8 =	vld [tilespmem:s20+$0x30]  }
0x222: {  	[tilespmem:s20+$0xFFFFFFD0] =	vst v6;
	v6 =	vmul.f32 v10, v12;
	v10 =	vld [tilespmem:s20+$0x40]  }
0x223: {  	[tilespmem:s20+$0xFFFFFFE0] =	vst v1;
	v1 =	vmul.f32 v11, v5;
	v11 =	vld [tilespmem:s20+$0x50]  }
0x224: {  	[tilespmem:s20+$0xFFFFFFF0] =	vst v6;
	v6 =	vmul.f32 v9, v5;
	v9 =	vld [tilespmem:s20+$0x60]  }
0x225: {  	[tilespmem:s20+$0x0] =	vst v1;
	v1 =	vmul.f32 v7, v5;
	v7 =	vld [tilespmem:s20+$0x70]  }
0x226: {  	[tilespmem:s20+$0x10] =	vst v6;
	v6 =	vmul.f32 v8, v5;
	v8 =	vld [tilespmem:s20+$0x80]  }
0x227: {  	[tilespmem:s20+$0x20] =	vst v1;
	v1 =	vmul.f32 v10, v5;
	v10 =	vld [tilespmem:s20+$0x90]  }
0x228: {  	[tilespmem:s20+$0x30] =	vst v6;
	v6 =	vmul.f32 v11, v5;
	v11 =	vld [tilespmem:s20+$0xA0]  }
0x229: {  	[tilespmem:s20+$0x40] =	vst v1;
	v1 =	vmul.f32 v9, v5;
	v9 =	vld [tilespmem:s20+$0xB0]  }
0x22a: {  	[tilespmem:s20+$0x50] =	vst v6;
	v5 =	vmul.f32 v7, v5;
	v6 =	vld [tilespmem:s20+$0xC0]  }
0x22b: {  	v7 =	vld [tilespmem:s20+$0xD0];
	[tilespmem:s20+$0x60] =	vst v1;
	v1 =	vmul.f32 v8, v4  }
0x22c: {  	v8 =	vld [tilespmem:s20+$0xE0];
	[tilespmem:s20+$0x70] =	vst v5;
	v5 =	vmul.f32 v10, v4  }
0x22d: {  	v10 =	vld [tilespmem:s20+$0xF0];
	[tilespmem:s20+$0x80] =	vst v1;
	v1 =	vmul.f32 v11, v4  }
0x22e: {  	[tilespmem:s20+$0x90] =	vst v5;
	v5 =	vmul.f32 v9, v4;
	v9 =	vld [tilespmem:s20+$0x100]  }
0x22f: {  	[tilespmem:s20+$0xA0] =	vst v1;
	v1 =	vmul.f32 v6, v4;
	v6 =	vld [tilespmem:s20+$0x110]  }
0x230: {  	[tilespmem:s20+$0xB0] =	vst v5;
	v5 =	vmul.f32 v7, v4;
	v7 =	vld [tilespmem:s20+$0x120]  }
0x231: {  	[tilespmem:s20+$0xC0] =	vst v1;
	v1 =	vmul.f32 v8, v4;
	v8 =	vld [tilespmem:s20+$0x130]  }
0x232: {  	v4 =	vmul.f32 v10, v4;
	[tilespmem:s20+$0xD0] =	vst v5;
	v5 =	vld [tilespmem:s20+$0x140]  }
0x233: {  	[tilespmem:s20+$0xE0] =	vst v1;
	v1 =	vmul.f32 v9, v3;
	v9 =	vld [tilespmem:s20+$0x150]  }
0x234: {  	[tilespmem:s20+$0xF0] =	vst v4;
	v4 =	vmul.f32 v6, v3;
	v6 =	vld [tilespmem:s20+$0x160]  }
0x235: {  	[tilespmem:s20+$0x100] =	vst v1;
	v1 =	vmul.f32 v7, v3;
	v7 =	vld [tilespmem:s20+$0x180]  }
0x236: {  	[tilespmem:s20+$0x110] =	vst v4;
	v4 =	vmul.f32 v8, v3;
	v8 =	vld [tilespmem:s20+$0x190]  }
0x237: {  	[tilespmem:s20+$0x120] =	vst v1;
	v1 =	vmul.f32 v5, v3;
	v5 =	vld [tilespmem:s20+$0x1A0]  }
0x238: {  	[tilespmem:s20+$0x130] =	vst v4;
	v4 =	vmul.f32 v9, v3;
	v9 =	vld [tilespmem:s20+$0x1B0]  }
0x239: {  	[tilespmem:s20+$0x140] =	vst v1;
	v1 =	vmul.f32 v6, v3;
	v3 =	vld [tilespmem:s20+$0x1C0]  }
0x23a: {  	v6 =	vld [tilespmem:s20+$0x1D0];
	[tilespmem:s20+$0x150] =	vst v4;
	v4 =	vmul.f32 v7, v2  }
0x23b: {  	v7 =	vld [tilespmem:s20+$0x1E0];
	[tilespmem:s20+$0x160] =	vst v1;
	v1 =	vmul.f32 v8, v2  }
0x23c: {  	[tilespmem:s20+$0x180] =	vst v4;
	v4 =	vmul.f32 v5, v2;
	v5 =	vld [tilespmem:s20+$0x1F0]  }
0x23d: {  	[tilespmem:s20+$0x190] =	vst v1;
	v1 =	vmul.f32 v9, v2  }
0x23e: {  	[tilespmem:s20+$0x1A0] =	vst v4;
	v3 =	vmul.f32 v3, v2  }
0x23f: {  	[tilespmem:s20+$0x1B0] =	vst v1;
	v1 =	vmul.f32 v6, v2  }
0x240: {  	[tilespmem:s20+$0x1C0] =	vst v3;
	v3 =	vmul.f32 v7, v2  }
0x241: {  	[tilespmem:s20+$0x1D0] =	vst v1;
	v1 =	vmul.f32 v5, v2  }
0x242: {  	[tilespmem:s20+$0x1E0] =	vst v3  }
0x243: {  	s7 =	simm.s32 $0x1B500;
	[tilespmem:s20+$0x1F0] =	vst v1;
	s20 =	simm.s32 $0x1B200  }
0x244: {  	[spmem:s2] =	stream.indirect.scatter.add.f32 [tilespmem:s7], [sflag:$0x7], $0x80, s20, s4, $0xb8;
	[tilespmem:$0x1FD00] =	vst v63  }
0x245: {  	s7 =	simm.s32 @!p1 $0x1  }
0x246: {  	_ =	swait.ge @!p1 [sflag:s7], $0x30  }
0x247: {  	[sflag:s7] =	ssyncset.done @!p1 $0x0  }
0x248: {  	[sflag:s7] =	ssyncadd.s32 @!p1 $0xFFFFFFD0  }
0x249: {  	_ =	swait.ge @!p1 [sflag:s7], $0x30  }
0x24a: {  	[sflag:s7] =	ssyncset.done @!p1 $0x0  }
0x24b: {  	[sflag:s7] =	ssyncadd.s32 @!p1 $0xFFFFFFD0  }
0x24c: {  	v1 =	vld @!p1 [tilespmem:$0x1AF00]  }
0x24d: {  	v2 =	vld @!p1 [tilespmem:$0x1B080];
	_ =	sdelay $0x5  }
0x24e: {  	s7 =	simm.s32 @!p1 $0x13880  }
0x24f: {  	s16 =	simm.s32 @!p1 $0x16000;
	v1 =	vld.idx.msk @!p1 [tilespmem:v1+s7+$0x0], $0xffff  }
0x250: {  	v3 =	vld.idx.msk @!p1 [tilespmem:v2+s16+$0x0], $0xffff;
	_ =	sdelay $0x4  }
0x251: {  	v1 =	vadd.f32 @!p1 v3, v1;
	_ =	sdelay $0x1  }
0x252: {  	v3 =	vmul.f32 @!p1 $2.000000030e-01, v1  }
0x253: {  	vm0 =	vgt.f32 @!p1 v1, $0.0e+00  }
0x254: {  	v1 =	vsel @!p1 vm0, v1, v3  }
0x255: {  	v1 =	vmul.f32 @!p1 $1.442695020e+00, v1;
	_ =	sdelay $0x1  }
0x256: {  	(erf) = vpow2.f32 @!p1 v1;
	_ =	sdelay $0x5  }
0x257: {  	s17 =	smul.u32 @!p1 $0x30, s24;
	_ =	sdelay $0x1  }
0x258: {  	p2 =	slt.u32 @!p1 s17, $0x50910  }
0x259: {  	p2 =	por !p2, p1;
	v1 =	vpop @!p1 (erf)  }
0x25a: {  	v1 =	vpsel p2, $0x0, v1  }
0x25b: {  	s20 =	simm.s32 @!p1 $0x18780;
	[tilespmem:$0x1B380] =	vst @!p1 v1  }
0x25c: {  	[tilespmem:v2+s20+$0x0] =	vst.idx.add.f32.msk @!p1 $0xffff, v1  }
0x25d: {  	v1 =	vld @!p1 [tilespmem:$0x1AF10]  }
0x25e: {  	v2 =	vld @!p1 [tilespmem:$0x1B090];
	_ =	sdelay $0x6  }
0x25f: {  	v1 =	vld.idx.msk @!p1 [tilespmem:v1+s7+$0x0], $0xffff  }
0x260: {  	v3 =	vld.idx.msk @!p1 [tilespmem:v2+s16+$0x0], $0xffff;
	_ =	sdelay $0x4  }
0x261: {  	v1 =	vadd.f32 @!p1 v3, v1;
	_ =	sdelay $0x1  }
0x262: {  	v3 =	vmul.f32 @!p1 $2.000000030e-01, v1  }
0x263: {  	vm0 =	vgt.f32 @!p1 v1, $0.0e+00  }
0x264: {  	v1 =	vsel @!p1 vm0, v1, v3  }
0x265: {  	v1 =	vmul.f32 @!p1 $1.442695020e+00, v1;
	_ =	sdelay $0x1  }
0x266: {  	(erf) = vpow2.f32 @!p1 v1;
	_ =	sdelay $0x6  }
0x267: {  	s24 =	sadd.s32 @!p1 $0x10, s17  }
0x268: {  	p2 =	slt.u32 @!p1 s24, $0x50910  }
0x269: {  	p2 =	por !p2, p1;
	v1 =	vpop @!p1 (erf)  }
0x26a: {  	v1 =	vpsel p2, $0x0, v1  }
0x26b: {  	[tilespmem:$0x1B390] =	vst @!p1 v1  }
0x26c: {  	[tilespmem:v2+s20+$0x0] =	vst.idx.add.f32.msk @!p1 $0xffff, v1  }
0x26d: {  	v1 =	vld @!p1 [tilespmem:$0x1AF20]  }
0x26e: {  	v2 =	vld @!p1 [tilespmem:$0x1B0A0];
	_ =	sdelay $0x6  }
0x26f: {  	v1 =	vld.idx.msk @!p1 [tilespmem:v1+s7+$0x0], $0xffff  }
0x270: {  	v3 =	vld.idx.msk @!p1 [tilespmem:v2+s16+$0x0], $0xffff;
	_ =	sdelay $0x4  }
0x271: {  	v1 =	vadd.f32 @!p1 v3, v1;
	_ =	sdelay $0x1  }
0x272: {  	v3 =	vmul.f32 @!p1 $2.000000030e-01, v1  }
0x273: {  	vm0 =	vgt.f32 @!p1 v1, $0.0e+00  }
0x274: {  	v1 =	vsel @!p1 vm0, v1, v3  }
0x275: {  	v1 =	vmul.f32 @!p1 $1.442695020e+00, v1;
	_ =	sdelay $0x1  }
0x276: {  	(erf) = vpow2.f32 @!p1 v1;
	_ =	sdelay $0x6  }
0x277: {  	s7 =	sadd.s32 @!p1 $0x20, s17  }
0x278: {  	p2 =	slt.u32 @!p1 s7, $0x50910  }
0x279: {  	p2 =	por !p2, p1;
	v1 =	vpop @!p1 (erf)  }
0x27a: {  	v1 =	vpsel p2, $0x0, v1  }
0x27b: {  	[tilespmem:$0x1B3A0] =	vst @!p1 v1  }
0x27c: {  	[tilespmem:v2+s20+$0x0] =	vst.idx.add.f32.msk @!p1 $0xffff, v1  }
0x27d: {  	_ =	swait.ge [sflag:s18], $0x1800  }
0x27e: {  	[sflag:s18] =	ssyncset.done $0x0  }
0x27f: {  	[sflag:s18] =	ssyncadd.s32 $0xFFFFE800  }
0x280: {  	v1 =	vld [tilespmem:$0x1B100]  }
0x281: {  	v2 =	vld [tilespmem:$0x1B110]  }
0x282: {  	v3 =	vld [tilespmem:$0x1B120]  }
0x283: {  	s24 =	sadd.s32 $0x4, s3  }
0x284: {  	s7 =	sadd.s32 @!p1 s28, s24  }
0x285: {  	s7 =	smul.u32 @!p1 $0x6, s7;
	[tilespmem:$0x1B280] =	vst v1  }
0x286: {  	s25 =	simm.s32 $0x0;
	[tilespmem:$0x1B290] =	vst v2  }
0x287: {  	s17 =	simm.s32 @!p1 $0x0;
	s16 =	sadd.s32 @!p1 s13, s7;
	s20 =	simm.s32 @!p1 $0x1AF80;
	[tilespmem:$0x1B2A0] =	vst v3  }
0x288: {  	v1 =	vmov s25;
	[tilespmem:s20], [sflag:$0x2] =	stream.linear.gather @!p1 [hbm4b:s16+s17], $0x30, $0x38;
	[tilespmem:$0x1FD00] =	vst v63  }
0x289: {  	s7 =	sadd.s32 @!p1 s14, s7;
	s20 =	simm.s32 @!p1 $0x1B100;
	v1 =	vand.u32 $0xFFFFFFF8, v1  }
0x28a: {  	v1 =	vbroadcast v1, $0x0;
	[tilespmem:s20], [sflag:$0x2] =	stream.linear.gather @!p1 [hbm4b:s7+s17], $0x30, $0x38;
	[tilespmem:$0x1FD00] =	vst v63  }
0x28b: {  	s7 =	simm.s32 @!p1 $0x7  }
0x28c: {  	_ =	swait.ge @!p1 [sflag:s7], $0x1800  }
0x28d: {  	s16 =	simm.s32 @!p1 $0x1AF00;
	[sflag:s7] =	ssyncset.done @!p1 $0x0  }
0x28e: {  	s17 =	simm.s32 @!p1 $0x1B500;
	[sflag:s7] =	ssyncadd.s32 @!p1 $0xFFFFE800;
	s7 =	simm.s32 @!p1 $0x30  }
0x28f: {  	[tilespmem:s17], [sflag:$0x4] =	stream.indirect.gather @!p1 [hbm4b:s1+s7], $0x80, s16, s7, $0xb8;
	[tilespmem:$0x1FD00] =	vst v63  }
0x290: {  	s16 =	simm.s32 $0x1CF00;
	v1 =	vld.idx.msk [tilespmem:v1+s19+$0x0], $0xffff  }
0x291: {  	s25 =	simm.s32 $0x6;
	v4 =	vld [tilespmem:s16+$0x170]  }
0x292: {  	v2 =	vmov s25;
	s25 =	simm.s32 $0x1;
	v5 =	vld [tilespmem:s16+$0xFFFFFE00]  }
0x293: {  	v2 =	vand.u32 $0xFFFFFFFE, v2;
	v3 =	vmov s25;
	v6 =	vld [tilespmem:s16+$0xFFFFFE10]  }
0x294: {  	v2 =	vbroadcast v2, $0x0;
	v3 =	vand.u32 $0xFFFFFFF9, v3;
	v7 =	vld [tilespmem:s16+$0xFFFFFE20]  }
0x295: {  	v3 =	vbroadcast v3, $0x0;
	v8 =	vld [tilespmem:s16+$0xFFFFFE30]  }
0x296: {  	v9 =	vld [tilespmem:s16+$0xFFFFFE40]  }
0x297: {  	v10 =	vld [tilespmem:s16+$0xFFFFFE50]  }
0x298: {  	v11 =	vld [tilespmem:s16+$0xFFFFFE60]  }
0x299: {  	v13 =	vld [tilespmem:s16+$0xFFFFFE80]  }
0x29a: {  	v2 =	vld.idx.msk [tilespmem:v2+s19+$0x0], $0xffff  }
0x29b: {  	v3 =	vld.idx.msk [tilespmem:v3+s19+$0x0], $0xffff  }
0x29c: {  	v12 =	vld [tilespmem:s16+$0xFFFFFE70];
	v5 =	vmul.f32 v5, v1  }
0x29d: {  	v14 =	vld [tilespmem:s16+$0xFFFFFE90];
	v6 =	vmul.f32 v6, v1  }
0x29e: {  	v15 =	vld [tilespmem:s16+$0xFFFFFEA0];
	v8 =	vmul.f32 v8, v1;
	[tilespmem:s16+$0xFFFFFE00] =	vst v5  }
0x29f: {  	s17 =	simm.s32 $0x2;
	v16 =	vld [tilespmem:s16+$0xFFFFFEB0];
	v9 =	vmul.f32 v9, v1;
	[tilespmem:s16+$0xFFFFFE10] =	vst v6  }
0x2a0: {  	v4 =	vmul.f32 v4, v2;
	v5 =	vmov s17;
	v6 =	vmul.f32 v13, v3;
	v13 =	vld [tilespmem:s16+$0xFFFFFED0];
	[tilespmem:s16+$0xFFFFFE30] =	vst v8  }
0x2a1: {  	v8 =	vmul.f32 v10, v1;
	v10 =	vld [tilespmem:s16+$0xFFFFFEF0];
	[tilespmem:s16+$0xFFFFFE40] =	vst v9;
	v5 =	vand.u32 $0xFFFFFFFA, v5  }
0x2a2: {  	v9 =	vmul.f32 v11, v1;
	v11 =	vld [tilespmem:s16+$0xFFFFFF00];
	[tilespmem:s16+$0x170] =	vst v4;
	v5 =	vbroadcast v5, $0x0  }
0x2a3: {  	v4 =	vmul.f32 v7, v1;
	v7 =	vld [tilespmem:s16+$0xFFFFFEC0];
	[tilespmem:s16+$0xFFFFFE80] =	vst v6  }
0x2a4: {  	v1 =	vmul.f32 v12, v1;
	v12 =	vld [tilespmem:s16+$0xFFFFFF20];
	[tilespmem:s16+$0xFFFFFE50] =	vst v8  }
0x2a5: {  	s20 =	simm.s32 $0x3;
	v8 =	vld [tilespmem:s16+$0xFFFFFF10];
	[tilespmem:s16+$0xFFFFFE60] =	vst v9  }
0x2a6: {  	v6 =	vmov s20;
	v9 =	vmul.f32 v14, v3;
	[tilespmem:s16+$0xFFFFFE20] =	vst v4;
	v4 =	vld [tilespmem:s16+$0xFFFFFEE0]  }
0x2a7: {  	v14 =	vld [tilespmem:s16+$0xFFFFFF30];
	v6 =	vand.u32 $0xFFFFFFFB, v6;
	[tilespmem:s16+$0xFFFFFE70] =	vst v1;
	v1 =	vmul.f32 v15, v3  }
0x2a8: {  	v6 =	vbroadcast v6, $0x0;
	[tilespmem:s16+$0xFFFFFE90] =	vst v9;
	v9 =	vmul.f32 v16, v3;
	v5 =	vld.idx.msk [tilespmem:v5+s19+$0x0], $0xffff  }
0x2a9: {  	v15 =	vld [tilespmem:s16+$0xFFFFFF40];
	[tilespmem:s16+$0xFFFFFEA0] =	vst v1;
	v13 =	vmul.f32 v13, v3  }
0x2aa: {  	v7 =	vmul.f32 v7, v3;
	[tilespmem:s16+$0xFFFFFEB0] =	vst v9;
	v9 =	vld [tilespmem:s16+$0xFFFFFF60]  }
0x2ab: {  	[tilespmem:s16+$0xFFFFFED0] =	vst v13;
	v13 =	vld [tilespmem:s16+$0xFFFFFFB0];
	v4 =	vmul.f32 v4, v3  }
0x2ac: {  	[tilespmem:s16+$0xFFFFFEC0] =	vst v7;
	v7 =	vld [tilespmem:s16+$0xFFFFFF70];
	v3 =	vmul.f32 v10, v3  }
0x2ad: {  	v10 =	vld [tilespmem:s16+$0xFFFFFF80];
	[tilespmem:s16+$0xFFFFFEE0] =	vst v4;
	v1 =	vmul.f32 v11, v5  }
0x2ae: {  	v6 =	vld.idx.msk [tilespmem:v6+s19+$0x0], $0xffff;
	[tilespmem:s16+$0xFFFFFEF0] =	vst v3;
	v4 =	vmul.f32 v8, v5  }
0x2af: {  	s25 =	simm.s32 $0x4;
	v11 =	vld [tilespmem:s16+$0xFFFFFF50];
	v3 =	vmul.f32 v12, v5;
	[tilespmem:s16+$0xFFFFFF00] =	vst v1  }
0x2b0: {  	v8 =	vld [tilespmem:s16+$0xFFFFFF90];
	v9 =	vmul.f32 v9, v5;
	v1 =	vmov s25;
	[tilespmem:s16+$0xFFFFFF10] =	vst v4  }
0x2b1: {  	v12 =	vld [tilespmem:s16+$0xFFFFFFA0];
	v4 =	vmul.f32 v14, v5;
	[tilespmem:s16+$0xFFFFFF20] =	vst v3;
	v1 =	vand.u32 $0xFFFFFFFC, v1  }
0x2b2: {  	v3 =	vmul.f32 v15, v5;
	v14 =	vld [tilespmem:s16+$0xFFFFFFC0];
	[tilespmem:s16+$0xFFFFFF60] =	vst v9;
	v1 =	vbroadcast v1, $0x0  }
0x2b3: {  	v9 =	vld [tilespmem:s16+$0x0];
	[tilespmem:s16+$0xFFFFFF30] =	vst v4;
	v4 =	vmul.f32 v10, v6  }
0x2b4: {  	s17 =	simm.s32 $0x5;
	v10 =	vld [tilespmem:s16+$0xFFFFFFD0];
	[tilespmem:s16+$0xFFFFFF40] =	vst v3;
	v11 =	vmul.f32 v11, v5  }
0x2b5: {  	v3 =	vld [tilespmem:s16+$0xFFFFFFE0];
	v5 =	vmul.f32 v7, v5;
	[tilespmem:s16+$0xFFFFFF80] =	vst v4;
	v4 =	vmov s17  }
0x2b6: {  	v7 =	vld [tilespmem:s16+$0xFFFFFFF0];
	v8 =	vmul.f32 v8, v6;
	[tilespmem:s16+$0xFFFFFF50] =	vst v11;
	v4 =	vand.u32 $0xFFFFFFFD, v4  }
0x2b7: {  	[tilespmem:s16+$0xFFFFFF70] =	vst v5;
	v5 =	vmul.f32 v12, v6;
	v11 =	vld [tilespmem:s16+$0x10];
	v4 =	vbroadcast v4, $0x0  }
0x2b8: {  	[tilespmem:s16+$0xFFFFFF90] =	vst v8;
	v8 =	vmul.f32 v13, v6;
	v1 =	vld.idx.msk [tilespmem:v1+s19+$0x0], $0xffff  }
0x2b9: {  	v12 =	vld [tilespmem:s16+$0x20];
	[tilespmem:s16+$0xFFFFFFA0] =	vst v5;
	v5 =	vmul.f32 v14, v6  }
0x2ba: {  	v13 =	vld [tilespmem:s16+$0x30];
	[tilespmem:s16+$0xFFFFFFB0] =	vst v8;
	v8 =	vmul.f32 v10, v6  }
0x2bb: {  	v10 =	vld [tilespmem:s16+$0x40];
	v3 =	vmul.f32 v3, v6;
	[tilespmem:s16+$0xFFFFFFC0] =	vst v5  }
0x2bc: {  	v6 =	vmul.f32 v7, v6;
	[tilespmem:s16+$0xFFFFFFD0] =	vst v8;
	v8 =	vld [tilespmem:s16+$0x60]  }
0x2bd: {  	[tilespmem:s16+$0xFFFFFFE0] =	vst v3;
	v4 =	vld.idx.msk [tilespmem:v4+s19+$0x0], $0xffff;
	v5 =	vmul.f32 v9, v1  }
0x2be: {  	[tilespmem:s16+$0xFFFFFFF0] =	vst v6;
	v9 =	vld [tilespmem:s16+$0x50];
	v6 =	vmul.f32 v12, v1  }
0x2bf: {  	v3 =	vmul.f32 v11, v1;
	v11 =	vld [tilespmem:s16+$0x90];
	[tilespmem:s16+$0x0] =	vst v5  }
0x2c0: {  	v7 =	vld [tilespmem:s16+$0x80];
	[tilespmem:s16+$0x20] =	vst v6;
	v6 =	vmul.f32 v10, v1  }
0x2c1: {  	v5 =	vld [tilespmem:s16+$0x70];
	[tilespmem:s16+$0x10] =	vst v3;
	v3 =	vmul.f32 v13, v1  }
0x2c2: {  	v10 =	vld [tilespmem:s16+$0xA0];
	[tilespmem:s16+$0x40] =	vst v6;
	v6 =	vmul.f32 v8, v1  }
0x2c3: {  	[tilespmem:s16+$0x30] =	vst v3;
	v8 =	vld [tilespmem:s16+$0xC0];
	v3 =	vmul.f32 v9, v1  }
0x2c4: {  	v9 =	vld [tilespmem:s16+$0xB0];
	v11 =	vmul.f32 v11, v4;
	[tilespmem:s16+$0x60] =	vst v6  }
0x2c5: {  	s20 =	simm.s32 $0x7;
	v6 =	vld [tilespmem:s16+$0xE0];
	[tilespmem:s16+$0x50] =	vst v3;
	v3 =	vmul.f32 v7, v4  }
0x2c6: {  	v12 =	vmov s20;
	v7 =	vld [tilespmem:s16+$0xD0];
	v5 =	vmul.f32 v5, v1;
	[tilespmem:s16+$0x90] =	vst v11  }
0x2c7: {  	v11 =	vld [tilespmem:s16+$0x150];
	[tilespmem:s16+$0x80] =	vst v3  }
0x2c8: {  	[tilespmem:s16+$0x70] =	vst v5;
	v3 =	vmul.f32 v10, v4;
	v5 =	vld [tilespmem:s16+$0xF0]  }
0x2c9: {  	v10 =	vld [tilespmem:s16+$0x100];
	v9 =	vmul.f32 v9, v4  }
0x2ca: {  	[tilespmem:s16+$0xA0] =	vst v3;
	v3 =	vmul.f32 v8, v4;
	v8 =	vld [tilespmem:s16+$0x110]  }
0x2cb: {  	v1 =	vld.idx.msk [tilespmem:v12+s19+$0x0], $0xffff;
	[tilespmem:s16+$0xB0] =	vst v9;
	v7 =	vmul.f32 v7, v4  }
0x2cc: {  	v9 =	vld [tilespmem:s16+$0x120];
	v11 =	vmul.f32 v11, v2;
	[tilespmem:s16+$0xC0] =	vst v3  }
0x2cd: {  	s20 =	simm.s32 $0x9;
	v3 =	vmul.f32 v6, v4;
	v6 =	vld [tilespmem:s16+$0x130];
	[tilespmem:s16+$0xD0] =	vst v7;
	v4 =	vmul.f32 v5, v4  }
0x2ce: {  	s25 =	simm.s32 $0x8;
	v12 =	vmov s20;
	v5 =	vld [tilespmem:s16+$0x140];
	[tilespmem:s16+$0x150] =	vst v11  }
0x2cf: {  	s17 =	simm.s32 $0xF;
	s20 =	simm.s32 $0xC;
	v7 =	vmov s25;
	v10 =	vmul.f32 v10, v2;
	[tilespmem:s16+$0xF0] =	vst v4;
	v4 =	vmul.f32 v8, v2;
	v8 =	vld [tilespmem:s16+$0x160]  }
0x2d0: {  	v14 =	vld [tilespmem:s16+$0x180];
	v15 =	vmov s20;
	s25 =	simm.s32 $0xA;
	[tilespmem:s16+$0xE0] =	vst v3;
	v7 =	vand.u32 $0xFFFFFFF8, v7;
	v3 =	vmov s17;
	s17 =	simm.s32 $0xB  }
0x2d1: {  	v17 =	vld [tilespmem:s16+$0x190];
	v13 =	vmov s25;
	s25 =	simm.s32 $0xD;
	[tilespmem:s16+$0x100] =	vst v10;
	v10 =	vmov s17;
	v9 =	vmul.f32 v9, v2  }
0x2d2: {  	v63 =	vmov s25;
	[tilespmem:s16+$0x110] =	vst v4;
	v16 =	vmul.f32 v6, v2;
	v4 =	vbroadcast v7, $0x0;
	v6 =	vld [tilespmem:s16+$0x1A0]  }
0x2d3: {  	v7 =	vld [tilespmem:s16+$0x1B0];
	[tilespmem:s16+$0x120] =	vst v9;
	v9 =	vmul.f32 v5, v2;
	v5 =	vand.u32 $0xFFFFFFF9, v12;
	v12 =	vand.u32 $0xFFFFFFFA, v13  }
0x2d4: {  	v13 =	vand.u32 $0xFFFFFFFB, v10;
	[tilespmem:s16+$0x130] =	vst v16;
	v5 =	vbroadcast v5, $0x0;
	v16 =	vmul.f32 v8, v2;
	v8 =	vld [tilespmem:s16+$0x1C0]  }
0x2d5: {  	v10 =	vbroadcast v12, $0x0;
	[tilespmem:s16+$0x140] =	vst v9;
	v2 =	vand.u32 $0xFFFFFFFC, v15;
	v15 =	vmul.f32 v14, v1;
	v9 =	vld [tilespmem:s16+$0x1D0]  }
0x2d6: {  	s20 =	simm.s32 $0x10;
	v11 =	vld [tilespmem:s16+$0x1E0];
	s17 =	simm.s32 $0xE;
	v12 =	vbroadcast v13, $0x0;
	v13 =	vmul.f32 v17, v1;
	v14 =	vand.u32 $0xFFFFFFFD, v63;
	[tilespmem:s16+$0x160] =	vst v16  }
.LBB2_9:
0x2d7: {  	p2 =	slt.u32 s20, $0x28;
	v2 =	vbroadcast v2, $0x0;
	v16 =	vmov s17;
	[tilespmem:s16+$0x180] =	vst v15;
	v6 =	vmul.f32 v6, v1;
	v15 =	vld [tilespmem:s16+$0x1F0]  }
0x2d8: {  	v14 =	vbroadcast v14, $0x0;
	v16 =	vand.u32 $0xFFFFFFFE, v16;
	v17 =	vld.idx.msk [tilespmem:v3+s19+$0x0], $0xffff;
	[tilespmem:s16+$0x190] =	vst v13;
	v3 =	vmul.f32 v7, v1  }
0x2d9: {  	v7 =	vld.idx.msk [tilespmem:v4+s19+$0x0], $0xffff;
	v13 =	vbroadcast v16, $0x0;
	[tilespmem:s16+$0x1A0] =	vst v6;
	v4 =	vmul.f32 v8, v1  }
0x2da: {  	v6 =	vld.idx.msk [tilespmem:v5+s19+$0x0], $0xffff;
	[tilespmem:s16+$0x1B0] =	vst v3;
	v3 =	vmul.f32 v9, v1  }
0x2db: {  	v8 =	vld.idx.msk [tilespmem:v10+s19+$0x0], $0xffff;
	[tilespmem:s16+$0x1C0] =	vst v4;
	v9 =	vmul.f32 v11, v1  }
0x2dc: {  	v5 =	vld.idx.msk [tilespmem:v12+s19+$0x0], $0xffff;
	[tilespmem:s16+$0x1D0] =	vst v3;
	v10 =	vmul.f32 v15, v1  }
0x2dd: {  	v4 =	vld.idx.msk [tilespmem:v2+s19+$0x0], $0xffff;
	[tilespmem:s16+$0x1E0] =	vst v9  }
0x2de: {  	v1 =	vmov v17;
	v3 =	vld.idx.msk [tilespmem:v14+s19+$0x0], $0xffff;
	[tilespmem:s16+$0x1F0] =	vst v10  }
0x2df: {  	s16 =	sadd.s32 $0x400, s16;
	v2 =	vld.idx.msk [tilespmem:v13+s19+$0x0], $0xffff  }
0x2e0: {  	v9 =	vld [tilespmem:s16+$0x170]  }
0x2e1: {  	v10 =	vld [tilespmem:s16+$0xFFFFFE00]  }
0x2e2: {  	v11 =	vld [tilespmem:s16+$0xFFFFFE10]  }
0x2e3: {  	v12 =	vld [tilespmem:s16+$0xFFFFFE20]  }
0x2e4: {  	v13 =	vld [tilespmem:s16+$0xFFFFFE30]  }
0x2e5: {  	v14 =	vld [tilespmem:s16+$0xFFFFFE40];
	v9 =	vmul.f32 v9, v2  }
0x2e6: {  	v10 =	vmul.f32 v10, v7;
	v15 =	vld [tilespmem:s16+$0xFFFFFE50]  }
0x2e7: {  	v11 =	vmul.f32 v11, v7;
	v16 =	vld [tilespmem:s16+$0xFFFFFE60];
	[tilespmem:s16+$0x170] =	vst v9  }
0x2e8: {  	[tilespmem:s16+$0xFFFFFE00] =	vst v10;
	v9 =	vmul.f32 v12, v7;
	v10 =	vld [tilespmem:s16+$0xFFFFFE70]  }
0x2e9: {  	[tilespmem:s16+$0xFFFFFE10] =	vst v11;
	v11 =	vmul.f32 v13, v7;
	v12 =	vld [tilespmem:s16+$0xFFFFFE80]  }
0x2ea: {  	[tilespmem:s16+$0xFFFFFE20] =	vst v9;
	v9 =	vmul.f32 v14, v7;
	v13 =	vld [tilespmem:s16+$0xFFFFFE90]  }
0x2eb: {  	[tilespmem:s16+$0xFFFFFE30] =	vst v11;
	v11 =	vmul.f32 v15, v7;
	v14 =	vld [tilespmem:s16+$0xFFFFFEA0]  }
0x2ec: {  	[tilespmem:s16+$0xFFFFFE40] =	vst v9;
	v9 =	vmul.f32 v16, v7;
	v15 =	vld [tilespmem:s16+$0xFFFFFEB0]  }
0x2ed: {  	[tilespmem:s16+$0xFFFFFE50] =	vst v11;
	v7 =	vmul.f32 v10, v7;
	v10 =	vld [tilespmem:s16+$0xFFFFFEC0]  }
0x2ee: {  	[tilespmem:s16+$0xFFFFFE60] =	vst v9;
	v9 =	vmul.f32 v12, v6;
	v11 =	vld [tilespmem:s16+$0xFFFFFED0]  }
0x2ef: {  	[tilespmem:s16+$0xFFFFFE70] =	vst v7;
	v7 =	vmul.f32 v13, v6;
	v12 =	vld [tilespmem:s16+$0xFFFFFEE0]  }
0x2f0: {  	[tilespmem:s16+$0xFFFFFE80] =	vst v9;
	v9 =	vmul.f32 v14, v6;
	v13 =	vld [tilespmem:s16+$0xFFFFFEF0]  }
0x2f1: {  	[tilespmem:s16+$0xFFFFFE90] =	vst v7;
	v7 =	vmul.f32 v15, v6;
	v14 =	vld [tilespmem:s16+$0xFFFFFF00]  }
0x2f2: {  	[tilespmem:s16+$0xFFFFFEA0] =	vst v9;
	v9 =	vmul.f32 v10, v6;
	v10 =	vld [tilespmem:s16+$0xFFFFFF10]  }
0x2f3: {  	[tilespmem:s16+$0xFFFFFEB0] =	vst v7;
	v7 =	vmul.f32 v11, v6;
	v11 =	vld [tilespmem:s16+$0xFFFFFF20]  }
0x2f4: {  	[tilespmem:s16+$0xFFFFFEC0] =	vst v9;
	v9 =	vmul.f32 v12, v6;
	v12 =	vld [tilespmem:s16+$0xFFFFFF30]  }
0x2f5: {  	[tilespmem:s16+$0xFFFFFED0] =	vst v7;
	v6 =	vmul.f32 v13, v6;
	v7 =	vld [tilespmem:s16+$0xFFFFFF40]  }
0x2f6: {  	[tilespmem:s16+$0xFFFFFEE0] =	vst v9;
	v9 =	vmul.f32 v14, v8;
	v13 =	vld [tilespmem:s16+$0xFFFFFF50]  }
0x2f7: {  	[tilespmem:s16+$0xFFFFFEF0] =	vst v6;
	v6 =	vmul.f32 v10, v8;
	v10 =	vld [tilespmem:s16+$0xFFFFFF60]  }
0x2f8: {  	[tilespmem:s16+$0xFFFFFF00] =	vst v9;
	v9 =	vmul.f32 v11, v8;
	v11 =	vld [tilespmem:s16+$0xFFFFFF70]  }
0x2f9: {  	[tilespmem:s16+$0xFFFFFF10] =	vst v6;
	v6 =	vmul.f32 v12, v8;
	v12 =	vld [tilespmem:s16+$0xFFFFFF80]  }
0x2fa: {  	[tilespmem:s16+$0xFFFFFF20] =	vst v9;
	v7 =	vmul.f32 v7, v8;
	v9 =	vld [tilespmem:s16+$0xFFFFFF90]  }
0x2fb: {  	[tilespmem:s16+$0xFFFFFF30] =	vst v6;
	v6 =	vmul.f32 v13, v8;
	v13 =	vld [tilespmem:s16+$0xFFFFFFA0]  }
0x2fc: {  	[tilespmem:s16+$0xFFFFFF40] =	vst v7;
	v7 =	vmul.f32 v10, v8;
	v10 =	vld [tilespmem:s16+$0xFFFFFFB0]  }
0x2fd: {  	[tilespmem:s16+$0xFFFFFF50] =	vst v6;
	v6 =	vmul.f32 v11, v8;
	v8 =	vld [tilespmem:s16+$0xFFFFFFC0]  }
0x2fe: {  	[tilespmem:s16+$0xFFFFFF60] =	vst v7;
	v7 =	vmul.f32 v12, v5;
	v11 =	vld [tilespmem:s16+$0xFFFFFFD0]  }
0x2ff: {  	[tilespmem:s16+$0xFFFFFF70] =	vst v6;
	v6 =	vmul.f32 v9, v5;
	v9 =	vld [tilespmem:s16+$0xFFFFFFE0]  }
0x300: {  	[tilespmem:s16+$0xFFFFFF80] =	vst v7;
	v7 =	vmul.f32 v13, v5;
	v12 =	vld [tilespmem:s16+$0xFFFFFFF0]  }
0x301: {  	[tilespmem:s16+$0xFFFFFF90] =	vst v6;
	v6 =	vmul.f32 v10, v5;
	v10 =	vld [tilespmem:s16+$0x0]  }
0x302: {  	[tilespmem:s16+$0xFFFFFFA0] =	vst v7;
	v7 =	vmul.f32 v8, v5;
	v8 =	vld [tilespmem:s16+$0x10]  }
0x303: {  	[tilespmem:s16+$0xFFFFFFB0] =	vst v6;
	v6 =	vmul.f32 v11, v5;
	v11 =	vld [tilespmem:s16+$0x20]  }
0x304: {  	[tilespmem:s16+$0xFFFFFFC0] =	vst v7;
	v7 =	vmul.f32 v9, v5;
	v9 =	vld [tilespmem:s16+$0x30]  }
0x305: {  	[tilespmem:s16+$0xFFFFFFD0] =	vst v6;
	v5 =	vmul.f32 v12, v5;
	v6 =	vld [tilespmem:s16+$0x40]  }
0x306: {  	[tilespmem:s16+$0xFFFFFFE0] =	vst v7;
	v7 =	vmul.f32 v10, v4;
	v10 =	vld [tilespmem:s16+$0x50]  }
0x307: {  	[tilespmem:s16+$0xFFFFFFF0] =	vst v5;
	v5 =	vmul.f32 v8, v4;
	v8 =	vld [tilespmem:s16+$0x60]  }
0x308: {  	[tilespmem:s16+$0x0] =	vst v7;
	v7 =	vmul.f32 v11, v4;
	v11 =	vld [tilespmem:s16+$0x70]  }
0x309: {  	[tilespmem:s16+$0x10] =	vst v5;
	v5 =	vmul.f32 v9, v4;
	v9 =	vld [tilespmem:s16+$0x80]  }
0x30a: {  	[tilespmem:s16+$0x20] =	vst v7;
	v6 =	vmul.f32 v6, v4;
	v7 =	vld [tilespmem:s16+$0x90]  }
0x30b: {  	[tilespmem:s16+$0x30] =	vst v5;
	v5 =	vmul.f32 v10, v4;
	v10 =	vld [tilespmem:s16+$0xA0]  }
0x30c: {  	[tilespmem:s16+$0x40] =	vst v6;
	v6 =	vmul.f32 v8, v4;
	v8 =	vld [tilespmem:s16+$0xB0]  }
0x30d: {  	[tilespmem:s16+$0x50] =	vst v5;
	v4 =	vmul.f32 v11, v4;
	v5 =	vld [tilespmem:s16+$0xC0]  }
0x30e: {  	[tilespmem:s16+$0x60] =	vst v6;
	v6 =	vmul.f32 v9, v3;
	v9 =	vld [tilespmem:s16+$0xD0]  }
0x30f: {  	[tilespmem:s16+$0x70] =	vst v4;
	v4 =	vmul.f32 v7, v3;
	v7 =	vld [tilespmem:s16+$0xE0]  }
0x310: {  	[tilespmem:s16+$0x80] =	vst v6;
	v6 =	vmul.f32 v10, v3;
	v10 =	vld [tilespmem:s16+$0xF0]  }
0x311: {  	[tilespmem:s16+$0x90] =	vst v4;
	v4 =	vmul.f32 v8, v3;
	v8 =	vld [tilespmem:s16+$0x100]  }
0x312: {  	[tilespmem:s16+$0xA0] =	vst v6;
	v5 =	vmul.f32 v5, v3;
	v6 =	vld [tilespmem:s16+$0x110]  }
0x313: {  	[tilespmem:s16+$0xB0] =	vst v4;
	v4 =	vmul.f32 v9, v3;
	v9 =	vld [tilespmem:s16+$0x120]  }
0x314: {  	[tilespmem:s16+$0xC0] =	vst v5;
	v5 =	vmul.f32 v7, v3;
	v7 =	vld [tilespmem:s16+$0x130]  }
0x315: {  	[tilespmem:s16+$0xD0] =	vst v4;
	v4 =	vmul.f32 v10, v3;
	v10 =	vld [tilespmem:s16+$0x140]  }
0x316: {  	s7 =	sadd.s32 $0x7, s20;
	v3 =	vmov s20;
	[tilespmem:s16+$0xE0] =	vst v5;
	v5 =	vmul.f32 v8, v2;
	v8 =	vld [tilespmem:s16+$0x150]  }
0x317: {  	s17 =	sadd.s32 $0x1, s20;
	s25 =	sadd.s32 $0x2, s20;
	v11 =	vand.u32 $0xFFFFFFF8, v3;
	v3 =	vmov s7;
	[tilespmem:s16+$0xF0] =	vst v4;
	v4 =	vmul.f32 v6, v2;
	v12 =	vld [tilespmem:s16+$0x160]  }
0x318: {  	v14 =	vmov s25;
	v13 =	vmov s17;
	s17 =	sadd.s32 $0x4, s20;
	s7 =	sadd.s32 $0x3, s20;
	[tilespmem:s16+$0x100] =	vst v5;
	v5 =	vmul.f32 v9, v2;
	v9 =	vld [tilespmem:s16+$0x180]  }
0x319: {  	v16 =	vmov s17;
	v15 =	vmov s7;
	s7 =	sadd.s32 $0x5, s20;
	[tilespmem:s16+$0x110] =	vst v4;
	v7 =	vmul.f32 v7, v2;
	v17 =	vld [tilespmem:s16+$0x190]  }
.Ltmp3:
0x31a: {  	v4 =	vbroadcast v11, $0x0;
	v11 =	vmov s7;
	[tilespmem:s16+$0x120] =	vst v5;
	v10 =	vmul.f32 v10, v2;
	v6 =	vld [tilespmem:s16+$0x1A0];
	(pc) =	sbr.rel @p2 .LBB2_9-.Ltmp3, $4  }
0x31b: {  	v5 =	vand.u32 $0xFFFFFFF9, v13;
	v13 =	vand.u32 $0xFFFFFFFA, v14;
	[tilespmem:s16+$0x130] =	vst v7;
	v14 =	vmul.f32 v8, v2;
	v7 =	vld [tilespmem:s16+$0x1B0]  }
0x31c: {  	v18 =	vand.u32 $0xFFFFFFFB, v15;
	v5 =	vbroadcast v5, $0x0;
	[tilespmem:s16+$0x140] =	vst v10;
	v19 =	vmul.f32 v12, v2;
	v8 =	vld [tilespmem:s16+$0x1C0]  }
0x31d: {  	v10 =	vbroadcast v13, $0x0;
	v2 =	vand.u32 $0xFFFFFFFC, v16;
	[tilespmem:s16+$0x150] =	vst v14;
	v15 =	vmul.f32 v9, v1;
	v9 =	vld [tilespmem:s16+$0x1D0]  }
0x31e: {  	s17 =	sadd.s32 $0x6, s20;
	s20 =	sadd.s32 $0x8, s20;
	v12 =	vbroadcast v18, $0x0;
	v14 =	vand.u32 $0xFFFFFFFD, v11;
	[tilespmem:s16+$0x160] =	vst v19;
	v13 =	vmul.f32 v17, v1;
	v11 =	vld [tilespmem:s16+$0x1E0]  }
0x31f: {  	_ =	sdelay $0x2  }
0x320: {  	v16 =	vld [tilespmem:s16+$0x1F0]  }
0x321: {  	v18 =	vld.idx.msk [tilespmem:v4+s19+$0x0], $0xffff  }
0x322: {  	v23 =	vld.idx.msk [tilespmem:v5+s19+$0x0], $0xffff  }
0x323: {  	v22 =	vbroadcast v2, $0x0;
	v2 =	vmov s17;
	v10 =	vld.idx.msk [tilespmem:v10+s19+$0x0], $0xffff  }
0x324: {  	v17 =	vand.u32 $0xFFFFFFFE, v2;
	v2 =	vld.idx.msk [tilespmem:v3+s19+$0x0], $0xffff  }
0x325: {  	s20 =	sadd.s32 $0x400, s16;
	v12 =	vld.idx.msk [tilespmem:v12+s19+$0x0], $0xffff  }
0x326: {  	v24 =	vld [tilespmem:s20+$0x170]  }
0x327: {  	v26 =	vld [tilespmem:s20+$0xFFFFFE00]  }
0x328: {  	v28 =	vld [tilespmem:s20+$0xFFFFFE10]  }
0x329: {  	[tilespmem:s16+$0x180] =	vst v15;
	v6 =	vmul.f32 v6, v1;
	v30 =	vld [tilespmem:s20+$0xFFFFFE20]  }
0x32a: {  	[tilespmem:s16+$0x190] =	vst v13;
	v7 =	vmul.f32 v7, v1;
	v31 =	vld [tilespmem:s20+$0xFFFFFE30]  }
0x32b: {  	v32 =	vld [tilespmem:s20+$0xFFFFFE40];
	[tilespmem:s16+$0x1A0] =	vst v6;
	v25 =	vmul.f32 v8, v1  }
0x32c: {  	v33 =	vld [tilespmem:s20+$0xFFFFFE50];
	[tilespmem:s16+$0x1B0] =	vst v7;
	v27 =	vmul.f32 v9, v1  }
0x32d: {  	v34 =	vld [tilespmem:s20+$0xFFFFFE60];
	[tilespmem:s16+$0x1C0] =	vst v25;
	v29 =	vmul.f32 v11, v1  }
0x32e: {  	v35 =	vld [tilespmem:s20+$0xFFFFFE70];
	[tilespmem:s16+$0x1D0] =	vst v27;
	v1 =	vmul.f32 v16, v1  }
0x32f: {  	v36 =	vld [tilespmem:s20+$0xFFFFFE80];
	[tilespmem:s16+$0x1E0] =	vst v29;
	v9 =	vmul.f32 v28, v18  }
0x330: {  	v37 =	vld [tilespmem:s20+$0xFFFFFE90];
	[tilespmem:s16+$0x1F0] =	vst v1;
	v1 =	vmul.f32 v26, v18  }
0x331: {  	v39 =	vld [tilespmem:s20+$0xFFFFFEA0];
	v7 =	vmul.f32 v31, v18;
	[tilespmem:s20+$0xFFFFFE10] =	vst v9  }
0x332: {  	v40 =	vld [tilespmem:s20+$0xFFFFFEB0];
	[tilespmem:s20+$0xFFFFFE00] =	vst v1;
	v1 =	vmul.f32 v30, v18  }
0x333: {  	v42 =	vld [tilespmem:s20+$0xFFFFFEC0];
	v38 =	vmul.f32 v33, v18;
	[tilespmem:s20+$0xFFFFFE30] =	vst v7  }
0x334: {  	v43 =	vld [tilespmem:s20+$0xFFFFFED0];
	[tilespmem:s20+$0xFFFFFE20] =	vst v1;
	v1 =	vmul.f32 v32, v18  }
0x335: {  	v44 =	vld [tilespmem:s20+$0xFFFFFEE0];
	v41 =	vmul.f32 v35, v18;
	[tilespmem:s20+$0xFFFFFE50] =	vst v38  }
0x336: {  	v45 =	vld [tilespmem:s20+$0xFFFFFEF0];
	[tilespmem:s20+$0xFFFFFE40] =	vst v1;
	v1 =	vmul.f32 v34, v18  }
0x337: {  	v47 =	vld [tilespmem:s20+$0xFFFFFF00];
	v6 =	vmul.f32 v37, v23;
	[tilespmem:s20+$0xFFFFFE70] =	vst v41  }
0x338: {  	v48 =	vld [tilespmem:s20+$0xFFFFFF10];
	[tilespmem:s20+$0xFFFFFE60] =	vst v1;
	v1 =	vmul.f32 v36, v23  }
0x339: {  	v50 =	vld [tilespmem:s20+$0xFFFFFF20];
	v46 =	vmul.f32 v40, v23;
	[tilespmem:s20+$0xFFFFFE90] =	vst v6  }
0x33a: {  	v51 =	vld [tilespmem:s20+$0xFFFFFF30];
	[tilespmem:s20+$0xFFFFFE80] =	vst v1;
	v1 =	vmul.f32 v39, v23  }
0x33b: {  	v53 =	vld [tilespmem:s20+$0xFFFFFF40];
	v49 =	vmul.f32 v43, v23;
	[tilespmem:s20+$0xFFFFFEB0] =	vst v46  }
0x33c: {  	v54 =	vld [tilespmem:s20+$0xFFFFFF50];
	[tilespmem:s20+$0xFFFFFEA0] =	vst v1;
	v1 =	vmul.f32 v42, v23  }
0x33d: {  	v56 =	vld [tilespmem:s20+$0xFFFFFF60];
	v52 =	vmul.f32 v45, v23;
	[tilespmem:s20+$0xFFFFFED0] =	vst v49  }
0x33e: {  	v57 =	vld [tilespmem:s20+$0xFFFFFF70];
	[tilespmem:s20+$0xFFFFFEC0] =	vst v1;
	v1 =	vmul.f32 v44, v23  }
0x33f: {  	v14 =	vbroadcast v14, $0x0;
	v59 =	vld [tilespmem:s20+$0xFFFFFF80];
	v55 =	vmul.f32 v48, v10;
	[tilespmem:s20+$0xFFFFFEF0] =	vst v52  }
0x340: {  	v60 =	vld [tilespmem:s20+$0xFFFFFF90];
	[tilespmem:s20+$0xFFFFFEE0] =	vst v1;
	v1 =	vmul.f32 v47, v10  }
0x341: {  	v62 =	vld [tilespmem:s20+$0xFFFFFFA0];
	v58 =	vmul.f32 v51, v10;
	[tilespmem:s20+$0xFFFFFF10] =	vst v55  }
0x342: {  	v63 =	vld [tilespmem:s20+$0xFFFFFFB0];
	v3 =	vbroadcast v17, $0x0;
	[tilespmem:s20+$0xFFFFFF00] =	vst v1;
	v1 =	vmul.f32 v50, v10  }
0x343: {  	v15 =	vld [tilespmem:s20+$0xFFFFFFC0];
	v61 =	vmul.f32 v54, v10;
	[tilespmem:s20+$0xFFFFFF30] =	vst v58  }
0x344: {  	v19 =	vld [tilespmem:s20+$0xFFFFFFF0];
	[tilespmem:s20+$0xFFFFFF20] =	vst v1;
	v1 =	vmul.f32 v53, v10  }
0x345: {  	v4 =	vld.idx.msk [tilespmem:v14+s19+$0x0], $0xffff;
	v14 =	vmul.f32 v57, v10;
	[tilespmem:s20+$0xFFFFFF50] =	vst v61  }
0x346: {  	v5 =	vld.idx.msk [tilespmem:v22+s19+$0x0], $0xffff;
	[tilespmem:s20+$0xFFFFFF40] =	vst v1;
	v1 =	vmul.f32 v56, v10  }
0x347: {  	v17 =	vmul.f32 v60, v12;
	v22 =	vld [tilespmem:s20+$0x10];
	[tilespmem:s20+$0xFFFFFF70] =	vst v14  }
0x348: {  	v3 =	vld.idx.msk [tilespmem:v3+s19+$0x0], $0xffff;
	[tilespmem:s20+$0xFFFFFF60] =	vst v1;
	v1 =	vmul.f32 v59, v12  }
0x349: {  	v20 =	vmul.f32 v63, v12;
	[tilespmem:s20+$0xFFFFFF90] =	vst v17;
	v18 =	vld [tilespmem:s20+$0xFFFFFFE0]  }
0x34a: {  	v25 =	vld [tilespmem:s20+$0x30];
	[tilespmem:s20+$0xFFFFFF80] =	vst v1;
	v1 =	vmul.f32 v62, v12  }
0x34b: {  	v21 =	vld [tilespmem:s20+$0x0];
	v26 =	vmul.f32 v19, v12;
	[tilespmem:s20+$0xFFFFFFB0] =	vst v20  }
0x34c: {  	v28 =	vld [tilespmem:s20+$0x50];
	[tilespmem:s20+$0xFFFFFFA0] =	vst v1;
	v1 =	vmul.f32 v15, v12  }
0x34d: {  	[tilespmem:s20+$0xFFFFFFF0] =	vst v26;
	v29 =	vmul.f32 v22, v5;
	v13 =	vmul.f32 v24, v3;
	v24 =	vld [tilespmem:s20+$0x20]  }
0x34e: {  	v37 =	vld [tilespmem:s20+$0xB0];
	[tilespmem:s20+$0xFFFFFFC0] =	vst v1;
	v1 =	vmul.f32 v18, v12  }
0x34f: {  	v27 =	vld [tilespmem:s20+$0x40];
	v32 =	vmul.f32 v25, v5;
	[tilespmem:s20+$0x10] =	vst v29  }
0x350: {  	[tilespmem:s20+$0xFFFFFFE0] =	vst v1;
	v1 =	vmul.f32 v21, v5  }
0x351: {  	v30 =	vld [tilespmem:s20+$0x60];
	v35 =	vmul.f32 v28, v5;
	[tilespmem:s20+$0x30] =	vst v32  }
0x352: {  	v45 =	vld [tilespmem:s20+$0x110];
	[tilespmem:s20+$0x0] =	vst v1;
	v1 =	vmul.f32 v24, v5  }
0x353: {  	v33 =	vld [tilespmem:s20+$0x80];
	v43 =	vmul.f32 v37, v4;
	[tilespmem:s20+$0x50] =	vst v35  }
0x354: {  	v48 =	vld [tilespmem:s20+$0x130];
	[tilespmem:s20+$0x20] =	vst v1;
	v1 =	vmul.f32 v27, v5  }
0x355: {  	[tilespmem:s20+$0xB0] =	vst v43;
	v36 =	vld [tilespmem:s20+$0xA0]  }
0x356: {  	v34 =	vld [tilespmem:s20+$0x90];
	[tilespmem:s20+$0x40] =	vst v1;
	v1 =	vmul.f32 v30, v5  }
0x357: {  	v38 =	vld [tilespmem:s20+$0xC0];
	v51 =	vmul.f32 v45, v3;
	[tilespmem:s20+$0x170] =	vst v13  }
0x358: {  	v16 =	vld [tilespmem:s20+$0xFFFFFFD0];
	[tilespmem:s20+$0x60] =	vst v1;
	v1 =	vmul.f32 v33, v4  }
0x359: {  	v41 =	vld [tilespmem:s20+$0xE0];
	v54 =	vmul.f32 v48, v3;
	[tilespmem:s20+$0x110] =	vst v51  }
0x35a: {  	v39 =	vld [tilespmem:s20+$0xD0];
	[tilespmem:s20+$0x80] =	vst v1;
	v1 =	vmul.f32 v36, v4  }
0x35b: {  	[tilespmem:s20+$0x130] =	vst v54;
	v40 =	vmul.f32 v34, v4;
	v44 =	vld [tilespmem:s20+$0x100]  }
0x35c: {  	v50 =	vld [tilespmem:s20+$0x150];
	[tilespmem:s20+$0xA0] =	vst v1;
	v1 =	vmul.f32 v38, v4  }
0x35d: {  	[tilespmem:s20+$0x90] =	vst v40;
	v23 =	vmul.f32 v16, v12;
	v47 =	vld [tilespmem:s20+$0x120]  }
0x35e: {  	v53 =	vld [tilespmem:s20+$0x180];
	[tilespmem:s20+$0xC0] =	vst v1;
	v1 =	vmul.f32 v41, v4  }
0x35f: {  	v49 =	vld [tilespmem:s20+$0x140];
	v46 =	vmul.f32 v39, v4;
	[tilespmem:s20+$0xFFFFFFD0] =	vst v23  }
0x360: {  	v56 =	vld [tilespmem:s20+$0x1A0];
	[tilespmem:s20+$0xE0] =	vst v1;
	v1 =	vmul.f32 v44, v3  }
0x361: {  	v52 =	vld [tilespmem:s20+$0x160];
	[tilespmem:s20+$0xD0] =	vst v46;
	v57 =	vmul.f32 v50, v3  }
0x362: {  	v31 =	vld [tilespmem:s20+$0x70];
	[tilespmem:s20+$0x100] =	vst v1;
	v1 =	vmul.f32 v47, v3  }
0x363: {  	v55 =	vld [tilespmem:s20+$0x190];
	[tilespmem:s20+$0x150] =	vst v57;
	v59 =	vmul.f32 v53, v2  }
0x364: {  	v42 =	vld [tilespmem:s20+$0xF0];
	[tilespmem:s20+$0x120] =	vst v1;
	v1 =	vmul.f32 v49, v3  }
0x365: {  	v58 =	vld [tilespmem:s20+$0x1B0];
	[tilespmem:s20+$0x180] =	vst v59;
	v62 =	vmul.f32 v56, v2  }
0x366: {  	[tilespmem:s20+$0x140] =	vst v1;
	v1 =	vmul.f32 v52, v3;
	v3 =	vld [tilespmem:s20+$0x1C0]  }
0x367: {  	v60 =	vld [tilespmem:s20+$0x1D0];
	[tilespmem:s20+$0x1A0] =	vst v62;
	v5 =	vmul.f32 v31, v5  }
0x368: {  	v61 =	vld [tilespmem:s20+$0x1E0];
	[tilespmem:s20+$0x160] =	vst v1;
	v1 =	vmul.f32 v55, v2  }
0x369: {  	v63 =	vld [tilespmem:s20+$0x1F0];
	[tilespmem:s20+$0x70] =	vst v5;
	v4 =	vmul.f32 v42, v4  }
0x36a: {  	[tilespmem:s20+$0x190] =	vst v1;
	v1 =	vmul.f32 v58, v2  }
0x36b: {  	[tilespmem:s20+$0xF0] =	vst v4;
	v3 =	vmul.f32 v3, v2  }
0x36c: {  	[tilespmem:s20+$0x1B0] =	vst v1;
	v1 =	vmul.f32 v60, v2  }
.Ltmp4:
0x36d: {  	[tilespmem:s20+$0x1C0] =	vst v3;
	v3 =	vmul.f32 v61, v2;
	(pc) =	sbr.rel @!p1 .LBB2_11-.Ltmp4, $4  }
0x36e: {  	[tilespmem:s20+$0x1D0] =	vst v1;
	v1 =	vmul.f32 v63, v2  }
0x36f: {  	[tilespmem:s20+$0x1E0] =	vst v3  }
0x370: {  	s25 =	simm.s32 $0x1CD00;
	s7 =	simm.s32 $0x1B280;
	[tilespmem:s20+$0x1F0] =	vst v1  }
0x371: {  	[spmem:s2] =	stream.indirect.scatter.add.f32 [tilespmem:s25], [sflag:$0x8], $0x80, s7, s4, $0xb8;
	[tilespmem:$0x1FD00] =	vst v63  }
0x372: {  	_ =	swait.ge [sflag:s21], $0x1800  }
0x373: {  	[sflag:s21] =	ssyncset.done $0x0  }
0x374: {  	[sflag:s21] =	ssyncadd.s32 $0xFFFFE800  }
0x375: {  	v1 =	vld [tilespmem:$0x1B180]  }
0x376: {  	v2 =	vld [tilespmem:$0x1B190]  }
0x377: {  	v3 =	vld [tilespmem:$0x1B1A0]  }
.Ltmp5:
0x378: {  	_ = 	snop;
	(pc) =	sbr.rel .LBB2_13-.Ltmp5, $4  }
0x379: {  	_ = 	snop  }
0x37a: {  	[tilespmem:$0x1B300] =	vst v1  }
0x37b: {  	[tilespmem:$0x1B310] =	vst v2  }
0x37c: {  	[tilespmem:$0x1B320] =	vst v3  }
.LBB2_11:
0x37d: {  	_ =	swait.ge [sflag:s6], $0x30  }
0x37e: {  	[sflag:s6] =	ssyncset.done $0x0  }
0x37f: {  	[sflag:s6] =	ssyncadd.s32 $0xFFFFFFD0  }
0x380: {  	_ =	swait.ge [sflag:s6], $0x30  }
0x381: {  	[sflag:s6] =	ssyncset.done $0x0  }
0x382: {  	[sflag:s6] =	ssyncadd.s32 $0xFFFFFFD0  }
0x383: {  	v1 =	vld [tilespmem:$0x1AF80]  }
0x384: {  	v2 =	vld [tilespmem:$0x1B100];
	_ =	sdelay $0x6  }
0x385: {  	v1 =	vld.idx.msk [tilespmem:v1+s29+$0x0], $0xffff  }
0x386: {  	v3 =	vld.idx.msk [tilespmem:v2+s30+$0x0], $0xffff;
	_ =	sdelay $0x4  }
0x387: {  	v1 =	vadd.f32 v3, v1;
	_ =	sdelay $0x1  }
0x388: {  	v3 =	vmul.f32 $2.000000030e-01, v1  }
0x389: {  	vm0 =	vgt.f32 v1, $0.0e+00  }
0x38a: {  	v1 =	vsel vm0, v1, v3  }
0x38b: {  	v1 =	vmul.f32 $1.442695020e+00, v1;
	_ =	sdelay $0x1  }
0x38c: {  	(erf) = vpow2.f32 v1;
	_ =	sdelay $0x5  }
0x38d: {  	s7 =	sadd.s32 s28, s24  }
0x38e: {  	s7 =	smul.u32 $0x30, s7;
	_ =	sdelay $0x1  }
0x38f: {  	p1 =	slt.u32 s7, $0x50910;
	v1 =	vpop (erf)  }
0x390: {  	v1 =	vpsel !p1, $0x0, v1  }
0x391: {  	[tilespmem:$0x1B400] =	vst v1  }
0x392: {  	[tilespmem:v2+s31+$0x0] =	vst.idx.add.f32.msk $0xffff, v1  }
0x393: {  	v1 =	vld [tilespmem:$0x1AF90]  }
0x394: {  	v2 =	vld [tilespmem:$0x1B110];
	_ =	sdelay $0x6  }
0x395: {  	v1 =	vld.idx.msk [tilespmem:v1+s29+$0x0], $0xffff  }
0x396: {  	v3 =	vld.idx.msk [tilespmem:v2+s30+$0x0], $0xffff;
	_ =	sdelay $0x4  }
0x397: {  	v1 =	vadd.f32 v3, v1;
	_ =	sdelay $0x1  }
0x398: {  	v3 =	vmul.f32 $2.000000030e-01, v1  }
0x399: {  	vm14 =	vgt.f32 v1, $0.0e+00  }
0x39a: {  	v1 =	vsel vm14, v1, v3  }
0x39b: {  	v1 =	vmul.f32 $1.442695020e+00, v1;
	_ =	sdelay $0x1  }
0x39c: {  	(erf) = vpow2.f32 v1;
	_ =	sdelay $0x7  }
0x39d: {  	s16 =	sadd.s32 $0x10, s7  }
0x39e: {  	p2 =	slt.u32 s16, $0x50910;
	v1 =	vpop (erf)  }
0x39f: {  	v1 =	vpsel !p2, $0x0, v1  }
0x3a0: {  	[tilespmem:$0x1B410] =	vst v1  }
0x3a1: {  	[tilespmem:v2+s31+$0x0] =	vst.idx.add.f32.msk $0xffff, v1  }
0x3a2: {  	v1 =	vld [tilespmem:$0x1AFA0]  }
0x3a3: {  	v2 =	vld [tilespmem:$0x1B120];
	_ =	sdelay $0x6  }
0x3a4: {  	v1 =	vld.idx.msk [tilespmem:v1+s29+$0x0], $0xffff  }
0x3a5: {  	v3 =	vld.idx.msk [tilespmem:v2+s30+$0x0], $0xffff;
	_ =	sdelay $0x4  }
0x3a6: {  	v1 =	vadd.f32 v3, v1;
	_ =	sdelay $0x1  }
0x3a7: {  	v3 =	vmul.f32 $2.000000030e-01, v1  }
0x3a8: {  	vm15 =	vgt.f32 v1, $0.0e+00  }
0x3a9: {  	v1 =	vsel vm15, v1, v3  }
0x3aa: {  	v1 =	vmul.f32 $1.442695020e+00, v1;
	_ =	sdelay $0x1  }
0x3ab: {  	(erf) = vpow2.f32 v1;
	_ =	sdelay $0x7  }
0x3ac: {  	s7 =	sadd.s32 $0x20, s7  }
0x3ad: {  	p2 =	slt.u32 s7, $0x50910;
	v1 =	vpop (erf)  }
0x3ae: {  	v1 =	vpsel !p2, $0x0, v1  }
0x3af: {  	[tilespmem:$0x1B420] =	vst v1  }
0x3b0: {  	[tilespmem:v2+s31+$0x0] =	vst.idx.add.f32.msk $0xffff, v1  }
0x3b1: {  	_ =	swait.ge [sflag:s21], $0x1800  }
0x3b2: {  	[sflag:s21] =	ssyncset.done $0x0  }
0x3b3: {  	[sflag:s21] =	ssyncadd.s32 $0xFFFFE800  }
0x3b4: {  	v1 =	vld [tilespmem:$0x1B180]  }
0x3b5: {  	s24 =	sld [smem:$0x7FD];
	v2 =	vld [tilespmem:$0x1B190]  }
0x3b6: {  	v3 =	vld [tilespmem:$0x1B1A0];
	_ =	sdelay $0x1  }
0x3b7: {  	s3 =	sadd.s32 s3, s24  }
0x3b8: {  	s3 =	smul.u32 $0x6, s3;
	[tilespmem:$0x1B300] =	vst v1  }
0x3b9: {  	[tilespmem:$0x1B310] =	vst v2  }
0x3ba: {  	s17 =	simm.s32 $0x0;
	s16 =	sadd.s32 s13, s3;
	[tilespmem:$0x1B320] =	vst v3  }
0x3bb: {  	[tilespmem:s8], [sflag:$0x3] =	stream.linear.gather [hbm4b:s16+s17], $0x30, $0x38;
	[tilespmem:$0x1FD00] =	vst v63  }
0x3bc: {  	s20 =	simm.s32 $0x1B180;
	s3 =	sadd.s32 s14, s3  }
0x3bd: {  	[tilespmem:s20], [sflag:$0x3] =	stream.linear.gather [hbm4b:s3+s17], $0x30, $0x38;
	[tilespmem:$0x1FD00] =	vst v63  }
0x3be: {  	_ =	swait.ge [sflag:s0], $0x1800  }
0x3bf: {  	[sflag:s0] =	ssyncset.done $0x0  }
0x3c0: {  	s24 =	simm.s32 $0x1AF80;
	[sflag:s0] =	ssyncadd.s32 $0xFFFFE800  }
0x3c1: {  	[tilespmem:s25], [sflag:$0x5] =	stream.indirect.gather [hbm4b:s1+s4], $0x80, s24, s4, $0xb8;
	[tilespmem:$0x1FD00] =	vst v63  }
.LBB2_13:
0x3c2: {  	s3 =	simm.s32 $0x0  }
0x3c3: {  	s16 =	simm.s32 $0x6;
	v1 =	vmov s3;
	s3 =	simm.s32 $0x1E700  }
0x3c4: {  	v2 =	vmov s16;
	v1 =	vand.u32 $0xFFFFFFF8, v1;
	v4 =	vld [tilespmem:s3+$0x170]  }
0x3c5: {  	v2 =	vand.u32 $0xFFFFFFFE, v2;
	v5 =	vld [tilespmem:s3+$0xFFFFFE00];
	v1 =	vbroadcast v1, $0x0  }
0x3c6: {  	v6 =	vld [tilespmem:s3+$0xFFFFFE10];
	v2 =	vbroadcast v2, $0x0  }
0x3c7: {  	s7 =	simm.s32 $0x1;
	v7 =	vld [tilespmem:s3+$0xFFFFFE20]  }
0x3c8: {  	v3 =	vmov s7;
	v8 =	vld [tilespmem:s3+$0xFFFFFE30]  }
0x3c9: {  	v3 =	vand.u32 $0xFFFFFFF9, v3;
	v9 =	vld [tilespmem:s3+$0xFFFFFE40]  }
0x3ca: {  	v10 =	vld [tilespmem:s3+$0xFFFFFE50];
	v3 =	vbroadcast v3, $0x0  }
0x3cb: {  	v1 =	vld.idx.msk [tilespmem:v1+s22+$0x0], $0xffff  }
0x3cc: {  	v2 =	vld.idx.msk [tilespmem:v2+s22+$0x0], $0xffff  }
0x3cd: {  	v11 =	vld [tilespmem:s3+$0xFFFFFE60]  }
0x3ce: {  	v12 =	vld [tilespmem:s3+$0xFFFFFE70]  }
0x3cf: {  	v13 =	vld [tilespmem:s3+$0xFFFFFE80]  }
0x3d0: {  	v3 =	vld.idx.msk [tilespmem:v3+s22+$0x0], $0xffff;
	v5 =	vmul.f32 v5, v1  }
0x3d1: {  	v14 =	vld [tilespmem:s3+$0xFFFFFE90];
	v4 =	vmul.f32 v4, v2  }
0x3d2: {  	v15 =	vld [tilespmem:s3+$0xFFFFFEA0];
	v6 =	vmul.f32 v6, v1;
	[tilespmem:s3+$0xFFFFFE00] =	vst v5  }
0x3d3: {  	s17 =	simm.s32 $0x2;
	v16 =	vld [tilespmem:s3+$0xFFFFFEB0];
	v8 =	vmul.f32 v8, v1;
	[tilespmem:s3+$0x170] =	vst v4  }
0x3d4: {  	v9 =	vmul.f32 v9, v1;
	v5 =	vmov s17;
	v4 =	vmul.f32 v7, v1;
	v7 =	vld [tilespmem:s3+$0xFFFFFEC0];
	[tilespmem:s3+$0xFFFFFE10] =	vst v6  }
0x3d5: {  	v6 =	vmul.f32 v13, v3;
	v13 =	vld [tilespmem:s3+$0xFFFFFED0];
	[tilespmem:s3+$0xFFFFFE30] =	vst v8;
	v5 =	vand.u32 $0xFFFFFFFA, v5  }
0x3d6: {  	v8 =	vmul.f32 v10, v1;
	v10 =	vld [tilespmem:s3+$0xFFFFFEF0];
	[tilespmem:s3+$0xFFFFFE40] =	vst v9;
	v5 =	vbroadcast v5, $0x0  }
0x3d7: {  	v9 =	vmul.f32 v11, v1;
	v11 =	vld [tilespmem:s3+$0xFFFFFF00];
	[tilespmem:s3+$0xFFFFFE20] =	vst v4  }
0x3d8: {  	v1 =	vmul.f32 v12, v1;
	v12 =	vld [tilespmem:s3+$0xFFFFFF20];
	[tilespmem:s3+$0xFFFFFE80] =	vst v6  }
0x3d9: {  	s20 =	simm.s32 $0x3;
	v4 =	vld [tilespmem:s3+$0xFFFFFEE0];
	[tilespmem:s3+$0xFFFFFE50] =	vst v8  }
0x3da: {  	v6 =	vmov s20;
	v8 =	vld [tilespmem:s3+$0xFFFFFF10];
	[tilespmem:s3+$0xFFFFFE60] =	vst v9;
	v9 =	vmul.f32 v14, v3  }
0x3db: {  	[tilespmem:s3+$0xFFFFFE70] =	vst v1;
	v1 =	vmul.f32 v15, v3;
	v14 =	vld [tilespmem:s3+$0xFFFFFF30];
	v6 =	vand.u32 $0xFFFFFFFB, v6  }
0x3dc: {  	v6 =	vbroadcast v6, $0x0;
	[tilespmem:s3+$0xFFFFFE90] =	vst v9;
	v9 =	vmul.f32 v16, v3;
	v5 =	vld.idx.msk [tilespmem:v5+s22+$0x0], $0xffff  }
0x3dd: {  	v15 =	vld [tilespmem:s3+$0xFFFFFF40];
	[tilespmem:s3+$0xFFFFFEA0] =	vst v1;
	v7 =	vmul.f32 v7, v3  }
0x3de: {  	v13 =	vmul.f32 v13, v3;
	[tilespmem:s3+$0xFFFFFEB0] =	vst v9;
	v9 =	vld [tilespmem:s3+$0xFFFFFF60]  }
0x3df: {  	[tilespmem:s3+$0xFFFFFEC0] =	vst v7;
	v4 =	vmul.f32 v4, v3;
	v7 =	vld [tilespmem:s3+$0xFFFFFF70]  }
0x3e0: {  	[tilespmem:s3+$0xFFFFFED0] =	vst v13;
	v3 =	vmul.f32 v10, v3;
	v10 =	vld [tilespmem:s3+$0xFFFFFF80]  }
0x3e1: {  	v13 =	vld [tilespmem:s3+$0xFFFFFFB0];
	[tilespmem:s3+$0xFFFFFEE0] =	vst v4;
	v1 =	vmul.f32 v11, v5  }
0x3e2: {  	[tilespmem:s3+$0xFFFFFEF0] =	vst v3;
	v6 =	vld.idx.msk [tilespmem:v6+s22+$0x0], $0xffff;
	v4 =	vmul.f32 v8, v5  }
0x3e3: {  	s24 =	simm.s32 $0x4;
	v11 =	vld [tilespmem:s3+$0xFFFFFF50];
	v3 =	vmul.f32 v12, v5;
	[tilespmem:s3+$0xFFFFFF00] =	vst v1  }
0x3e4: {  	v8 =	vld [tilespmem:s3+$0xFFFFFF90];
	v9 =	vmul.f32 v9, v5;
	v1 =	vmov s24;
	[tilespmem:s3+$0xFFFFFF10] =	vst v4  }
0x3e5: {  	v12 =	vld [tilespmem:s3+$0xFFFFFFA0];
	v4 =	vmul.f32 v14, v5;
	[tilespmem:s3+$0xFFFFFF20] =	vst v3;
	v1 =	vand.u32 $0xFFFFFFFC, v1  }
0x3e6: {  	v3 =	vmul.f32 v15, v5;
	v14 =	vld [tilespmem:s3+$0xFFFFFFC0];
	[tilespmem:s3+$0xFFFFFF60] =	vst v9;
	v1 =	vbroadcast v1, $0x0  }
0x3e7: {  	v9 =	vld [tilespmem:s3+$0x0];
	[tilespmem:s3+$0xFFFFFF30] =	vst v4;
	v4 =	vmul.f32 v10, v6  }
0x3e8: {  	s16 =	simm.s32 $0x5;
	v10 =	vld [tilespmem:s3+$0xFFFFFFD0];
	[tilespmem:s3+$0xFFFFFF40] =	vst v3;
	v11 =	vmul.f32 v11, v5  }
0x3e9: {  	v3 =	vld [tilespmem:s3+$0xFFFFFFE0];
	v5 =	vmul.f32 v7, v5;
	[tilespmem:s3+$0xFFFFFF80] =	vst v4;
	v4 =	vmov s16  }
0x3ea: {  	v7 =	vld [tilespmem:s3+$0xFFFFFFF0];
	v8 =	vmul.f32 v8, v6;
	[tilespmem:s3+$0xFFFFFF50] =	vst v11;
	v4 =	vand.u32 $0xFFFFFFFD, v4  }
0x3eb: {  	[tilespmem:s3+$0xFFFFFF70] =	vst v5;
	v5 =	vmul.f32 v12, v6;
	v11 =	vld [tilespmem:s3+$0x10];
	v4 =	vbroadcast v4, $0x0  }
0x3ec: {  	[tilespmem:s3+$0xFFFFFF90] =	vst v8;
	v8 =	vmul.f32 v13, v6;
	v1 =	vld.idx.msk [tilespmem:v1+s22+$0x0], $0xffff  }
0x3ed: {  	v12 =	vld [tilespmem:s3+$0x20];
	[tilespmem:s3+$0xFFFFFFA0] =	vst v5;
	v5 =	vmul.f32 v14, v6  }
0x3ee: {  	v13 =	vld [tilespmem:s3+$0x30];
	[tilespmem:s3+$0xFFFFFFB0] =	vst v8;
	v8 =	vmul.f32 v10, v6  }
0x3ef: {  	v10 =	vld [tilespmem:s3+$0x40];
	v3 =	vmul.f32 v3, v6;
	[tilespmem:s3+$0xFFFFFFC0] =	vst v5  }
0x3f0: {  	v6 =	vmul.f32 v7, v6;
	[tilespmem:s3+$0xFFFFFFD0] =	vst v8;
	v8 =	vld [tilespmem:s3+$0x60]  }
0x3f1: {  	[tilespmem:s3+$0xFFFFFFE0] =	vst v3;
	v4 =	vld.idx.msk [tilespmem:v4+s22+$0x0], $0xffff;
	v5 =	vmul.f32 v9, v1  }
0x3f2: {  	[tilespmem:s3+$0xFFFFFFF0] =	vst v6;
	v9 =	vld [tilespmem:s3+$0x50];
	v6 =	vmul.f32 v12, v1  }
0x3f3: {  	v3 =	vmul.f32 v11, v1;
	v11 =	vld [tilespmem:s3+$0x90];
	[tilespmem:s3+$0x0] =	vst v5  }
0x3f4: {  	v7 =	vld [tilespmem:s3+$0x80];
	[tilespmem:s3+$0x20] =	vst v6;
	v6 =	vmul.f32 v10, v1  }
0x3f5: {  	v5 =	vld [tilespmem:s3+$0x70];
	[tilespmem:s3+$0x10] =	vst v3;
	v3 =	vmul.f32 v13, v1  }
0x3f6: {  	v10 =	vld [tilespmem:s3+$0xA0];
	[tilespmem:s3+$0x40] =	vst v6;
	v6 =	vmul.f32 v8, v1  }
0x3f7: {  	[tilespmem:s3+$0x30] =	vst v3;
	v8 =	vld [tilespmem:s3+$0xC0];
	v3 =	vmul.f32 v9, v1  }
0x3f8: {  	v9 =	vld [tilespmem:s3+$0xB0];
	v11 =	vmul.f32 v11, v4;
	[tilespmem:s3+$0x60] =	vst v6  }
0x3f9: {  	v6 =	vld [tilespmem:s3+$0xE0];
	[tilespmem:s3+$0x50] =	vst v3;
	v3 =	vmul.f32 v7, v4  }
0x3fa: {  	v7 =	vld [tilespmem:s3+$0xD0];
	v5 =	vmul.f32 v5, v1;
	[tilespmem:s3+$0x90] =	vst v11  }
0x3fb: {  	v11 =	vld [tilespmem:s3+$0x150];
	[tilespmem:s3+$0x80] =	vst v3  }
0x3fc: {  	[tilespmem:s3+$0x70] =	vst v5;
	v3 =	vmul.f32 v10, v4;
	v5 =	vld [tilespmem:s3+$0xF0]  }
0x3fd: {  	v10 =	vld [tilespmem:s3+$0x100];
	v9 =	vmul.f32 v9, v4  }
0x3fe: {  	s17 =	simm.s32 $0x7;
	[tilespmem:s3+$0xA0] =	vst v3;
	v3 =	vmul.f32 v8, v4;
	v8 =	vld [tilespmem:s3+$0x110]  }
0x3ff: {  	v14 =	vld [tilespmem:s3+$0x180];
	v12 =	vmov s17;
	[tilespmem:s3+$0xB0] =	vst v9;
	v7 =	vmul.f32 v7, v4  }
0x400: {  	v9 =	vld [tilespmem:s3+$0x120];
	v11 =	vmul.f32 v11, v2;
	[tilespmem:s3+$0xC0] =	vst v3  }
0x401: {  	s17 =	simm.s32 $0xA;
	v3 =	vmul.f32 v6, v4;
	v6 =	vld [tilespmem:s3+$0x130];
	[tilespmem:s3+$0xD0] =	vst v7;
	v4 =	vmul.f32 v5, v4  }
0x402: {  	s20 =	simm.s32 $0x8;
	v13 =	vmov s17;
	v5 =	vld [tilespmem:s3+$0x140];
	[tilespmem:s3+$0x150] =	vst v11  }
0x403: {  	s24 =	simm.s32 $0xF;
	s16 =	simm.s32 $0x9;
	v7 =	vmov s20;
	v10 =	vmul.f32 v10, v2;
	[tilespmem:s3+$0xF0] =	vst v4;
	v4 =	vmul.f32 v8, v2;
	v8 =	vld [tilespmem:s3+$0x160]  }
0x404: {  	s17 =	simm.s32 $0xB;
	v1 =	vld.idx.msk [tilespmem:v12+s22+$0x0], $0xffff;
	v12 =	vmov s16;
	s20 =	simm.s32 $0xC;
	[tilespmem:s3+$0xE0] =	vst v3;
	v7 =	vand.u32 $0xFFFFFFF8, v7;
	v3 =	vmov s24  }
0x405: {  	v17 =	vld [tilespmem:s3+$0x190];
	v15 =	vmov s20;
	s24 =	simm.s32 $0xD;
	[tilespmem:s3+$0x100] =	vst v10;
	v10 =	vmov s17;
	v9 =	vmul.f32 v9, v2  }
0x406: {  	v18 =	vmov s24;
	[tilespmem:s3+$0x110] =	vst v4;
	v16 =	vmul.f32 v6, v2;
	v4 =	vbroadcast v7, $0x0;
	v6 =	vld [tilespmem:s3+$0x1A0]  }
0x407: {  	v7 =	vld [tilespmem:s3+$0x1B0];
	[tilespmem:s3+$0x120] =	vst v9;
	v9 =	vmul.f32 v5, v2;
	v5 =	vand.u32 $0xFFFFFFF9, v12;
	v12 =	vand.u32 $0xFFFFFFFA, v13  }
0x408: {  	v13 =	vand.u32 $0xFFFFFFFB, v10;
	[tilespmem:s3+$0x130] =	vst v16;
	v5 =	vbroadcast v5, $0x0;
	v16 =	vmul.f32 v8, v2;
	v8 =	vld [tilespmem:s3+$0x1C0]  }
0x409: {  	v10 =	vbroadcast v12, $0x0;
	[tilespmem:s3+$0x140] =	vst v9;
	v2 =	vand.u32 $0xFFFFFFFC, v15;
	v15 =	vmul.f32 v14, v1;
	v9 =	vld [tilespmem:s3+$0x1D0]  }
0x40a: {  	s16 =	simm.s32 $0x10;
	v11 =	vld [tilespmem:s3+$0x1E0];
	s17 =	simm.s32 $0xE;
	v12 =	vbroadcast v13, $0x0;
	v13 =	vmul.f32 v17, v1;
	v14 =	vand.u32 $0xFFFFFFFD, v18;
	[tilespmem:s3+$0x160] =	vst v16  }
.LBB2_14:
0x40b: {  	p1 =	slt.u32 s16, $0x28;
	v2 =	vbroadcast v2, $0x0;
	v16 =	vmov s17;
	[tilespmem:s3+$0x180] =	vst v15;
	v6 =	vmul.f32 v6, v1;
	v15 =	vld [tilespmem:s3+$0x1F0]  }
0x40c: {  	v14 =	vbroadcast v14, $0x0;
	v16 =	vand.u32 $0xFFFFFFFE, v16;
	v17 =	vld.idx.msk [tilespmem:v3+s22+$0x0], $0xffff;
	[tilespmem:s3+$0x190] =	vst v13;
	v3 =	vmul.f32 v7, v1  }
0x40d: {  	v7 =	vld.idx.msk [tilespmem:v4+s22+$0x0], $0xffff;
	v13 =	vbroadcast v16, $0x0;
	[tilespmem:s3+$0x1A0] =	vst v6;
	v4 =	vmul.f32 v8, v1  }
0x40e: {  	v6 =	vld.idx.msk [tilespmem:v5+s22+$0x0], $0xffff;
	[tilespmem:s3+$0x1B0] =	vst v3;
	v3 =	vmul.f32 v9, v1  }
0x40f: {  	v8 =	vld.idx.msk [tilespmem:v10+s22+$0x0], $0xffff;
	[tilespmem:s3+$0x1C0] =	vst v4;
	v9 =	vmul.f32 v11, v1  }
0x410: {  	v5 =	vld.idx.msk [tilespmem:v12+s22+$0x0], $0xffff;
	[tilespmem:s3+$0x1D0] =	vst v3;
	v10 =	vmul.f32 v15, v1  }
0x411: {  	v4 =	vld.idx.msk [tilespmem:v2+s22+$0x0], $0xffff;
	[tilespmem:s3+$0x1E0] =	vst v9  }
0x412: {  	v1 =	vmov v17;
	v3 =	vld.idx.msk [tilespmem:v14+s22+$0x0], $0xffff;
	[tilespmem:s3+$0x1F0] =	vst v10  }
0x413: {  	s3 =	sadd.s32 $0x400, s3;
	v2 =	vld.idx.msk [tilespmem:v13+s22+$0x0], $0xffff  }
0x414: {  	v9 =	vld [tilespmem:s3+$0x170]  }
0x415: {  	v10 =	vld [tilespmem:s3+$0xFFFFFE00]  }
0x416: {  	v11 =	vld [tilespmem:s3+$0xFFFFFE10]  }
0x417: {  	v12 =	vld [tilespmem:s3+$0xFFFFFE20]  }
0x418: {  	v13 =	vld [tilespmem:s3+$0xFFFFFE30]  }
0x419: {  	v14 =	vld [tilespmem:s3+$0xFFFFFE40];
	v9 =	vmul.f32 v9, v2  }
0x41a: {  	v10 =	vmul.f32 v10, v7;
	v15 =	vld [tilespmem:s3+$0xFFFFFE50]  }
0x41b: {  	v11 =	vmul.f32 v11, v7;
	v16 =	vld [tilespmem:s3+$0xFFFFFE60];
	[tilespmem:s3+$0x170] =	vst v9  }
0x41c: {  	[tilespmem:s3+$0xFFFFFE00] =	vst v10;
	v9 =	vmul.f32 v12, v7;
	v10 =	vld [tilespmem:s3+$0xFFFFFE70]  }
0x41d: {  	[tilespmem:s3+$0xFFFFFE10] =	vst v11;
	v11 =	vmul.f32 v13, v7;
	v12 =	vld [tilespmem:s3+$0xFFFFFE80]  }
0x41e: {  	[tilespmem:s3+$0xFFFFFE20] =	vst v9;
	v9 =	vmul.f32 v14, v7;
	v13 =	vld [tilespmem:s3+$0xFFFFFE90]  }
0x41f: {  	[tilespmem:s3+$0xFFFFFE30] =	vst v11;
	v11 =	vmul.f32 v15, v7;
	v14 =	vld [tilespmem:s3+$0xFFFFFEA0]  }
0x420: {  	[tilespmem:s3+$0xFFFFFE40] =	vst v9;
	v9 =	vmul.f32 v16, v7;
	v15 =	vld [tilespmem:s3+$0xFFFFFEB0]  }
0x421: {  	[tilespmem:s3+$0xFFFFFE50] =	vst v11;
	v7 =	vmul.f32 v10, v7;
	v10 =	vld [tilespmem:s3+$0xFFFFFEC0]  }
0x422: {  	[tilespmem:s3+$0xFFFFFE60] =	vst v9;
	v9 =	vmul.f32 v12, v6;
	v11 =	vld [tilespmem:s3+$0xFFFFFED0]  }
0x423: {  	[tilespmem:s3+$0xFFFFFE70] =	vst v7;
	v7 =	vmul.f32 v13, v6;
	v12 =	vld [tilespmem:s3+$0xFFFFFEE0]  }
0x424: {  	[tilespmem:s3+$0xFFFFFE80] =	vst v9;
	v9 =	vmul.f32 v14, v6;
	v13 =	vld [tilespmem:s3+$0xFFFFFEF0]  }
0x425: {  	[tilespmem:s3+$0xFFFFFE90] =	vst v7;
	v7 =	vmul.f32 v15, v6;
	v14 =	vld [tilespmem:s3+$0xFFFFFF00]  }
0x426: {  	[tilespmem:s3+$0xFFFFFEA0] =	vst v9;
	v9 =	vmul.f32 v10, v6;
	v10 =	vld [tilespmem:s3+$0xFFFFFF10]  }
0x427: {  	[tilespmem:s3+$0xFFFFFEB0] =	vst v7;
	v7 =	vmul.f32 v11, v6;
	v11 =	vld [tilespmem:s3+$0xFFFFFF20]  }
0x428: {  	[tilespmem:s3+$0xFFFFFEC0] =	vst v9;
	v9 =	vmul.f32 v12, v6;
	v12 =	vld [tilespmem:s3+$0xFFFFFF30]  }
0x429: {  	[tilespmem:s3+$0xFFFFFED0] =	vst v7;
	v6 =	vmul.f32 v13, v6;
	v7 =	vld [tilespmem:s3+$0xFFFFFF40]  }
0x42a: {  	[tilespmem:s3+$0xFFFFFEE0] =	vst v9;
	v9 =	vmul.f32 v14, v8;
	v13 =	vld [tilespmem:s3+$0xFFFFFF50]  }
0x42b: {  	[tilespmem:s3+$0xFFFFFEF0] =	vst v6;
	v6 =	vmul.f32 v10, v8;
	v10 =	vld [tilespmem:s3+$0xFFFFFF60]  }
0x42c: {  	[tilespmem:s3+$0xFFFFFF00] =	vst v9;
	v9 =	vmul.f32 v11, v8;
	v11 =	vld [tilespmem:s3+$0xFFFFFF70]  }
0x42d: {  	[tilespmem:s3+$0xFFFFFF10] =	vst v6;
	v6 =	vmul.f32 v12, v8;
	v12 =	vld [tilespmem:s3+$0xFFFFFF80]  }
0x42e: {  	[tilespmem:s3+$0xFFFFFF20] =	vst v9;
	v7 =	vmul.f32 v7, v8;
	v9 =	vld [tilespmem:s3+$0xFFFFFF90]  }
0x42f: {  	[tilespmem:s3+$0xFFFFFF30] =	vst v6;
	v6 =	vmul.f32 v13, v8;
	v13 =	vld [tilespmem:s3+$0xFFFFFFA0]  }
0x430: {  	[tilespmem:s3+$0xFFFFFF40] =	vst v7;
	v7 =	vmul.f32 v10, v8;
	v10 =	vld [tilespmem:s3+$0xFFFFFFB0]  }
0x431: {  	[tilespmem:s3+$0xFFFFFF50] =	vst v6;
	v6 =	vmul.f32 v11, v8;
	v8 =	vld [tilespmem:s3+$0xFFFFFFC0]  }
0x432: {  	[tilespmem:s3+$0xFFFFFF60] =	vst v7;
	v7 =	vmul.f32 v12, v5;
	v11 =	vld [tilespmem:s3+$0xFFFFFFD0]  }
0x433: {  	[tilespmem:s3+$0xFFFFFF70] =	vst v6;
	v6 =	vmul.f32 v9, v5;
	v9 =	vld [tilespmem:s3+$0xFFFFFFE0]  }
0x434: {  	[tilespmem:s3+$0xFFFFFF80] =	vst v7;
	v7 =	vmul.f32 v13, v5;
	v12 =	vld [tilespmem:s3+$0xFFFFFFF0]  }
0x435: {  	[tilespmem:s3+$0xFFFFFF90] =	vst v6;
	v6 =	vmul.f32 v10, v5;
	v10 =	vld [tilespmem:s3+$0x0]  }
0x436: {  	[tilespmem:s3+$0xFFFFFFA0] =	vst v7;
	v7 =	vmul.f32 v8, v5;
	v8 =	vld [tilespmem:s3+$0x10]  }
0x437: {  	[tilespmem:s3+$0xFFFFFFB0] =	vst v6;
	v6 =	vmul.f32 v11, v5;
	v11 =	vld [tilespmem:s3+$0x20]  }
0x438: {  	[tilespmem:s3+$0xFFFFFFC0] =	vst v7;
	v7 =	vmul.f32 v9, v5;
	v9 =	vld [tilespmem:s3+$0x30]  }
0x439: {  	[tilespmem:s3+$0xFFFFFFD0] =	vst v6;
	v5 =	vmul.f32 v12, v5;
	v6 =	vld [tilespmem:s3+$0x40]  }
0x43a: {  	[tilespmem:s3+$0xFFFFFFE0] =	vst v7;
	v7 =	vmul.f32 v10, v4;
	v10 =	vld [tilespmem:s3+$0x50]  }
0x43b: {  	[tilespmem:s3+$0xFFFFFFF0] =	vst v5;
	v5 =	vmul.f32 v8, v4;
	v8 =	vld [tilespmem:s3+$0x60]  }
0x43c: {  	[tilespmem:s3+$0x0] =	vst v7;
	v7 =	vmul.f32 v11, v4;
	v11 =	vld [tilespmem:s3+$0x70]  }
0x43d: {  	[tilespmem:s3+$0x10] =	vst v5;
	v5 =	vmul.f32 v9, v4;
	v9 =	vld [tilespmem:s3+$0x80]  }
0x43e: {  	[tilespmem:s3+$0x20] =	vst v7;
	v6 =	vmul.f32 v6, v4;
	v7 =	vld [tilespmem:s3+$0x90]  }
0x43f: {  	[tilespmem:s3+$0x30] =	vst v5;
	v5 =	vmul.f32 v10, v4;
	v10 =	vld [tilespmem:s3+$0xA0]  }
0x440: {  	[tilespmem:s3+$0x40] =	vst v6;
	v6 =	vmul.f32 v8, v4;
	v8 =	vld [tilespmem:s3+$0xB0]  }
0x441: {  	[tilespmem:s3+$0x50] =	vst v5;
	v4 =	vmul.f32 v11, v4;
	v5 =	vld [tilespmem:s3+$0xC0]  }
0x442: {  	[tilespmem:s3+$0x60] =	vst v6;
	v6 =	vmul.f32 v9, v3;
	v9 =	vld [tilespmem:s3+$0xD0]  }
0x443: {  	[tilespmem:s3+$0x70] =	vst v4;
	v4 =	vmul.f32 v7, v3;
	v7 =	vld [tilespmem:s3+$0xE0]  }
0x444: {  	[tilespmem:s3+$0x80] =	vst v6;
	v6 =	vmul.f32 v10, v3;
	v10 =	vld [tilespmem:s3+$0xF0]  }
0x445: {  	[tilespmem:s3+$0x90] =	vst v4;
	v4 =	vmul.f32 v8, v3;
	v8 =	vld [tilespmem:s3+$0x100]  }
0x446: {  	[tilespmem:s3+$0xA0] =	vst v6;
	v5 =	vmul.f32 v5, v3;
	v6 =	vld [tilespmem:s3+$0x110]  }
0x447: {  	[tilespmem:s3+$0xB0] =	vst v4;
	v4 =	vmul.f32 v9, v3;
	v9 =	vld [tilespmem:s3+$0x120]  }
0x448: {  	[tilespmem:s3+$0xC0] =	vst v5;
	v5 =	vmul.f32 v7, v3;
	v7 =	vld [tilespmem:s3+$0x130]  }
0x449: {  	[tilespmem:s3+$0xD0] =	vst v4;
	v4 =	vmul.f32 v10, v3;
	v10 =	vld [tilespmem:s3+$0x140]  }
0x44a: {  	s7 =	sadd.s32 $0x7, s16;
	v3 =	vmov s16;
	[tilespmem:s3+$0xE0] =	vst v5;
	v5 =	vmul.f32 v8, v2;
	v8 =	vld [tilespmem:s3+$0x150]  }
0x44b: {  	s17 =	sadd.s32 $0x1, s16;
	s20 =	sadd.s32 $0x2, s16;
	v11 =	vand.u32 $0xFFFFFFF8, v3;
	v3 =	vmov s7;
	[tilespmem:s3+$0xF0] =	vst v4;
	v4 =	vmul.f32 v6, v2;
	v12 =	vld [tilespmem:s3+$0x160]  }
0x44c: {  	v14 =	vmov s20;
	v13 =	vmov s17;
	s17 =	sadd.s32 $0x4, s16;
	s7 =	sadd.s32 $0x3, s16;
	[tilespmem:s3+$0x100] =	vst v5;
	v5 =	vmul.f32 v9, v2;
	v9 =	vld [tilespmem:s3+$0x180]  }
0x44d: {  	v16 =	vmov s17;
	v15 =	vmov s7;
	s7 =	sadd.s32 $0x5, s16;
	[tilespmem:s3+$0x110] =	vst v4;
	v7 =	vmul.f32 v7, v2;
	v17 =	vld [tilespmem:s3+$0x190]  }
.Ltmp6:
0x44e: {  	v4 =	vbroadcast v11, $0x0;
	v11 =	vmov s7;
	[tilespmem:s3+$0x120] =	vst v5;
	v10 =	vmul.f32 v10, v2;
	v6 =	vld [tilespmem:s3+$0x1A0];
	(pc) =	sbr.rel @p1 .LBB2_14-.Ltmp6, $4  }
0x44f: {  	v5 =	vand.u32 $0xFFFFFFF9, v13;
	v13 =	vand.u32 $0xFFFFFFFA, v14;
	[tilespmem:s3+$0x130] =	vst v7;
	v14 =	vmul.f32 v8, v2;
	v7 =	vld [tilespmem:s3+$0x1B0]  }
0x450: {  	v18 =	vand.u32 $0xFFFFFFFB, v15;
	v5 =	vbroadcast v5, $0x0;
	[tilespmem:s3+$0x140] =	vst v10;
	v19 =	vmul.f32 v12, v2;
	v8 =	vld [tilespmem:s3+$0x1C0]  }
0x451: {  	v10 =	vbroadcast v13, $0x0;
	v2 =	vand.u32 $0xFFFFFFFC, v16;
	[tilespmem:s3+$0x150] =	vst v14;
	v15 =	vmul.f32 v9, v1;
	v9 =	vld [tilespmem:s3+$0x1D0]  }
0x452: {  	s17 =	sadd.s32 $0x6, s16;
	s16 =	sadd.s32 $0x8, s16;
	v12 =	vbroadcast v18, $0x0;
	v14 =	vand.u32 $0xFFFFFFFD, v11;
	[tilespmem:s3+$0x160] =	vst v19;
	v13 =	vmul.f32 v17, v1;
	v11 =	vld [tilespmem:s3+$0x1E0]  }
0x453: {  	_ =	sdelay $0x2  }
0x454: {  	v16 =	vld [tilespmem:s3+$0x1F0]  }
0x455: {  	v18 =	vld.idx.msk [tilespmem:v4+s22+$0x0], $0xffff  }
0x456: {  	v23 =	vld.idx.msk [tilespmem:v5+s22+$0x0], $0xffff  }
0x457: {  	v22 =	vbroadcast v2, $0x0;
	v2 =	vmov s17;
	v10 =	vld.idx.msk [tilespmem:v10+s22+$0x0], $0xffff  }
0x458: {  	v17 =	vand.u32 $0xFFFFFFFE, v2;
	v2 =	vld.idx.msk [tilespmem:v3+s22+$0x0], $0xffff  }
0x459: {  	s16 =	sadd.s32 $0x400, s3;
	v12 =	vld.idx.msk [tilespmem:v12+s22+$0x0], $0xffff  }
0x45a: {  	v24 =	vld [tilespmem:s16+$0x170]  }
0x45b: {  	v26 =	vld [tilespmem:s16+$0xFFFFFE00]  }
0x45c: {  	v28 =	vld [tilespmem:s16+$0xFFFFFE10]  }
0x45d: {  	[tilespmem:s3+$0x180] =	vst v15;
	v6 =	vmul.f32 v6, v1;
	v30 =	vld [tilespmem:s16+$0xFFFFFE20]  }
0x45e: {  	[tilespmem:s3+$0x190] =	vst v13;
	v7 =	vmul.f32 v7, v1;
	v31 =	vld [tilespmem:s16+$0xFFFFFE30]  }
0x45f: {  	v32 =	vld [tilespmem:s16+$0xFFFFFE40];
	[tilespmem:s3+$0x1A0] =	vst v6;
	v25 =	vmul.f32 v8, v1  }
0x460: {  	v33 =	vld [tilespmem:s16+$0xFFFFFE50];
	[tilespmem:s3+$0x1B0] =	vst v7;
	v27 =	vmul.f32 v9, v1  }
0x461: {  	v34 =	vld [tilespmem:s16+$0xFFFFFE60];
	[tilespmem:s3+$0x1C0] =	vst v25;
	v29 =	vmul.f32 v11, v1  }
0x462: {  	v35 =	vld [tilespmem:s16+$0xFFFFFE70];
	[tilespmem:s3+$0x1D0] =	vst v27;
	v1 =	vmul.f32 v16, v1  }
0x463: {  	v36 =	vld [tilespmem:s16+$0xFFFFFE80];
	[tilespmem:s3+$0x1E0] =	vst v29;
	v9 =	vmul.f32 v28, v18  }
0x464: {  	v37 =	vld [tilespmem:s16+$0xFFFFFE90];
	[tilespmem:s3+$0x1F0] =	vst v1;
	v1 =	vmul.f32 v26, v18  }
0x465: {  	v39 =	vld [tilespmem:s16+$0xFFFFFEA0];
	v7 =	vmul.f32 v31, v18;
	[tilespmem:s16+$0xFFFFFE10] =	vst v9  }
0x466: {  	v40 =	vld [tilespmem:s16+$0xFFFFFEB0];
	[tilespmem:s16+$0xFFFFFE00] =	vst v1;
	v1 =	vmul.f32 v30, v18  }
0x467: {  	v42 =	vld [tilespmem:s16+$0xFFFFFEC0];
	v38 =	vmul.f32 v33, v18;
	[tilespmem:s16+$0xFFFFFE30] =	vst v7  }
0x468: {  	v43 =	vld [tilespmem:s16+$0xFFFFFED0];
	[tilespmem:s16+$0xFFFFFE20] =	vst v1;
	v1 =	vmul.f32 v32, v18  }
0x469: {  	v44 =	vld [tilespmem:s16+$0xFFFFFEE0];
	v41 =	vmul.f32 v35, v18;
	[tilespmem:s16+$0xFFFFFE50] =	vst v38  }
0x46a: {  	v45 =	vld [tilespmem:s16+$0xFFFFFEF0];
	[tilespmem:s16+$0xFFFFFE40] =	vst v1;
	v1 =	vmul.f32 v34, v18  }
0x46b: {  	v47 =	vld [tilespmem:s16+$0xFFFFFF00];
	v6 =	vmul.f32 v37, v23;
	[tilespmem:s16+$0xFFFFFE70] =	vst v41  }
0x46c: {  	v48 =	vld [tilespmem:s16+$0xFFFFFF10];
	[tilespmem:s16+$0xFFFFFE60] =	vst v1;
	v1 =	vmul.f32 v36, v23  }
0x46d: {  	v50 =	vld [tilespmem:s16+$0xFFFFFF20];
	v46 =	vmul.f32 v40, v23;
	[tilespmem:s16+$0xFFFFFE90] =	vst v6  }
0x46e: {  	v51 =	vld [tilespmem:s16+$0xFFFFFF30];
	[tilespmem:s16+$0xFFFFFE80] =	vst v1;
	v1 =	vmul.f32 v39, v23  }
0x46f: {  	v53 =	vld [tilespmem:s16+$0xFFFFFF40];
	v49 =	vmul.f32 v43, v23;
	[tilespmem:s16+$0xFFFFFEB0] =	vst v46  }
0x470: {  	v54 =	vld [tilespmem:s16+$0xFFFFFF50];
	[tilespmem:s16+$0xFFFFFEA0] =	vst v1;
	v1 =	vmul.f32 v42, v23  }
0x471: {  	v56 =	vld [tilespmem:s16+$0xFFFFFF60];
	v52 =	vmul.f32 v45, v23;
	[tilespmem:s16+$0xFFFFFED0] =	vst v49  }
0x472: {  	v57 =	vld [tilespmem:s16+$0xFFFFFF70];
	[tilespmem:s16+$0xFFFFFEC0] =	vst v1;
	v1 =	vmul.f32 v44, v23  }
0x473: {  	v14 =	vbroadcast v14, $0x0;
	v59 =	vld [tilespmem:s16+$0xFFFFFF80];
	v55 =	vmul.f32 v48, v10;
	[tilespmem:s16+$0xFFFFFEF0] =	vst v52  }
0x474: {  	v60 =	vld [tilespmem:s16+$0xFFFFFF90];
	[tilespmem:s16+$0xFFFFFEE0] =	vst v1;
	v1 =	vmul.f32 v47, v10  }
0x475: {  	v62 =	vld [tilespmem:s16+$0xFFFFFFA0];
	v58 =	vmul.f32 v51, v10;
	[tilespmem:s16+$0xFFFFFF10] =	vst v55  }
0x476: {  	v63 =	vld [tilespmem:s16+$0xFFFFFFB0];
	v3 =	vbroadcast v17, $0x0;
	[tilespmem:s16+$0xFFFFFF00] =	vst v1;
	v1 =	vmul.f32 v50, v10  }
0x477: {  	v15 =	vld [tilespmem:s16+$0xFFFFFFC0];
	v61 =	vmul.f32 v54, v10;
	[tilespmem:s16+$0xFFFFFF30] =	vst v58  }
0x478: {  	v19 =	vld [tilespmem:s16+$0xFFFFFFF0];
	[tilespmem:s16+$0xFFFFFF20] =	vst v1;
	v1 =	vmul.f32 v53, v10  }
0x479: {  	v4 =	vld.idx.msk [tilespmem:v14+s22+$0x0], $0xffff;
	v14 =	vmul.f32 v57, v10;
	[tilespmem:s16+$0xFFFFFF50] =	vst v61  }
0x47a: {  	v5 =	vld.idx.msk [tilespmem:v22+s22+$0x0], $0xffff;
	[tilespmem:s16+$0xFFFFFF40] =	vst v1;
	v1 =	vmul.f32 v56, v10  }
0x47b: {  	v17 =	vmul.f32 v60, v12;
	v22 =	vld [tilespmem:s16+$0x10];
	[tilespmem:s16+$0xFFFFFF70] =	vst v14  }
0x47c: {  	v3 =	vld.idx.msk [tilespmem:v3+s22+$0x0], $0xffff;
	[tilespmem:s16+$0xFFFFFF60] =	vst v1;
	v1 =	vmul.f32 v59, v12  }
0x47d: {  	v20 =	vmul.f32 v63, v12;
	[tilespmem:s16+$0xFFFFFF90] =	vst v17;
	v18 =	vld [tilespmem:s16+$0xFFFFFFE0]  }
0x47e: {  	v25 =	vld [tilespmem:s16+$0x30];
	[tilespmem:s16+$0xFFFFFF80] =	vst v1;
	v1 =	vmul.f32 v62, v12  }
0x47f: {  	v21 =	vld [tilespmem:s16+$0x0];
	v26 =	vmul.f32 v19, v12;
	[tilespmem:s16+$0xFFFFFFB0] =	vst v20  }
0x480: {  	v28 =	vld [tilespmem:s16+$0x50];
	[tilespmem:s16+$0xFFFFFFA0] =	vst v1;
	v1 =	vmul.f32 v15, v12  }
0x481: {  	[tilespmem:s16+$0xFFFFFFF0] =	vst v26;
	v29 =	vmul.f32 v22, v5;
	v13 =	vmul.f32 v24, v3;
	v24 =	vld [tilespmem:s16+$0x20]  }
0x482: {  	v37 =	vld [tilespmem:s16+$0xB0];
	[tilespmem:s16+$0xFFFFFFC0] =	vst v1;
	v1 =	vmul.f32 v18, v12  }
0x483: {  	v27 =	vld [tilespmem:s16+$0x40];
	v32 =	vmul.f32 v25, v5;
	[tilespmem:s16+$0x10] =	vst v29  }
0x484: {  	[tilespmem:s16+$0xFFFFFFE0] =	vst v1;
	v1 =	vmul.f32 v21, v5  }
0x485: {  	v30 =	vld [tilespmem:s16+$0x60];
	v35 =	vmul.f32 v28, v5;
	[tilespmem:s16+$0x30] =	vst v32  }
0x486: {  	v45 =	vld [tilespmem:s16+$0x110];
	[tilespmem:s16+$0x0] =	vst v1;
	v1 =	vmul.f32 v24, v5  }
0x487: {  	v33 =	vld [tilespmem:s16+$0x80];
	v43 =	vmul.f32 v37, v4;
	[tilespmem:s16+$0x50] =	vst v35  }
0x488: {  	v48 =	vld [tilespmem:s16+$0x130];
	[tilespmem:s16+$0x20] =	vst v1;
	v1 =	vmul.f32 v27, v5  }
0x489: {  	[tilespmem:s16+$0xB0] =	vst v43;
	v36 =	vld [tilespmem:s16+$0xA0]  }
0x48a: {  	v34 =	vld [tilespmem:s16+$0x90];
	[tilespmem:s16+$0x40] =	vst v1;
	v1 =	vmul.f32 v30, v5  }
0x48b: {  	v38 =	vld [tilespmem:s16+$0xC0];
	v51 =	vmul.f32 v45, v3;
	[tilespmem:s16+$0x170] =	vst v13  }
0x48c: {  	v16 =	vld [tilespmem:s16+$0xFFFFFFD0];
	[tilespmem:s16+$0x60] =	vst v1;
	v1 =	vmul.f32 v33, v4  }
0x48d: {  	v41 =	vld [tilespmem:s16+$0xE0];
	v54 =	vmul.f32 v48, v3;
	[tilespmem:s16+$0x110] =	vst v51  }
0x48e: {  	v39 =	vld [tilespmem:s16+$0xD0];
	[tilespmem:s16+$0x80] =	vst v1;
	v1 =	vmul.f32 v36, v4  }
0x48f: {  	[tilespmem:s16+$0x130] =	vst v54;
	v40 =	vmul.f32 v34, v4;
	v44 =	vld [tilespmem:s16+$0x100]  }
0x490: {  	v50 =	vld [tilespmem:s16+$0x150];
	[tilespmem:s16+$0xA0] =	vst v1;
	v1 =	vmul.f32 v38, v4  }
0x491: {  	[tilespmem:s16+$0x90] =	vst v40;
	v23 =	vmul.f32 v16, v12;
	v47 =	vld [tilespmem:s16+$0x120]  }
0x492: {  	v53 =	vld [tilespmem:s16+$0x180];
	[tilespmem:s16+$0xC0] =	vst v1;
	v1 =	vmul.f32 v41, v4  }
0x493: {  	v49 =	vld [tilespmem:s16+$0x140];
	v46 =	vmul.f32 v39, v4;
	[tilespmem:s16+$0xFFFFFFD0] =	vst v23  }
0x494: {  	v56 =	vld [tilespmem:s16+$0x1A0];
	[tilespmem:s16+$0xE0] =	vst v1;
	v1 =	vmul.f32 v44, v3  }
0x495: {  	v52 =	vld [tilespmem:s16+$0x160];
	[tilespmem:s16+$0xD0] =	vst v46;
	v57 =	vmul.f32 v50, v3  }
0x496: {  	v31 =	vld [tilespmem:s16+$0x70];
	[tilespmem:s16+$0x100] =	vst v1;
	v1 =	vmul.f32 v47, v3  }
0x497: {  	v55 =	vld [tilespmem:s16+$0x190];
	[tilespmem:s16+$0x150] =	vst v57;
	v59 =	vmul.f32 v53, v2  }
0x498: {  	v42 =	vld [tilespmem:s16+$0xF0];
	[tilespmem:s16+$0x120] =	vst v1;
	v1 =	vmul.f32 v49, v3  }
0x499: {  	v58 =	vld [tilespmem:s16+$0x1B0];
	[tilespmem:s16+$0x180] =	vst v59;
	v62 =	vmul.f32 v56, v2  }
0x49a: {  	[tilespmem:s16+$0x140] =	vst v1;
	v1 =	vmul.f32 v52, v3;
	v3 =	vld [tilespmem:s16+$0x1C0]  }
0x49b: {  	v60 =	vld [tilespmem:s16+$0x1D0];
	[tilespmem:s16+$0x1A0] =	vst v62;
	v5 =	vmul.f32 v31, v5  }
0x49c: {  	v61 =	vld [tilespmem:s16+$0x1E0];
	[tilespmem:s16+$0x160] =	vst v1;
	v1 =	vmul.f32 v55, v2  }
0x49d: {  	v63 =	vld [tilespmem:s16+$0x1F0];
	[tilespmem:s16+$0x70] =	vst v5;
	v4 =	vmul.f32 v42, v4  }
0x49e: {  	[tilespmem:s16+$0x190] =	vst v1;
	v1 =	vmul.f32 v58, v2  }
0x49f: {  	s5 =	sadd.s32 $0x1, s5;
	[tilespmem:s16+$0xF0] =	vst v4;
	v3 =	vmul.f32 v3, v2  }
0x4a0: {  	p1 =	sne.s32 s5, $0x48;
	[tilespmem:s16+$0x1B0] =	vst v1;
	v1 =	vmul.f32 v60, v2  }
.Ltmp7:
0x4a1: {  	[tilespmem:s16+$0x1C0] =	vst v3;
	v3 =	vmul.f32 v61, v2;
	(pc) =	sbr.rel @p1 .LBB2_6-.Ltmp7, $4  }
0x4a2: {  	[tilespmem:s16+$0x1D0] =	vst v1;
	v1 =	vmul.f32 v63, v2  }
0x4a3: {  	[tilespmem:s16+$0x1E0] =	vst v3  }
0x4a4: {  	s24 =	simm.s32 $0x1B300;
	[tilespmem:s16+$0x1F0] =	vst v1  }
0x4a5: {  	[spmem:s2] =	stream.indirect.scatter.add.f32 [tilespmem:s12], [sflag:$0x9], $0x80, s24, s4, $0xb8;
	[tilespmem:$0x1FD00] =	vst v63  }
0x4a6: {  	s3 =	simm.s32 $0x7  }
0x4a7: {  	_ =	swait.ge [sflag:s3], $0x1800  }
0x4a8: {  	[sflag:s3] =	ssyncset.done $0x0  }
0x4a9: {  	[sflag:s3] =	ssyncadd.s32 $0xFFFFE800  }
0x4aa: {  	_ =	swait.ge [sflag:s0], $0x1800  }
0x4ab: {  	[sflag:s0] =	ssyncset.done $0x0  }
0x4ac: {  	[sflag:s0] =	ssyncadd.s32 $0xFFFFE800  }
0x4ad: {  	_ =	swait.ge [sflag:s9], $0x1800  }
0x4ae: {  	[sflag:s9] =	ssyncset.done $0x0  }
0x4af: {  	[sflag:s9] =	ssyncadd.s32 $0xFFFFE800  }
0x4b0: {  	[bflag:$0x0] =	sbarrier.arrive $0xFFFF  }
0x4b1: {  	s7 =	simm.s32 $0x0;
	s5 =	rddreg [dreg:$0x1c]  }
0x4b2: {  	[hbm4b:s5+s7] =	stream.linear.scatter [tilespmem:s31], [sflag:$0xA], $0x2780, $0x38;
	[tilespmem:$0x1FD00] =	vst v63  }
0x4b3: {  	s16 =	stileid.u32;
	_ =	swait.ge [sflag:s26], $0x2780  }
0x4b4: {  	s3 =	sshll.u32 s16, $0x6;
	[sflag:s26] =	ssyncset.done $0x0;
	s17 =	rddreg [dreg:$0x4]  }
0x4b5: {  	s3 =	sor.u32 $0x1C0A, s3;
	s7 =	rddreg [dreg:$0x1e];
	[sflag:s26] =	ssyncadd.s32 $0xFFFFD880  }
0x4b6: {  	[hbm:s17], [sflag:s3] =	dma.local [spmem:s7], $0x500  }
0x4b7: {  	_ =	swait.ge [sflag:s26], $0x500  }
0x4b8: {  	[sflag:s26] =	ssyncset.done $0x0;
	s20 =	rddreg [dreg:$0x5]  }
0x4b9: {  	s24 =	rddreg [dreg:$0x1f];
	[sflag:s26] =	ssyncadd.s32 $0xFFFFFB00  }
0x4ba: {  	[hbm:s20], [sflag:s3] =	dma.local [spmem:s24], $0x500  }
0x4bb: {  	_ =	swait.ge [sflag:s26], $0x500  }
0x4bc: {  	s17 =	sld [smem:$0x7F1]  }
0x4bd: {  	[sflag:s26] =	ssyncset.done $0x0  }
0x4be: {  	s16 =	rddreg [dreg:$0x6];
	[sflag:s26] =	ssyncadd.s32 $0xFFFFFB00  }
0x4bf: {  	[hbm:s16], [sflag:s3] =	dma.local [spmem:s17], $0x500  }
0x4c0: {  	_ =	swait.ge [sflag:s26], $0x500  }
0x4c1: {  	s24 =	sld [smem:$0x7F2]  }
0x4c2: {  	[sflag:s26] =	ssyncset.done $0x0  }
0x4c3: {  	s20 =	rddreg [dreg:$0x7];
	[sflag:s26] =	ssyncadd.s32 $0xFFFFFB00  }
0x4c4: {  	[hbm:s20], [sflag:s3] =	dma.local [spmem:s24], $0x500  }
0x4c5: {  	_ =	swait.ge [sflag:s26], $0x500  }
0x4c6: {  	s17 =	sld [smem:$0x7F3]  }
0x4c7: {  	[sflag:s26] =	ssyncset.done $0x0  }
0x4c8: {  	s16 =	rddreg [dreg:$0x8];
	[sflag:s26] =	ssyncadd.s32 $0xFFFFFB00  }
0x4c9: {  	[hbm:s16], [sflag:s3] =	dma.local [spmem:s17], $0x500  }
0x4ca: {  	_ =	swait.ge [sflag:s26], $0x500  }
0x4cb: {  	s24 =	sld [smem:$0x7F4]  }
0x4cc: {  	[sflag:s26] =	ssyncset.done $0x0  }
0x4cd: {  	s20 =	rddreg [dreg:$0x9];
	[sflag:s26] =	ssyncadd.s32 $0xFFFFFB00  }
0x4ce: {  	[hbm:s20], [sflag:s3] =	dma.local [spmem:s24], $0x500  }
0x4cf: {  	_ =	swait.ge [sflag:s26], $0x500  }
0x4d0: {  	s17 =	sld [smem:$0x7F5]  }
0x4d1: {  	[sflag:s26] =	ssyncset.done $0x0  }
0x4d2: {  	s16 =	rddreg [dreg:$0xa];
	[sflag:s26] =	ssyncadd.s32 $0xFFFFFB00  }
0x4d3: {  	[hbm:s16], [sflag:s3] =	dma.local [spmem:s17], $0x500  }
0x4d4: {  	_ =	swait.ge [sflag:s26], $0x500  }
0x4d5: {  	s7 =	sld [smem:$0x7F6]  }
0x4d6: {  	[sflag:s26] =	ssyncset.done $0x0  }
0x4d7: {  	s5 =	rddreg [dreg:$0xb];
	[sflag:s26] =	ssyncadd.s32 $0xFFFFFB00  }
0x4d8: {  	[hbm:s5], [sflag:s3] =	dma.local @!p6 [spmem:s7], $0x500  }
0x4d9: {  	s3 =	simm.s32 @!p6 $0xA  }
0x4da: {  	_ =	swait.ge @!p6 [sflag:s3], $0x500  }
0x4db: {  	s20 =	sld [smem:$0x7ED];
	_ =	sdelay $0x2  }
0x4dc: {  	s24 =	rddreg [dreg:$0x1d];
	s7 =	sadd.s32 $0x1, s20  }
0x4dd: {  	p1 =	sne.s32 s7, s24  }
.Ltmp8:
0x4de: {  	_ = 	snop;
	(pc) =	sbr.rel @p1 .LBB2_1-.Ltmp8, $3  }
0x4df: {  	_ =	sdelay $0x1  }
0x4e0: {  	[sflag:s3] =	ssyncset.done @!p6 $0x0  }
0x4e1: {  	[sflag:s3] =	ssyncadd.s32 @!p6 $0xFFFFFB00  }
0x4e2: {  	_ =	sfence.sel $0x180000  }
0x4e3: {  	[bflag:$0x0] =	sbarrier.arrive $0xFFFF  }
0x4e4: {  	_ =	strace $0x90000047  }
0x4e5: {  	[bflag:$0x2] =	sbarrier.arrive $0xFFFF  }
0x4e6: {  	s0 =	rddreg [dreg:$0x3]  }
0x4e7: {  	s0 =	sadd.s32 @!p0 $0x100000, s0  }
0x4e8: {  	[sflag:s0] =	ssyncadd.tile.s32 @!p0 $0x1;
	_ =	shalt  }
.Lfunc_end2:
_tile_overlayer_lowered:
.L_overlay_start_2:
0x4e9: {  	(tag) =	ssettag $0x2  }
0x4ea: {  	s0 =	rddreg [dreg:$0x0];
	s2 =	stileid.u32  }
0x4eb: {  	s1 =	rddreg [dreg:$0x1];
	p0 =	sne.s32 s2, $0x0  }
0x4ec: {  	s3 =	rddreg [dreg:$0x2];
	[bflag:$0x3] =	sbarrier.arrive $0xFFFF;
	s2 =	simm.s32 @!p0 $0x1C0A  }
0x4ed: {  	[timem:s3], [sflag:s2] =	dma.local @!p0 [hbm:s0], s1  }
0x4ee: {  	s0 =	simm.s32 @!p0 $0xA  }
0x4ef: {  	_ =	swait.ge @!p0 [sflag:s0], s1  }
0x4f0: {  	s1 =	ssub.s32 @!p0 $0x0, s1;
	[sflag:s0] =	ssyncset.done @!p0 $0x0  }
0x4f1: {  	[sflag:s0] =	ssyncadd.s32 @!p0 s1  }
0x4f2: {  	[bflag:$0x3] =	sbarrier.arrive $0xFFFF  }
0x4f3: {  	_ =	shalt  }

</sc_bundles>
